<compile_context>
chip_gen: v7x
topology: tpu7x:2x2x1
jax: 0.10.2.dev20260603
libtpu: 0.0.44.dev20260713+nightly
codegen_flags: <defaults>
</compile_context>

<pallas_src>
import jax
import jax.numpy as jnp
from jax import lax
from jax.experimental import pallas as pl
from jax.experimental.pallas import tpu as pltpu
from jax.experimental.pallas import tpu_sc as plsc

NC, NS, L = 2, 16, 16
NW = NC * NS
B, S, D = 1024, 200, 128
SEQ_PER_W = B // NW
NBUF = 3
NGRP = (SEQ_PER_W + NBUF - 1) // NBUF


def _body(tok_hbm, idx_hbm, pos_hbm, out_hbm, pos_v, idx_v, rows_v, gsem, osem):
  wid = lax.axis_index("s") * NC + lax.axis_index("c")
  wbase = wid * (SEQ_PER_W * S)

  idx_cp = pltpu.make_async_copy(
      idx_hbm.at[pl.ds(wbase, SEQ_PER_W * S)], idx_v, osem.at[0])
  pos_cp = pltpu.make_async_copy(pos_hbm, pos_v, osem.at[1])
  idx_cp.start()
  pos_cp.start()
  idx_cp.wait()

  def gather_desc(k, b):
    return pltpu.make_async_copy(
        tok_hbm.at[idx_v.at[pl.ds(k * S, S)]], rows_v.at[b], gsem.at[b])

  def scatter_desc(k, b):
    return pltpu.make_async_copy(
        rows_v.at[b], out_hbm.at[pl.ds(wbase + k * S, S)], osem.at[b])

  gather_desc(0, 0).start()
  gather_desc(1, 1).start()
  pos_cp.wait()

  def group(t, carry):
    for i in range(NBUF):
      k = t * NBUF + i

      @pl.when(k < SEQ_PER_W - 1)
      def _slot():
        gather_desc(k, i).wait()

        def row_body(r2, c):
          for u in range(2):
            r = r2 * 2 + u
            for j in range(D // L):
              sl = pl.ds(j * L, L)
              plsc.addupdate(rows_v.at[i, r, sl], pos_v[r, sl])
          return c

        lax.fori_loop(0, S // 2, row_body, 0)

        scatter_desc(k, i).start()

        bn = (i + 2) % NBUF

        @pl.when(k + 2 < SEQ_PER_W)
        def _fire_ahead():
          @pl.when(k >= 1)
          def _drain():
            scatter_desc(k - 1, bn).wait()

          gather_desc(k + 2, bn).start()

    return carry

  lax.fori_loop(0, NGRP, group, 0)

  K = SEQ_PER_W - 1
  bL = K % NBUF
  P = 5
  CP = S // P

  def piece_desc(p):
    return pltpu.make_async_copy(
        rows_v.at[bL, pl.ds(p * CP, CP)],
        out_hbm.at[pl.ds(wbase + K * S + p * CP, CP)],
        osem.at[bL])

  gather_desc(K, bL).wait()
  for p in range(P):
    def row_body(r2, c, p=p):
      for u in range(2):
        r = p * CP + r2 * 2 + u
        for j in range(D // L):
          sl = pl.ds(j * L, L)
          plsc.addupdate(rows_v.at[bL, r, sl], pos_v[r, sl])
      return c

    lax.fori_loop(0, CP // 2, row_body, 0)
    piece_desc(p).start()

  scatter_desc(SEQ_PER_W - 3, (SEQ_PER_W - 3) % NBUF).wait()
  scatter_desc(SEQ_PER_W - 2, (SEQ_PER_W - 2) % NBUF).wait()
  for p in range(P):
    piece_desc(p).wait()


@jax.jit
def _run(token_table, idx_flat, pos_table):
  mesh = plsc.VectorSubcoreMesh(
      core_axis_name="c", subcore_axis_name="s",
      num_cores=NC, num_subcores=NS)
  f = pl.kernel(
      _body,
      out_type=jax.ShapeDtypeStruct((B * S, D), jnp.float32),
      mesh=mesh,
      scratch_types=[
          pltpu.VMEM((S, D), jnp.float32),
          pltpu.VMEM((SEQ_PER_W * S,), jnp.int32),
          pltpu.VMEM((NBUF, S, D), jnp.float32),
          pltpu.SemaphoreType.DMA((NBUF,)),
          pltpu.SemaphoreType.DMA((NBUF,)),
      ],
  )
  return f(token_table, idx_flat, pos_table)


def kernel(inputs, token_table, pos_table):
  idx_flat = inputs.reshape(-1).astype(jnp.int32)
  out = _run(token_table, idx_flat, pos_table)
  return out.reshape(B, S, D)

# --- scband reference (transcript-rebuilt; emitter-appended) ---
"""Pipeline reference for scband-token-and-position-embedding-16286515986730 (READ-ONLY COPY).

The authoritative reference and input builder live on the scoring server;
editing this copy changes nothing except your own understanding.
"""

import jax, jax.numpy as jnp
import numpy as np

VOCAB = 100000
EMBED_DIM = 128
BATCH = 1024
SEQ = 200

def setup_inputs(seed: int = 0) -> dict:
    key = jax.random.key(seed)
    k1, k2, k3 = jax.random.split(key, 3)
    inputs = jax.random.randint(k1, (BATCH, SEQ), 0, VOCAB, dtype=jnp.int64)
    # keras 'uniform' initializer: U(-0.05, 0.05)
    token_table = jax.random.uniform(k2, (VOCAB, EMBED_DIM), minval=-0.05, maxval=0.05, dtype=jnp.float32)
    pos_table = jax.random.uniform(k3, (SEQ, EMBED_DIM), minval=-0.05, maxval=0.05, dtype=jnp.float32)
    return {"inputs": inputs, "token_table": token_table, "pos_table": pos_table}

def reference(inputs, token_table, pos_table):
    # token embedding: gather rows from the token table
    tok = jnp.take(token_table, inputs, axis=0)  # [B, S, D]
    # positional embedding: positions = arange(S), embedding lookup, broadcast add
    positions = jnp.arange(tok.shape[-2])
    pos = jnp.take(pos_table, positions, axis=0)  # [S, D]
    out = tok + jnp.broadcast_to(pos[None, :, :], tok.shape)
    # dropout rate is None -> no dropout
    return out

if __name__ == "__main__":
    import jax
    _d = setup_inputs()
    print(jax.jit(kernel)(*tuple(_d.values())))

</pallas_src>

<mosaic_0001>
#map = affine_map<(d0, d1) -> (0, 0)>
#map1 = affine_map<(d0, d1) -> (0)>
module attributes {stable_mosaic.version = 14 : i64} {
  func.func @_body(%arg0: i32, %arg1: i32, %arg2: memref<100000x128xf32, #tpu.memory_space<hbm>>, %arg3: memref<204800xi32, #tpu.memory_space<hbm>>, %arg4: memref<200x128xf32, #tpu.memory_space<hbm>>, %arg5: memref<204800x128xf32, #tpu.memory_space<hbm>>, %arg6: memref<200x128xf32, #tpu.memory_space<vmem>>, %arg7: memref<6400xi32, #tpu.memory_space<vmem>>, %arg8: memref<3x200x128xf32, #tpu.memory_space<vmem>>, %arg9: memref<3x!tpu.dma_semaphore, #tpu.memory_space<semaphore_mem>>, %arg10: memref<3x!tpu.dma_semaphore, #tpu.memory_space<semaphore_mem>>) attributes {dimension_semantics = [#tpu.dimension_semantics<core_parallel>, #tpu.dimension_semantics<subcore_parallel>], iteration_bounds = array<i64: 2, 16>, scalar_prefetch = 0 : i64, scratch_operands = 5 : i64, tpu.core_type = #tpu.core_type<sc_vector_subcore>, window_params = [{transform_indices = #map}, {transform_indices = #map1}, {transform_indices = #map}, {transform_indices = #map}]} {
    %mul3A = arith.constant 2 : i32
    %mul3A_0 = arith.muli %arg1, %mul3A : i32
    %add3A = arith.addi %mul3A_0, %arg0 : i32
    %mul3A_1 = arith.constant 6400 : i32
    %mul3A_2 = arith.muli %add3A, %mul3A_1 : i32
    %dma_start3A = arith.constant 0 : i32
    %dma_start3A_3 = tpu.memref_slice %arg3[%mul3A_2] : memref<204800xi32, #tpu.memory_space<hbm>> -> memref<6400xi32, #tpu.memory_space<hbm>>
    %dma_start3A_4 = tpu.memref_slice %arg10[%dma_start3A] : memref<3x!tpu.dma_semaphore, #tpu.memory_space<semaphore_mem>> -> memref<1x!tpu.dma_semaphore, #tpu.memory_space<semaphore_mem>>
    %dma_start3A_5 = tpu.memref_squeeze %dma_start3A_4 : memref<1x!tpu.dma_semaphore, #tpu.memory_space<semaphore_mem>> -> memref<!tpu.dma_semaphore, #tpu.memory_space<semaphore_mem>>
    %dma_start3A_6 = tpu.memref_slice %arg3[%mul3A_2] : memref<204800xi32, #tpu.memory_space<hbm>> -> memref<6400xi32, #tpu.memory_space<hbm>>
    tpu.enqueue_dma source(%dma_start3A_6 : memref<6400xi32, #tpu.memory_space<hbm>>) target(%arg7 : memref<6400xi32, #tpu.memory_space<vmem>>) target_semaphore(%dma_start3A_5 : memref<!tpu.dma_semaphore, #tpu.memory_space<semaphore_mem>>)
    %dma_start3A_7 = arith.constant 1 : i32
    %dma_start3A_8 = tpu.memref_slice %arg10[%dma_start3A_7] : memref<3x!tpu.dma_semaphore, #tpu.memory_space<semaphore_mem>> -> memref<1x!tpu.dma_semaphore, #tpu.memory_space<semaphore_mem>>
    %dma_start3A_9 = tpu.memref_squeeze %dma_start3A_8 : memref<1x!tpu.dma_semaphore, #tpu.memory_space<semaphore_mem>> -> memref<!tpu.dma_semaphore, #tpu.memory_space<semaphore_mem>>
    tpu.enqueue_dma source(%arg4 : memref<200x128xf32, #tpu.memory_space<hbm>>) target(%arg6 : memref<200x128xf32, #tpu.memory_space<vmem>>) target_semaphore(%dma_start3A_9 : memref<!tpu.dma_semaphore, #tpu.memory_space<semaphore_mem>>)
    %dma_wait3A = arith.constant 0 : i32
    %dma_wait3A_10 = tpu.memref_slice %arg3[%mul3A_2] : memref<204800xi32, #tpu.memory_space<hbm>> -> memref<6400xi32, #tpu.memory_space<hbm>>
    %dma_wait3A_11 = tpu.memref_slice %arg10[%dma_wait3A] : memref<3x!tpu.dma_semaphore, #tpu.memory_space<semaphore_mem>> -> memref<1x!tpu.dma_semaphore, #tpu.memory_space<semaphore_mem>>
    %dma_wait3A_12 = tpu.memref_squeeze %dma_wait3A_11 : memref<1x!tpu.dma_semaphore, #tpu.memory_space<semaphore_mem>> -> memref<!tpu.dma_semaphore, #tpu.memory_space<semaphore_mem>>
    %dma_wait3A_13 = tpu.memref_slice %arg3[%mul3A_2] : memref<204800xi32, #tpu.memory_space<hbm>> -> memref<6400xi32, #tpu.memory_space<hbm>>
    tpu.wait_dma2 semaphore(%dma_wait3A_12 : memref<!tpu.dma_semaphore, #tpu.memory_space<semaphore_mem>>) src(%dma_wait3A_13 : memref<6400xi32, #tpu.memory_space<hbm>>) dst(%arg7 : memref<6400xi32, #tpu.memory_space<vmem>>)
    %dma_start3A_14 = arith.constant 0 : i32
    %dma_start3A_15 = arith.constant 0 : i32
    %dma_start3A_16 = arith.constant 0 : i32
    %dma_start3A_17 = arith.constant 0 : i32
    %dma_start3A_18 = tpu.memref_slice %arg8[%dma_start3A_14, %dma_start3A_16, %dma_start3A_17] : memref<3x200x128xf32, #tpu.memory_space<vmem>> -> memref<1x200x128xf32, #tpu.memory_space<vmem>>
    %dma_start3A_19 = tpu.memref_squeeze %dma_start3A_18 : memref<1x200x128xf32, #tpu.memory_space<vmem>> -> memref<200x128xf32, #tpu.memory_space<vmem>>
    %dma_start3A_20 = arith.constant 0 : i32
    %dma_start3A_21 = tpu.memref_slice %arg7[%dma_start3A_20] : memref<6400xi32, #tpu.memory_space<vmem>> -> memref<200xi32, #tpu.memory_space<vmem>>
    %dma_start3A_22 = arith.constant 0 : i32
    %dma_start3A_23 = arith.constant 0 : i32
    %dma_start3A_24 = tpu.memref_slice %arg2[%dma_start3A_22, %dma_start3A_23] : memref<100000x128xf32, #tpu.memory_space<hbm>> -> memref<100000x128xf32, #tpu.memory_space<hbm>>
    %dma_start3A_25 = tpu.memref_slice %arg9[%dma_start3A_15] : memref<3x!tpu.dma_semaphore, #tpu.memory_space<semaphore_mem>> -> memref<1x!tpu.dma_semaphore, #tpu.memory_space<semaphore_mem>>
    %dma_start3A_26 = tpu.memref_squeeze %dma_start3A_25 : memref<1x!tpu.dma_semaphore, #tpu.memory_space<semaphore_mem>> -> memref<!tpu.dma_semaphore, #tpu.memory_space<semaphore_mem>>
    tpu.enqueue_indirect_dma source(%dma_start3A_24 : memref<100000x128xf32, #tpu.memory_space<hbm>>) target(%dma_start3A_19 : memref<200x128xf32, #tpu.memory_space<vmem>>) offsets(%dma_start3A_21 : memref<200xi32, #tpu.memory_space<vmem>>) semaphore(%dma_start3A_26 : memref<!tpu.dma_semaphore, #tpu.memory_space<semaphore_mem>>)
    %dma_start3A_27 = arith.constant 1 : i32
    %dma_start3A_28 = arith.constant 1 : i32
    %dma_start3A_29 = arith.constant 0 : i32
    %dma_start3A_30 = arith.constant 0 : i32
    %dma_start3A_31 = tpu.memref_slice %arg8[%dma_start3A_27, %dma_start3A_29, %dma_start3A_30] : memref<3x200x128xf32, #tpu.memory_space<vmem>> -> memref<1x200x128xf32, #tpu.memory_space<vmem>>
    %dma_start3A_32 = tpu.memref_squeeze %dma_start3A_31 : memref<1x200x128xf32, #tpu.memory_space<vmem>> -> memref<200x128xf32, #tpu.memory_space<vmem>>
    %dma_start3A_33 = arith.constant 200 : i32
    %dma_start3A_34 = tpu.memref_slice %arg7[%dma_start3A_33] : memref<6400xi32, #tpu.memory_space<vmem>> -> memref<200xi32, #tpu.memory_space<vmem>>
    %dma_start3A_35 = arith.constant 0 : i32
    %dma_start3A_36 = arith.constant 0 : i32
    %dma_start3A_37 = tpu.memref_slice %arg2[%dma_start3A_35, %dma_start3A_36] : memref<100000x128xf32, #tpu.memory_space<hbm>> -> memref<100000x128xf32, #tpu.memory_space<hbm>>
    %dma_start3A_38 = tpu.memref_slice %arg9[%dma_start3A_28] : memref<3x!tpu.dma_semaphore, #tpu.memory_space<semaphore_mem>> -> memref<1x!tpu.dma_semaphore, #tpu.memory_space<semaphore_mem>>
    %dma_start3A_39 = tpu.memref_squeeze %dma_start3A_38 : memref<1x!tpu.dma_semaphore, #tpu.memory_space<semaphore_mem>> -> memref<!tpu.dma_semaphore, #tpu.memory_space<semaphore_mem>>
    tpu.enqueue_indirect_dma source(%dma_start3A_37 : memref<100000x128xf32, #tpu.memory_space<hbm>>) target(%dma_start3A_32 : memref<200x128xf32, #tpu.memory_space<vmem>>) offsets(%dma_start3A_34 : memref<200xi32, #tpu.memory_space<vmem>>) semaphore(%dma_start3A_39 : memref<!tpu.dma_semaphore, #tpu.memory_space<semaphore_mem>>)
    %dma_wait3A_40 = arith.constant 1 : i32
    %dma_wait3A_41 = tpu.memref_slice %arg10[%dma_wait3A_40] : memref<3x!tpu.dma_semaphore, #tpu.memory_space<semaphore_mem>> -> memref<1x!tpu.dma_semaphore, #tpu.memory_space<semaphore_mem>>
    %dma_wait3A_42 = tpu.memref_squeeze %dma_wait3A_41 : memref<1x!tpu.dma_semaphore, #tpu.memory_space<semaphore_mem>> -> memref<!tpu.dma_semaphore, #tpu.memory_space<semaphore_mem>>
    tpu.wait_dma2 semaphore(%dma_wait3A_42 : memref<!tpu.dma_semaphore, #tpu.memory_space<semaphore_mem>>) src(%arg4 : memref<200x128xf32, #tpu.memory_space<hbm>>) dst(%arg6 : memref<200x128xf32, #tpu.memory_space<vmem>>)
    %scan3A = arith.constant 0 : i32
    %scan3A_43 = arith.constant 0 : i32
    %scan3A_44 = arith.constant 11 : i32
    %scan3A_45 = arith.addi %scan3A_43, %scan3A_44 : i32
    %scan3A_46 = arith.constant 1 : i32
    scf.for %scan3A_327 = %scan3A_43 to %scan3A_45 step %scan3A_46  : i32 {
      %mul3A_328 = arith.constant 3 : i32
      %mul3A_329 = arith.muli %scan3A_327, %mul3A_328 : i32
      %add3A_330 = arith.constant 0 : i32
      %add3A_331 = arith.addi %mul3A_329, %add3A_330 : i32
      %lt3A = arith.constant 31 : i32
      %lt3A_332 = arith.cmpi slt, %add3A_331, %lt3A : i32
      %convert_element_type3A = arith.extui %lt3A_332 : i1 to i32
      %cond3A = arith.constant 0 : i32
      %cond3A_333 = arith.cmpi ne, %convert_element_type3A, %cond3A : i32
      scf.if %cond3A_333 {
        %mul3A_352 = arith.constant 200 : i32
        %mul3A_353 = arith.muli %add3A_331, %mul3A_352 : i32
        %dma_wait3A_354 = arith.constant 0 : i32
        %dma_wait3A_355 = arith.constant 0 : i32
        %dma_wait3A_356 = arith.constant 0 : i32
        %dma_wait3A_357 = arith.constant 0 : i32
        %dma_wait3A_358 = tpu.memref_slice %arg8[%dma_wait3A_354, %dma_wait3A_356, %dma_wait3A_357] : memref<3x200x128xf32, #tpu.memory_space<vmem>> -> memref<1x200x128xf32, #tpu.memory_space<vmem>>
        %dma_wait3A_359 = tpu.memref_squeeze %dma_wait3A_358 : memref<1x200x128xf32, #tpu.memory_space<vmem>> -> memref<200x128xf32, #tpu.memory_space<vmem>>
        %dma_wait3A_360 = tpu.memref_slice %arg7[%mul3A_353] : memref<6400xi32, #tpu.memory_space<vmem>> -> memref<200xi32, #tpu.memory_space<vmem>>
        %dma_wait3A_361 = arith.constant 0 : i32
        %dma_wait3A_362 = arith.constant 0 : i32
        %dma_wait3A_363 = tpu.memref_slice %arg2[%dma_wait3A_361, %dma_wait3A_362] : memref<100000x128xf32, #tpu.memory_space<hbm>> -> memref<100000x128xf32, #tpu.memory_space<hbm>>
        %dma_wait3A_364 = tpu.memref_slice %arg9[%dma_wait3A_355] : memref<3x!tpu.dma_semaphore, #tpu.memory_space<semaphore_mem>> -> memref<1x!tpu.dma_semaphore, #tpu.memory_space<semaphore_mem>>
        %dma_wait3A_365 = tpu.memref_squeeze %dma_wait3A_364 : memref<1x!tpu.dma_semaphore, #tpu.memory_space<semaphore_mem>> -> memref<!tpu.dma_semaphore, #tpu.memory_space<semaphore_mem>>
        tpu.wait_indirect_dma semaphore(%dma_wait3A_365 : memref<!tpu.dma_semaphore, #tpu.memory_space<semaphore_mem>>) src(%dma_wait3A_363 : memref<100000x128xf32, #tpu.memory_space<hbm>>) dst(%dma_wait3A_359 : memref<200x128xf32, #tpu.memory_space<vmem>>)
        %scan3A_366 = arith.constant 0 : i32
        %scan3A_367 = arith.constant 0 : i32
        %scan3A_368 = arith.constant 100 : i32
        %scan3A_369 = arith.addi %scan3A_367, %scan3A_368 : i32
        %scan3A_370 = arith.constant 1 : i32
        scf.for %scan3A_398 = %scan3A_367 to %scan3A_369 step %scan3A_370  : i32 {
          %mul3A_399 = arith.constant 2 : i32
          %mul3A_400 = arith.muli %scan3A_398, %mul3A_399 : i32
          %add3A_401 = arith.constant 0 : i32
          %add3A_402 = arith.addi %mul3A_400, %add3A_401 : i32
          %get3A = arith.index_cast %add3A_402 : i32 to index
          %get3A_403 = arith.constant 0 : index
          %get3A_404 = tpu.vector_load %arg6[%get3A, %get3A_403] {strides = array<i32>} : memref<200x128xf32, #tpu.memory_space<vmem>>, vector<1x16xf32>,
          %get3A_405 = vector.shape_cast %get3A_404 : vector<1x16xf32> to vector<16xf32>
          %swap3A = arith.constant 0 : i32
          %swap3A_406 = arith.index_cast %swap3A : i32 to index
          %swap3A_407 = arith.index_cast %add3A_402 : i32 to index
          %swap3A_408 = arith.constant 0 : index
          %swap3A_409 = tpu.vector_load %arg8[%swap3A_406, %swap3A_407, %swap3A_408] {strides = array<i32>} : memref<3x200x128xf32, #tpu.memory_space<vmem>>, vector<1x1x16xf32>,
          %swap3A_410 = vector.shape_cast %swap3A_409 : vector<1x1x16xf32> to vector<16xf32>
          %swap3A_411 = vector.shape_cast %get3A_405 : vector<16xf32> to vector<1x1x16xf32>
          tpu.vector_store %arg8[%swap3A_406, %swap3A_407, %swap3A_408], %swap3A_411 {add = true, strides = array<i32>} : memref<3x200x128xf32, #tpu.memory_space<vmem>>, vector<1x1x16xf32>,
          %get3A_412 = arith.index_cast %add3A_402 : i32 to index
          %get3A_413 = arith.constant 16 : index
          %get3A_414 = tpu.vector_load %arg6[%get3A_412, %get3A_413] {strides = array<i32>} : memref<200x128xf32, #tpu.memory_space<vmem>>, vector<1x16xf32>,
          %get3A_415 = vector.shape_cast %get3A_414 : vector<1x16xf32> to vector<16xf32>
          %swap3A_416 = arith.constant 0 : i32
          %swap3A_417 = arith.index_cast %swap3A_416 : i32 to index
          %swap3A_418 = arith.index_cast %add3A_402 : i32 to index
          %swap3A_419 = arith.constant 16 : index
          %swap3A_420 = tpu.vector_load %arg8[%swap3A_417, %swap3A_418, %swap3A_419] {strides = array<i32>} : memref<3x200x128xf32, #tpu.memory_space<vmem>>, vector<1x1x16xf32>,
          %swap3A_421 = vector.shape_cast %swap3A_420 : vector<1x1x16xf32> to vector<16xf32>
          %swap3A_422 = vector.shape_cast %get3A_415 : vector<16xf32> to vector<1x1x16xf32>
          tpu.vector_store %arg8[%swap3A_417, %swap3A_418, %swap3A_419], %swap3A_422 {add = true, strides = array<i32>} : memref<3x200x128xf32, #tpu.memory_space<vmem>>, vector<1x1x16xf32>,
          %get3A_423 = arith.index_cast %add3A_402 : i32 to index
          %get3A_424 = arith.constant 32 : index
          %get3A_425 = tpu.vector_load %arg6[%get3A_423, %get3A_424] {strides = array<i32>} : memref<200x128xf32, #tpu.memory_space<vmem>>, vector<1x16xf32>,
          %get3A_426 = vector.shape_cast %get3A_425 : vector<1x16xf32> to vector<16xf32>
          %swap3A_427 = arith.constant 0 : i32
          %swap3A_428 = arith.index_cast %swap3A_427 : i32 to index
          %swap3A_429 = arith.index_cast %add3A_402 : i32 to index
          %swap3A_430 = arith.constant 32 : index
          %swap3A_431 = tpu.vector_load %arg8[%swap3A_428, %swap3A_429, %swap3A_430] {strides = array<i32>} : memref<3x200x128xf32, #tpu.memory_space<vmem>>, vector<1x1x16xf32>,
          %swap3A_432 = vector.shape_cast %swap3A_431 : vector<1x1x16xf32> to vector<16xf32>
          %swap3A_433 = vector.shape_cast %get3A_426 : vector<16xf32> to vector<1x1x16xf32>
          tpu.vector_store %arg8[%swap3A_428, %swap3A_429, %swap3A_430], %swap3A_433 {add = true, strides = array<i32>} : memref<3x200x128xf32, #tpu.memory_space<vmem>>, vector<1x1x16xf32>,
          %get3A_434 = arith.index_cast %add3A_402 : i32 to index
          %get3A_435 = arith.constant 48 : index
          %get3A_436 = tpu.vector_load %arg6[%get3A_434, %get3A_435] {strides = array<i32>} : memref<200x128xf32, #tpu.memory_space<vmem>>, vector<1x16xf32>,
          %get3A_437 = vector.shape_cast %get3A_436 : vector<1x16xf32> to vector<16xf32>
          %swap3A_438 = arith.constant 0 : i32
          %swap3A_439 = arith.index_cast %swap3A_438 : i32 to index
          %swap3A_440 = arith.index_cast %add3A_402 : i32 to index
          %swap3A_441 = arith.constant 48 : index
          %swap3A_442 = tpu.vector_load %arg8[%swap3A_439, %swap3A_440, %swap3A_441] {strides = array<i32>} : memref<3x200x128xf32, #tpu.memory_space<vmem>>, vector<1x1x16xf32>,
          %swap3A_443 = vector.shape_cast %swap3A_442 : vector<1x1x16xf32> to vector<16xf32>
          %swap3A_444 = vector.shape_cast %get3A_437 : vector<16xf32> to vector<1x1x16xf32>
          tpu.vector_store %arg8[%swap3A_439, %swap3A_440, %swap3A_441], %swap3A_444 {add = true, strides = array<i32>} : memref<3x200x128xf32, #tpu.memory_space<vmem>>, vector<1x1x16xf32>,
          %get3A_445 = arith.index_cast %add3A_402 : i32 to index
          %get3A_446 = arith.constant 64 : index
          %get3A_447 = tpu.vector_load %arg6[%get3A_445, %get3A_446] {strides = array<i32>} : memref<200x128xf32, #tpu.memory_space<vmem>>, vector<1x16xf32>,
          %get3A_448 = vector.shape_cast %get3A_447 : vector<1x16xf32> to vector<16xf32>
          %swap3A_449 = arith.constant 0 : i32
          %swap3A_450 = arith.index_cast %swap3A_449 : i32 to index
          %swap3A_451 = arith.index_cast %add3A_402 : i32 to index
          %swap3A_452 = arith.constant 64 : index
          %swap3A_453 = tpu.vector_load %arg8[%swap3A_450, %swap3A_451, %swap3A_452] {strides = array<i32>} : memref<3x200x128xf32, #tpu.memory_space<vmem>>, vector<1x1x16xf32>,
          %swap3A_454 = vector.shape_cast %swap3A_453 : vector<1x1x16xf32> to vector<16xf32>
          %swap3A_455 = vector.shape_cast %get3A_448 : vector<16xf32> to vector<1x1x16xf32>
          tpu.vector_store %arg8[%swap3A_450, %swap3A_451, %swap3A_452], %swap3A_455 {add = true, strides = array<i32>} : memref<3x200x128xf32, #tpu.memory_space<vmem>>, vector<1x1x16xf32>,
          %get3A_456 = arith.index_cast %add3A_402 : i32 to index
          %get3A_457 = arith.constant 80 : index
          %get3A_458 = tpu.vector_load %arg6[%get3A_456, %get3A_457] {strides = array<i32>} : memref<200x128xf32, #tpu.memory_space<vmem>>, vector<1x16xf32>,
          %get3A_459 = vector.shape_cast %get3A_458 : vector<1x16xf32> to vector<16xf32>
          %swap3A_460 = arith.constant 0 : i32
          %swap3A_461 = arith.index_cast %swap3A_460 : i32 to index
          %swap3A_462 = arith.index_cast %add3A_402 : i32 to index
          %swap3A_463 = arith.constant 80 : index
          %swap3A_464 = tpu.vector_load %arg8[%swap3A_461, %swap3A_462, %swap3A_463] {strides = array<i32>} : memref<3x200x128xf32, #tpu.memory_space<vmem>>, vector<1x1x16xf32>,
          %swap3A_465 = vector.shape_cast %swap3A_464 : vector<1x1x16xf32> to vector<16xf32>
          %swap3A_466 = vector.shape_cast %get3A_459 : vector<16xf32> to vector<1x1x16xf32>
          tpu.vector_store %arg8[%swap3A_461, %swap3A_462, %swap3A_463], %swap3A_466 {add = true, strides = array<i32>} : memref<3x200x128xf32, #tpu.memory_space<vmem>>, vector<1x1x16xf32>,
          %get3A_467 = arith.index_cast %add3A_402 : i32 to index
          %get3A_468 = arith.constant 96 : index
          %get3A_469 = tpu.vector_load %arg6[%get3A_467, %get3A_468] {strides = array<i32>} : memref<200x128xf32, #tpu.memory_space<vmem>>, vector<1x16xf32>,
          %get3A_470 = vector.shape_cast %get3A_469 : vector<1x16xf32> to vector<16xf32>
          %swap3A_471 = arith.constant 0 : i32
          %swap3A_472 = arith.index_cast %swap3A_471 : i32 to index
          %swap3A_473 = arith.index_cast %add3A_402 : i32 to index
          %swap3A_474 = arith.constant 96 : index
          %swap3A_475 = tpu.vector_load %arg8[%swap3A_472, %swap3A_473, %swap3A_474] {strides = array<i32>} : memref<3x200x128xf32, #tpu.memory_space<vmem>>, vector<1x1x16xf32>,
          %swap3A_476 = vector.shape_cast %swap3A_475 : vector<1x1x16xf32> to vector<16xf32>
          %swap3A_477 = vector.shape_cast %get3A_470 : vector<16xf32> to vector<1x1x16xf32>
          tpu.vector_store %arg8[%swap3A_472, %swap3A_473, %swap3A_474], %swap3A_477 {add = true, strides = array<i32>} : memref<3x200x128xf32, #tpu.memory_space<vmem>>, vector<1x1x16xf32>,
          %get3A_478 = arith.index_cast %add3A_402 : i32 to index
          %get3A_479 = arith.constant 112 : index
          %get3A_480 = tpu.vector_load %arg6[%get3A_478, %get3A_479] {strides = array<i32>} : memref<200x128xf32, #tpu.memory_space<vmem>>, vector<1x16xf32>,
          %get3A_481 = vector.shape_cast %get3A_480 : vector<1x16xf32> to vector<16xf32>
          %swap3A_482 = arith.constant 0 : i32
          %swap3A_483 = arith.index_cast %swap3A_482 : i32 to index
          %swap3A_484 = arith.index_cast %add3A_402 : i32 to index
          %swap3A_485 = arith.constant 112 : index
          %swap3A_486 = tpu.vector_load %arg8[%swap3A_483, %swap3A_484, %swap3A_485] {strides = array<i32>} : memref<3x200x128xf32, #tpu.memory_space<vmem>>, vector<1x1x16xf32>,
          %swap3A_487 = vector.shape_cast %swap3A_486 : vector<1x1x16xf32> to vector<16xf32>
          %swap3A_488 = vector.shape_cast %get3A_481 : vector<16xf32> to vector<1x1x16xf32>
          tpu.vector_store %arg8[%swap3A_483, %swap3A_484, %swap3A_485], %swap3A_488 {add = true, strides = array<i32>} : memref<3x200x128xf32, #tpu.memory_space<vmem>>, vector<1x1x16xf32>,
          %mul3A_489 = arith.constant 2 : i32
          %mul3A_490 = arith.muli %scan3A_398, %mul3A_489 : i32
          %add3A_491 = arith.constant 1 : i32
          %add3A_492 = arith.addi %mul3A_490, %add3A_491 : i32
          %get3A_493 = arith.index_cast %add3A_492 : i32 to index
          %get3A_494 = arith.constant 0 : index
          %get3A_495 = tpu.vector_load %arg6[%get3A_493, %get3A_494] {strides = array<i32>} : memref<200x128xf32, #tpu.memory_space<vmem>>, vector<1x16xf32>,
          %get3A_496 = vector.shape_cast %get3A_495 : vector<1x16xf32> to vector<16xf32>
          %swap3A_497 = arith.constant 0 : i32
          %swap3A_498 = arith.index_cast %swap3A_497 : i32 to index
          %swap3A_499 = arith.index_cast %add3A_492 : i32 to index
          %swap3A_500 = arith.constant 0 : index
          %swap3A_501 = tpu.vector_load %arg8[%swap3A_498, %swap3A_499, %swap3A_500] {strides = array<i32>} : memref<3x200x128xf32, #tpu.memory_space<vmem>>, vector<1x1x16xf32>,
          %swap3A_502 = vector.shape_cast %swap3A_501 : vector<1x1x16xf32> to vector<16xf32>
          %swap3A_503 = vector.shape_cast %get3A_496 : vector<16xf32> to vector<1x1x16xf32>
          tpu.vector_store %arg8[%swap3A_498, %swap3A_499, %swap3A_500], %swap3A_503 {add = true, strides = array<i32>} : memref<3x200x128xf32, #tpu.memory_space<vmem>>, vector<1x1x16xf32>,
          %get3A_504 = arith.index_cast %add3A_492 : i32 to index
          %get3A_505 = arith.constant 16 : index
          %get3A_506 = tpu.vector_load %arg6[%get3A_504, %get3A_505] {strides = array<i32>} : memref<200x128xf32, #tpu.memory_space<vmem>>, vector<1x16xf32>,
          %get3A_507 = vector.shape_cast %get3A_506 : vector<1x16xf32> to vector<16xf32>
          %swap3A_508 = arith.constant 0 : i32
          %swap3A_509 = arith.index_cast %swap3A_508 : i32 to index
          %swap3A_510 = arith.index_cast %add3A_492 : i32 to index
          %swap3A_511 = arith.constant 16 : index
          %swap3A_512 = tpu.vector_load %arg8[%swap3A_509, %swap3A_510, %swap3A_511] {strides = array<i32>} : memref<3x200x128xf32, #tpu.memory_space<vmem>>, vector<1x1x16xf32>,
          %swap3A_513 = vector.shape_cast %swap3A_512 : vector<1x1x16xf32> to vector<16xf32>
          %swap3A_514 = vector.shape_cast %get3A_507 : vector<16xf32> to vector<1x1x16xf32>
          tpu.vector_store %arg8[%swap3A_509, %swap3A_510, %swap3A_511], %swap3A_514 {add = true, strides = array<i32>} : memref<3x200x128xf32, #tpu.memory_space<vmem>>, vector<1x1x16xf32>,
          %get3A_515 = arith.index_cast %add3A_492 : i32 to index
          %get3A_516 = arith.constant 32 : index
          %get3A_517 = tpu.vector_load %arg6[%get3A_515, %get3A_516] {strides = array<i32>} : memref<200x128xf32, #tpu.memory_space<vmem>>, vector<1x16xf32>,
          %get3A_518 = vector.shape_cast %get3A_517 : vector<1x16xf32> to vector<16xf32>
          %swap3A_519 = arith.constant 0 : i32
          %swap3A_520 = arith.index_cast %swap3A_519 : i32 to index
          %swap3A_521 = arith.index_cast %add3A_492 : i32 to index
          %swap3A_522 = arith.constant 32 : index
          %swap3A_523 = tpu.vector_load %arg8[%swap3A_520, %swap3A_521, %swap3A_522] {strides = array<i32>} : memref<3x200x128xf32, #tpu.memory_space<vmem>>, vector<1x1x16xf32>,
          %swap3A_524 = vector.shape_cast %swap3A_523 : vector<1x1x16xf32> to vector<16xf32>
          %swap3A_525 = vector.shape_cast %get3A_518 : vector<16xf32> to vector<1x1x16xf32>
          tpu.vector_store %arg8[%swap3A_520, %swap3A_521, %swap3A_522], %swap3A_525 {add = true, strides = array<i32>} : memref<3x200x128xf32, #tpu.memory_space<vmem>>, vector<1x1x16xf32>,
          %get3A_526 = arith.index_cast %add3A_492 : i32 to index
          %get3A_527 = arith.constant 48 : index
          %get3A_528 = tpu.vector_load %arg6[%get3A_526, %get3A_527] {strides = array<i32>} : memref<200x128xf32, #tpu.memory_space<vmem>>, vector<1x16xf32>,
          %get3A_529 = vector.shape_cast %get3A_528 : vector<1x16xf32> to vector<16xf32>
          %swap3A_530 = arith.constant 0 : i32
          %swap3A_531 = arith.index_cast %swap3A_530 : i32 to index
          %swap3A_532 = arith.index_cast %add3A_492 : i32 to index
          %swap3A_533 = arith.constant 48 : index
          %swap3A_534 = tpu.vector_load %arg8[%swap3A_531, %swap3A_532, %swap3A_533] {strides = array<i32>} : memref<3x200x128xf32, #tpu.memory_space<vmem>>, vector<1x1x16xf32>,
          %swap3A_535 = vector.shape_cast %swap3A_534 : vector<1x1x16xf32> to vector<16xf32>
          %swap3A_536 = vector.shape_cast %get3A_529 : vector<16xf32> to vector<1x1x16xf32>
          tpu.vector_store %arg8[%swap3A_531, %swap3A_532, %swap3A_533], %swap3A_536 {add = true, strides = array<i32>} : memref<3x200x128xf32, #tpu.memory_space<vmem>>, vector<1x1x16xf32>,
          %get3A_537 = arith.index_cast %add3A_492 : i32 to index
          %get3A_538 = arith.constant 64 : index
          %get3A_539 = tpu.vector_load %arg6[%get3A_537, %get3A_538] {strides = array<i32>} : memref<200x128xf32, #tpu.memory_space<vmem>>, vector<1x16xf32>,
          %get3A_540 = vector.shape_cast %get3A_539 : vector<1x16xf32> to vector<16xf32>
          %swap3A_541 = arith.constant 0 : i32
          %swap3A_542 = arith.index_cast %swap3A_541 : i32 to index
          %swap3A_543 = arith.index_cast %add3A_492 : i32 to index
          %swap3A_544 = arith.constant 64 : index
          %swap3A_545 = tpu.vector_load %arg8[%swap3A_542, %swap3A_543, %swap3A_544] {strides = array<i32>} : memref<3x200x128xf32, #tpu.memory_space<vmem>>, vector<1x1x16xf32>,
          %swap3A_546 = vector.shape_cast %swap3A_545 : vector<1x1x16xf32> to vector<16xf32>
          %swap3A_547 = vector.shape_cast %get3A_540 : vector<16xf32> to vector<1x1x16xf32>
          tpu.vector_store %arg8[%swap3A_542, %swap3A_543, %swap3A_544], %swap3A_547 {add = true, strides = array<i32>} : memref<3x200x128xf32, #tpu.memory_space<vmem>>, vector<1x1x16xf32>,
          %get3A_548 = arith.index_cast %add3A_492 : i32 to index
          %get3A_549 = arith.constant 80 : index
          %get3A_550 = tpu.vector_load %arg6[%get3A_548, %get3A_549] {strides = array<i32>} : memref<200x128xf32, #tpu.memory_space<vmem>>, vector<1x16xf32>,
          %get3A_551 = vector.shape_cast %get3A_550 : vector<1x16xf32> to vector<16xf32>
          %swap3A_552 = arith.constant 0 : i32
          %swap3A_553 = arith.index_cast %swap3A_552 : i32 to index
          %swap3A_554 = arith.index_cast %add3A_492 : i32 to index
          %swap3A_555 = arith.constant 80 : index
          %swap3A_556 = tpu.vector_load %arg8[%swap3A_553, %swap3A_554, %swap3A_555] {strides = array<i32>} : memref<3x200x128xf32, #tpu.memory_space<vmem>>, vector<1x1x16xf32>,
          %swap3A_557 = vector.shape_cast %swap3A_556 : vector<1x1x16xf32> to vector<16xf32>
          %swap3A_558 = vector.shape_cast %get3A_551 : vector<16xf32> to vector<1x1x16xf32>
          tpu.vector_store %arg8[%swap3A_553, %swap3A_554, %swap3A_555], %swap3A_558 {add = true, strides = array<i32>} : memref<3x200x128xf32, #tpu.memory_space<vmem>>, vector<1x1x16xf32>,
          %get3A_559 = arith.index_cast %add3A_492 : i32 to index
          %get3A_560 = arith.constant 96 : index
          %get3A_561 = tpu.vector_load %arg6[%get3A_559, %get3A_560] {strides = array<i32>} : memref<200x128xf32, #tpu.memory_space<vmem>>, vector<1x16xf32>,
          %get3A_562 = vector.shape_cast %get3A_561 : vector<1x16xf32> to vector<16xf32>
          %swap3A_563 = arith.constant 0 : i32
          %swap3A_564 = arith.index_cast %swap3A_563 : i32 to index
          %swap3A_565 = arith.index_cast %add3A_492 : i32 to index
          %swap3A_566 = arith.constant 96 : index
          %swap3A_567 = tpu.vector_load %arg8[%swap3A_564, %swap3A_565, %swap3A_566] {strides = array<i32>} : memref<3x200x128xf32, #tpu.memory_space<vmem>>, vector<1x1x16xf32>,
          %swap3A_568 = vector.shape_cast %swap3A_567 : vector<1x1x16xf32> to vector<16xf32>
          %swap3A_569 = vector.shape_cast %get3A_562 : vector<16xf32> to vector<1x1x16xf32>
          tpu.vector_store %arg8[%swap3A_564, %swap3A_565, %swap3A_566], %swap3A_569 {add = true, strides = array<i32>} : memref<3x200x128xf32, #tpu.memory_space<vmem>>, vector<1x1x16xf32>,
          %get3A_570 = arith.index_cast %add3A_492 : i32 to index
          %get3A_571 = arith.constant 112 : index
          %get3A_572 = tpu.vector_load %arg6[%get3A_570, %get3A_571] {strides = array<i32>} : memref<200x128xf32, #tpu.memory_space<vmem>>, vector<1x16xf32>,
          %get3A_573 = vector.shape_cast %get3A_572 : vector<1x16xf32> to vector<16xf32>
          %swap3A_574 = arith.constant 0 : i32
          %swap3A_575 = arith.index_cast %swap3A_574 : i32 to index
          %swap3A_576 = arith.index_cast %add3A_492 : i32 to index
          %swap3A_577 = arith.constant 112 : index
          %swap3A_578 = tpu.vector_load %arg8[%swap3A_575, %swap3A_576, %swap3A_577] {strides = array<i32>} : memref<3x200x128xf32, #tpu.memory_space<vmem>>, vector<1x1x16xf32>,
          %swap3A_579 = vector.shape_cast %swap3A_578 : vector<1x1x16xf32> to vector<16xf32>
          %swap3A_580 = vector.shape_cast %get3A_573 : vector<16xf32> to vector<1x1x16xf32>
          tpu.vector_store %arg8[%swap3A_575, %swap3A_576, %swap3A_577], %swap3A_580 {add = true, strides = array<i32>} : memref<3x200x128xf32, #tpu.memory_space<vmem>>, vector<1x1x16xf32>,
        }
        %scan3A_371 = arith.constant 100 : i32
        %mul3A_372 = arith.constant 200 : i32
        %mul3A_373 = arith.muli %add3A_331, %mul3A_372 : i32
        %add3A_374 = arith.addi %mul3A_2, %mul3A_373 : i32
        %dma_start3A_375 = arith.constant 0 : i32
        %dma_start3A_376 = arith.constant 0 : i32
        %dma_start3A_377 = arith.constant 0 : i32
        %dma_start3A_378 = arith.constant 0 : i32
        %dma_start3A_379 = tpu.memref_slice %arg8[%dma_start3A_375, %dma_start3A_377, %dma_start3A_378] : memref<3x200x128xf32, #tpu.memory_space<vmem>> -> memref<1x200x128xf32, #tpu.memory_space<vmem>>
        %dma_start3A_380 = tpu.memref_squeeze %dma_start3A_379 : memref<1x200x128xf32, #tpu.memory_space<vmem>> -> memref<200x128xf32, #tpu.memory_space<vmem>>
        %dma_start3A_381 = arith.constant 0 : i32
        %dma_start3A_382 = tpu.memref_slice %arg5[%add3A_374, %dma_start3A_381] : memref<204800x128xf32, #tpu.memory_space<hbm>> -> memref<200x128xf32, #tpu.memory_space<hbm>>
        %dma_start3A_383 = tpu.memref_slice %arg10[%dma_start3A_376] : memref<3x!tpu.dma_semaphore, #tpu.memory_space<semaphore_mem>> -> memref<1x!tpu.dma_semaphore, #tpu.memory_space<semaphore_mem>>
        %dma_start3A_384 = tpu.memref_squeeze %dma_start3A_383 : memref<1x!tpu.dma_semaphore, #tpu.memory_space<semaphore_mem>> -> memref<!tpu.dma_semaphore, #tpu.memory_space<semaphore_mem>>
        %dma_start3A_385 = arith.constant 0 : i32
        %dma_start3A_386 = tpu.memref_slice %arg5[%add3A_374, %dma_start3A_385] : memref<204800x128xf32, #tpu.memory_space<hbm>> -> memref<200x128xf32, #tpu.memory_space<hbm>>
        %dma_start3A_387 = arith.constant 0 : i32
        %dma_start3A_388 = arith.constant 0 : i32
        %dma_start3A_389 = tpu.memref_slice %arg8[%dma_start3A_375, %dma_start3A_387, %dma_start3A_388] : memref<3x200x128xf32, #tpu.memory_space<vmem>> -> memref<1x200x128xf32, #tpu.memory_space<vmem>>
        %dma_start3A_390 = tpu.memref_squeeze %dma_start3A_389 : memref<1x200x128xf32, #tpu.memory_space<vmem>> -> memref<200x128xf32, #tpu.memory_space<vmem>>
        tpu.enqueue_dma source(%dma_start3A_390 : memref<200x128xf32, #tpu.memory_space<vmem>>) target(%dma_start3A_386 : memref<200x128xf32, #tpu.memory_space<hbm>>) target_semaphore(%dma_start3A_384 : memref<!tpu.dma_semaphore, #tpu.memory_space<semaphore_mem>>)
        %add3A_391 = arith.constant 2 : i32
        %add3A_392 = arith.addi %add3A_331, %add3A_391 : i32
        %lt3A_393 = arith.constant 32 : i32
        %lt3A_394 = arith.cmpi slt, %add3A_392, %lt3A_393 : i32
        %convert_element_type3A_395 = arith.extui %lt3A_394 : i1 to i32
        %cond3A_396 = arith.constant 0 : i32
        %cond3A_397 = arith.cmpi ne, %convert_element_type3A_395, %cond3A_396 : i32
        scf.if %cond3A_397 {
          %ge3A = arith.constant 1 : i32
          %ge3A_398 = arith.cmpi sge, %add3A_331, %ge3A : i32
          %convert_element_type3A_399 = arith.extui %ge3A_398 : i1 to i32
          %cond3A_400 = arith.constant 0 : i32
          %cond3A_401 = arith.cmpi ne, %convert_element_type3A_399, %cond3A_400 : i32
          scf.if %cond3A_401 {
            %sub3A = arith.constant 1 : i32
            %sub3A_418 = arith.subi %add3A_331, %sub3A : i32
            %mul3A_419 = arith.constant 200 : i32
            %mul3A_420 = arith.muli %sub3A_418, %mul3A_419 : i32
            %add3A_421 = arith.addi %mul3A_2, %mul3A_420 : i32
            %dma_wait3A_422 = arith.constant 2 : i32
            %dma_wait3A_423 = arith.constant 2 : i32
            %dma_wait3A_424 = arith.constant 0 : i32
            %dma_wait3A_425 = arith.constant 0 : i32
            %dma_wait3A_426 = tpu.memref_slice %arg8[%dma_wait3A_422, %dma_wait3A_424, %dma_wait3A_425] : memref<3x200x128xf32, #tpu.memory_space<vmem>> -> memref<1x200x128xf32, #tpu.memory_space<vmem>>
            %dma_wait3A_427 = tpu.memref_squeeze %dma_wait3A_426 : memref<1x200x128xf32, #tpu.memory_space<vmem>> -> memref<200x128xf32, #tpu.memory_space<vmem>>
            %dma_wait3A_428 = arith.constant 0 : i32
            %dma_wait3A_429 = tpu.memref_slice %arg5[%add3A_421, %dma_wait3A_428] : memref<204800x128xf32, #tpu.memory_space<hbm>> -> memref<200x128xf32, #tpu.memory_space<hbm>>
            %dma_wait3A_430 = tpu.memref_slice %arg10[%dma_wait3A_423] : memref<3x!tpu.dma_semaphore, #tpu.memory_space<semaphore_mem>> -> memref<1x!tpu.dma_semaphore, #tpu.memory_space<semaphore_mem>>
            %dma_wait3A_431 = tpu.memref_squeeze %dma_wait3A_430 : memref<1x!tpu.dma_semaphore, #tpu.memory_space<semaphore_mem>> -> memref<!tpu.dma_semaphore, #tpu.memory_space<semaphore_mem>>
            %dma_wait3A_432 = arith.constant 0 : i32
            %dma_wait3A_433 = tpu.memref_slice %arg5[%add3A_421, %dma_wait3A_432] : memref<204800x128xf32, #tpu.memory_space<hbm>> -> memref<200x128xf32, #tpu.memory_space<hbm>>
            %dma_wait3A_434 = arith.constant 0 : i32
            %dma_wait3A_435 = arith.constant 0 : i32
            %dma_wait3A_436 = tpu.memref_slice %arg8[%dma_wait3A_422, %dma_wait3A_434, %dma_wait3A_435] : memref<3x200x128xf32, #tpu.memory_space<vmem>> -> memref<1x200x128xf32, #tpu.memory_space<vmem>>
            %dma_wait3A_437 = tpu.memref_squeeze %dma_wait3A_436 : memref<1x200x128xf32, #tpu.memory_space<vmem>> -> memref<200x128xf32, #tpu.memory_space<vmem>>
            tpu.wait_dma2 semaphore(%dma_wait3A_431 : memref<!tpu.dma_semaphore, #tpu.memory_space<semaphore_mem>>) src(%dma_wait3A_437 : memref<200x128xf32, #tpu.memory_space<vmem>>) dst(%dma_wait3A_433 : memref<200x128xf32, #tpu.memory_space<hbm>>)
          } else {
          }
          %add3A_402 = arith.constant 2 : i32
          %add3A_403 = arith.addi %add3A_331, %add3A_402 : i32
          %mul3A_404 = arith.constant 200 : i32
          %mul3A_405 = arith.muli %add3A_403, %mul3A_404 : i32
          %dma_start3A_406 = arith.constant 2 : i32
          %dma_start3A_407 = arith.constant 2 : i32
          %dma_start3A_408 = arith.constant 0 : i32
          %dma_start3A_409 = arith.constant 0 : i32
          %dma_start3A_410 = tpu.memref_slice %arg8[%dma_start3A_406, %dma_start3A_408, %dma_start3A_409] : memref<3x200x128xf32, #tpu.memory_space<vmem>> -> memref<1x200x128xf32, #tpu.memory_space<vmem>>
          %dma_start3A_411 = tpu.memref_squeeze %dma_start3A_410 : memref<1x200x128xf32, #tpu.memory_space<vmem>> -> memref<200x128xf32, #tpu.memory_space<vmem>>
          %dma_start3A_412 = tpu.memref_slice %arg7[%mul3A_405] : memref<6400xi32, #tpu.memory_space<vmem>> -> memref<200xi32, #tpu.memory_space<vmem>>
          %dma_start3A_413 = arith.constant 0 : i32
          %dma_start3A_414 = arith.constant 0 : i32
          %dma_start3A_415 = tpu.memref_slice %arg2[%dma_start3A_413, %dma_start3A_414] : memref<100000x128xf32, #tpu.memory_space<hbm>> -> memref<100000x128xf32, #tpu.memory_space<hbm>>
          %dma_start3A_416 = tpu.memref_slice %arg9[%dma_start3A_407] : memref<3x!tpu.dma_semaphore, #tpu.memory_space<semaphore_mem>> -> memref<1x!tpu.dma_semaphore, #tpu.memory_space<semaphore_mem>>
          %dma_start3A_417 = tpu.memref_squeeze %dma_start3A_416 : memref<1x!tpu.dma_semaphore, #tpu.memory_space<semaphore_mem>> -> memref<!tpu.dma_semaphore, #tpu.memory_space<semaphore_mem>>
          tpu.enqueue_indirect_dma source(%dma_start3A_415 : memref<100000x128xf32, #tpu.memory_space<hbm>>) target(%dma_start3A_411 : memref<200x128xf32, #tpu.memory_space<vmem>>) offsets(%dma_start3A_412 : memref<200xi32, #tpu.memory_space<vmem>>) semaphore(%dma_start3A_417 : memref<!tpu.dma_semaphore, #tpu.memory_space<semaphore_mem>>)
        } else {
        }
      } else {
      }
      %mul3A_334 = arith.constant 3 : i32
      %mul3A_335 = arith.muli %scan3A_327, %mul3A_334 : i32
      %add3A_336 = arith.constant 1 : i32
      %add3A_337 = arith.addi %mul3A_335, %add3A_336 : i32
      %lt3A_338 = arith.constant 31 : i32
      %lt3A_339 = arith.cmpi slt, %add3A_337, %lt3A_338 : i32
      %convert_element_type3A_340 = arith.extui %lt3A_339 : i1 to i32
      %cond3A_341 = arith.constant 0 : i32
      %cond3A_342 = arith.cmpi ne, %convert_element_type3A_340, %cond3A_341 : i32
      scf.if %cond3A_342 {
        %mul3A_352 = arith.constant 200 : i32
        %mul3A_353 = arith.muli %add3A_337, %mul3A_352 : i32
        %dma_wait3A_354 = arith.constant 1 : i32
        %dma_wait3A_355 = arith.constant 1 : i32
        %dma_wait3A_356 = arith.constant 0 : i32
        %dma_wait3A_357 = arith.constant 0 : i32
        %dma_wait3A_358 = tpu.memref_slice %arg8[%dma_wait3A_354, %dma_wait3A_356, %dma_wait3A_357] : memref<3x200x128xf32, #tpu.memory_space<vmem>> -> memref<1x200x128xf32, #tpu.memory_space<vmem>>
        %dma_wait3A_359 = tpu.memref_squeeze %dma_wait3A_358 : memref<1x200x128xf32, #tpu.memory_space<vmem>> -> memref<200x128xf32, #tpu.memory_space<vmem>>
        %dma_wait3A_360 = tpu.memref_slice %arg7[%mul3A_353] : memref<6400xi32, #tpu.memory_space<vmem>> -> memref<200xi32, #tpu.memory_space<vmem>>
        %dma_wait3A_361 = arith.constant 0 : i32
        %dma_wait3A_362 = arith.constant 0 : i32
        %dma_wait3A_363 = tpu.memref_slice %arg2[%dma_wait3A_361, %dma_wait3A_362] : memref<100000x128xf32, #tpu.memory_space<hbm>> -> memref<100000x128xf32, #tpu.memory_space<hbm>>
        %dma_wait3A_364 = tpu.memref_slice %arg9[%dma_wait3A_355] : memref<3x!tpu.dma_semaphore, #tpu.memory_space<semaphore_mem>> -> memref<1x!tpu.dma_semaphore, #tpu.memory_space<semaphore_mem>>
        %dma_wait3A_365 = tpu.memref_squeeze %dma_wait3A_364 : memref<1x!tpu.dma_semaphore, #tpu.memory_space<semaphore_mem>> -> memref<!tpu.dma_semaphore, #tpu.memory_space<semaphore_mem>>
        tpu.wait_indirect_dma semaphore(%dma_wait3A_365 : memref<!tpu.dma_semaphore, #tpu.memory_space<semaphore_mem>>) src(%dma_wait3A_363 : memref<100000x128xf32, #tpu.memory_space<hbm>>) dst(%dma_wait3A_359 : memref<200x128xf32, #tpu.memory_space<vmem>>)
        %scan3A_366 = arith.constant 0 : i32
        %scan3A_367 = arith.constant 0 : i32
        %scan3A_368 = arith.constant 100 : i32
        %scan3A_369 = arith.addi %scan3A_367, %scan3A_368 : i32
        %scan3A_370 = arith.constant 1 : i32
        scf.for %scan3A_398 = %scan3A_367 to %scan3A_369 step %scan3A_370  : i32 {
          %mul3A_399 = arith.constant 2 : i32
          %mul3A_400 = arith.muli %scan3A_398, %mul3A_399 : i32
          %add3A_401 = arith.constant 0 : i32
          %add3A_402 = arith.addi %mul3A_400, %add3A_401 : i32
          %get3A = arith.index_cast %add3A_402 : i32 to index
          %get3A_403 = arith.constant 0 : index
          %get3A_404 = tpu.vector_load %arg6[%get3A, %get3A_403] {strides = array<i32>} : memref<200x128xf32, #tpu.memory_space<vmem>>, vector<1x16xf32>,
          %get3A_405 = vector.shape_cast %get3A_404 : vector<1x16xf32> to vector<16xf32>
          %swap3A = arith.constant 1 : i32
          %swap3A_406 = arith.index_cast %swap3A : i32 to index
          %swap3A_407 = arith.index_cast %add3A_402 : i32 to index
          %swap3A_408 = arith.constant 0 : index
          %swap3A_409 = tpu.vector_load %arg8[%swap3A_406, %swap3A_407, %swap3A_408] {strides = array<i32>} : memref<3x200x128xf32, #tpu.memory_space<vmem>>, vector<1x1x16xf32>,
          %swap3A_410 = vector.shape_cast %swap3A_409 : vector<1x1x16xf32> to vector<16xf32>
          %swap3A_411 = vector.shape_cast %get3A_405 : vector<16xf32> to vector<1x1x16xf32>
          tpu.vector_store %arg8[%swap3A_406, %swap3A_407, %swap3A_408], %swap3A_411 {add = true, strides = array<i32>} : memref<3x200x128xf32, #tpu.memory_space<vmem>>, vector<1x1x16xf32>,
          %get3A_412 = arith.index_cast %add3A_402 : i32 to index
          %get3A_413 = arith.constant 16 : index
          %get3A_414 = tpu.vector_load %arg6[%get3A_412, %get3A_413] {strides = array<i32>} : memref<200x128xf32, #tpu.memory_space<vmem>>, vector<1x16xf32>,
          %get3A_415 = vector.shape_cast %get3A_414 : vector<1x16xf32> to vector<16xf32>
          %swap3A_416 = arith.constant 1 : i32
          %swap3A_417 = arith.index_cast %swap3A_416 : i32 to index
          %swap3A_418 = arith.index_cast %add3A_402 : i32 to index
          %swap3A_419 = arith.constant 16 : index
          %swap3A_420 = tpu.vector_load %arg8[%swap3A_417, %swap3A_418, %swap3A_419] {strides = array<i32>} : memref<3x200x128xf32, #tpu.memory_space<vmem>>, vector<1x1x16xf32>,
          %swap3A_421 = vector.shape_cast %swap3A_420 : vector<1x1x16xf32> to vector<16xf32>
          %swap3A_422 = vector.shape_cast %get3A_415 : vector<16xf32> to vector<1x1x16xf32>
          tpu.vector_store %arg8[%swap3A_417, %swap3A_418, %swap3A_419], %swap3A_422 {add = true, strides = array<i32>} : memref<3x200x128xf32, #tpu.memory_space<vmem>>, vector<1x1x16xf32>,
          %get3A_423 = arith.index_cast %add3A_402 : i32 to index
          %get3A_424 = arith.constant 32 : index
          %get3A_425 = tpu.vector_load %arg6[%get3A_423, %get3A_424] {strides = array<i32>} : memref<200x128xf32, #tpu.memory_space<vmem>>, vector<1x16xf32>,
          %get3A_426 = vector.shape_cast %get3A_425 : vector<1x16xf32> to vector<16xf32>
          %swap3A_427 = arith.constant 1 : i32
          %swap3A_428 = arith.index_cast %swap3A_427 : i32 to index
          %swap3A_429 = arith.index_cast %add3A_402 : i32 to index
          %swap3A_430 = arith.constant 32 : index
          %swap3A_431 = tpu.vector_load %arg8[%swap3A_428, %swap3A_429, %swap3A_430] {strides = array<i32>} : memref<3x200x128xf32, #tpu.memory_space<vmem>>, vector<1x1x16xf32>,
          %swap3A_432 = vector.shape_cast %swap3A_431 : vector<1x1x16xf32> to vector<16xf32>
          %swap3A_433 = vector.shape_cast %get3A_426 : vector<16xf32> to vector<1x1x16xf32>
          tpu.vector_store %arg8[%swap3A_428, %swap3A_429, %swap3A_430], %swap3A_433 {add = true, strides = array<i32>} : memref<3x200x128xf32, #tpu.memory_space<vmem>>, vector<1x1x16xf32>,
          %get3A_434 = arith.index_cast %add3A_402 : i32 to index
          %get3A_435 = arith.constant 48 : index
          %get3A_436 = tpu.vector_load %arg6[%get3A_434, %get3A_435] {strides = array<i32>} : memref<200x128xf32, #tpu.memory_space<vmem>>, vector<1x16xf32>,
          %get3A_437 = vector.shape_cast %get3A_436 : vector<1x16xf32> to vector<16xf32>
          %swap3A_438 = arith.constant 1 : i32
          %swap3A_439 = arith.index_cast %swap3A_438 : i32 to index
          %swap3A_440 = arith.index_cast %add3A_402 : i32 to index
          %swap3A_441 = arith.constant 48 : index
          %swap3A_442 = tpu.vector_load %arg8[%swap3A_439, %swap3A_440, %swap3A_441] {strides = array<i32>} : memref<3x200x128xf32, #tpu.memory_space<vmem>>, vector<1x1x16xf32>,
          %swap3A_443 = vector.shape_cast %swap3A_442 : vector<1x1x16xf32> to vector<16xf32>
          %swap3A_444 = vector.shape_cast %get3A_437 : vector<16xf32> to vector<1x1x16xf32>
          tpu.vector_store %arg8[%swap3A_439, %swap3A_440, %swap3A_441], %swap3A_444 {add = true, strides = array<i32>} : memref<3x200x128xf32, #tpu.memory_space<vmem>>, vector<1x1x16xf32>,
          %get3A_445 = arith.index_cast %add3A_402 : i32 to index
          %get3A_446 = arith.constant 64 : index
          %get3A_447 = tpu.vector_load %arg6[%get3A_445, %get3A_446] {strides = array<i32>} : memref<200x128xf32, #tpu.memory_space<vmem>>, vector<1x16xf32>,
          %get3A_448 = vector.shape_cast %get3A_447 : vector<1x16xf32> to vector<16xf32>
          %swap3A_449 = arith.constant 1 : i32
          %swap3A_450 = arith.index_cast %swap3A_449 : i32 to index
          %swap3A_451 = arith.index_cast %add3A_402 : i32 to index
          %swap3A_452 = arith.constant 64 : index
          %swap3A_453 = tpu.vector_load %arg8[%swap3A_450, %swap3A_451, %swap3A_452] {strides = array<i32>} : memref<3x200x128xf32, #tpu.memory_space<vmem>>, vector<1x1x16xf32>,
          %swap3A_454 = vector.shape_cast %swap3A_453 : vector<1x1x16xf32> to vector<16xf32>
          %swap3A_455 = vector.shape_cast %get3A_448 : vector<16xf32> to vector<1x1x16xf32>
          tpu.vector_store %arg8[%swap3A_450, %swap3A_451, %swap3A_452], %swap3A_455 {add = true, strides = array<i32>} : memref<3x200x128xf32, #tpu.memory_space<vmem>>, vector<1x1x16xf32>,
          %get3A_456 = arith.index_cast %add3A_402 : i32 to index
          %get3A_457 = arith.constant 80 : index
          %get3A_458 = tpu.vector_load %arg6[%get3A_456, %get3A_457] {strides = array<i32>} : memref<200x128xf32, #tpu.memory_space<vmem>>, vector<1x16xf32>,
          %get3A_459 = vector.shape_cast %get3A_458 : vector<1x16xf32> to vector<16xf32>
          %swap3A_460 = arith.constant 1 : i32
          %swap3A_461 = arith.index_cast %swap3A_460 : i32 to index
          %swap3A_462 = arith.index_cast %add3A_402 : i32 to index
          %swap3A_463 = arith.constant 80 : index
          %swap3A_464 = tpu.vector_load %arg8[%swap3A_461, %swap3A_462, %swap3A_463] {strides = array<i32>} : memref<3x200x128xf32, #tpu.memory_space<vmem>>, vector<1x1x16xf32>,
          %swap3A_465 = vector.shape_cast %swap3A_464 : vector<1x1x16xf32> to vector<16xf32>
          %swap3A_466 = vector.shape_cast %get3A_459 : vector<16xf32> to vector<1x1x16xf32>
          tpu.vector_store %arg8[%swap3A_461, %swap3A_462, %swap3A_463], %swap3A_466 {add = true, strides = array<i32>} : memref<3x200x128xf32, #tpu.memory_space<vmem>>, vector<1x1x16xf32>,
          %get3A_467 = arith.index_cast %add3A_402 : i32 to index
          %get3A_468 = arith.constant 96 : index
          %get3A_469 = tpu.vector_load %arg6[%get3A_467, %get3A_468] {strides = array<i32>} : memref<200x128xf32, #tpu.memory_space<vmem>>, vector<1x16xf32>,
          %get3A_470 = vector.shape_cast %get3A_469 : vector<1x16xf32> to vector<16xf32>
          %swap3A_471 = arith.constant 1 : i32
          %swap3A_472 = arith.index_cast %swap3A_471 : i32 to index
          %swap3A_473 = arith.index_cast %add3A_402 : i32 to index
          %swap3A_474 = arith.constant 96 : index
          %swap3A_475 = tpu.vector_load %arg8[%swap3A_472, %swap3A_473, %swap3A_474] {strides = array<i32>} : memref<3x200x128xf32, #tpu.memory_space<vmem>>, vector<1x1x16xf32>,
          %swap3A_476 = vector.shape_cast %swap3A_475 : vector<1x1x16xf32> to vector<16xf32>
          %swap3A_477 = vector.shape_cast %get3A_470 : vector<16xf32> to vector<1x1x16xf32>
          tpu.vector_store %arg8[%swap3A_472, %swap3A_473, %swap3A_474], %swap3A_477 {add = true, strides = array<i32>} : memref<3x200x128xf32, #tpu.memory_space<vmem>>, vector<1x1x16xf32>,
          %get3A_478 = arith.index_cast %add3A_402 : i32 to index
          %get3A_479 = arith.constant 112 : index
          %get3A_480 = tpu.vector_load %arg6[%get3A_478, %get3A_479] {strides = array<i32>} : memref<200x128xf32, #tpu.memory_space<vmem>>, vector<1x16xf32>,
          %get3A_481 = vector.shape_cast %get3A_480 : vector<1x16xf32> to vector<16xf32>
          %swap3A_482 = arith.constant 1 : i32
          %swap3A_483 = arith.index_cast %swap3A_482 : i32 to index
          %swap3A_484 = arith.index_cast %add3A_402 : i32 to index
          %swap3A_485 = arith.constant 112 : index
          %swap3A_486 = tpu.vector_load %arg8[%swap3A_483, %swap3A_484, %swap3A_485] {strides = array<i32>} : memref<3x200x128xf32, #tpu.memory_space<vmem>>, vector<1x1x16xf32>,
          %swap3A_487 = vector.shape_cast %swap3A_486 : vector<1x1x16xf32> to vector<16xf32>
          %swap3A_488 = vector.shape_cast %get3A_481 : vector<16xf32> to vector<1x1x16xf32>
          tpu.vector_store %arg8[%swap3A_483, %swap3A_484, %swap3A_485], %swap3A_488 {add = true, strides = array<i32>} : memref<3x200x128xf32, #tpu.memory_space<vmem>>, vector<1x1x16xf32>,
          %mul3A_489 = arith.constant 2 : i32
          %mul3A_490 = arith.muli %scan3A_398, %mul3A_489 : i32
          %add3A_491 = arith.constant 1 : i32
          %add3A_492 = arith.addi %mul3A_490, %add3A_491 : i32
          %get3A_493 = arith.index_cast %add3A_492 : i32 to index
          %get3A_494 = arith.constant 0 : index
          %get3A_495 = tpu.vector_load %arg6[%get3A_493, %get3A_494] {strides = array<i32>} : memref<200x128xf32, #tpu.memory_space<vmem>>, vector<1x16xf32>,
          %get3A_496 = vector.shape_cast %get3A_495 : vector<1x16xf32> to vector<16xf32>
          %swap3A_497 = arith.constant 1 : i32
          %swap3A_498 = arith.index_cast %swap3A_497 : i32 to index
          %swap3A_499 = arith.index_cast %add3A_492 : i32 to index
          %swap3A_500 = arith.constant 0 : index
          %swap3A_501 = tpu.vector_load %arg8[%swap3A_498, %swap3A_499, %swap3A_500] {strides = array<i32>} : memref<3x200x128xf32, #tpu.memory_space<vmem>>, vector<1x1x16xf32>,
          %swap3A_502 = vector.shape_cast %swap3A_501 : vector<1x1x16xf32> to vector<16xf32>
          %swap3A_503 = vector.shape_cast %get3A_496 : vector<16xf32> to vector<1x1x16xf32>
          tpu.vector_store %arg8[%swap3A_498, %swap3A_499, %swap3A_500], %swap3A_503 {add = true, strides = array<i32>} : memref<3x200x128xf32, #tpu.memory_space<vmem>>, vector<1x1x16xf32>,
          %get3A_504 = arith.index_cast %add3A_492 : i32 to index
          %get3A_505 = arith.constant 16 : index
          %get3A_506 = tpu.vector_load %arg6[%get3A_504, %get3A_505] {strides = array<i32>} : memref<200x128xf32, #tpu.memory_space<vmem>>, vector<1x16xf32>,
          %get3A_507 = vector.shape_cast %get3A_506 : vector<1x16xf32> to vector<16xf32>
          %swap3A_508 = arith.constant 1 : i32
          %swap3A_509 = arith.index_cast %swap3A_508 : i32 to index
          %swap3A_510 = arith.index_cast %add3A_492 : i32 to index
          %swap3A_511 = arith.constant 16 : index
          %swap3A_512 = tpu.vector_load %arg8[%swap3A_509, %swap3A_510, %swap3A_511] {strides = array<i32>} : memref<3x200x128xf32, #tpu.memory_space<vmem>>, vector<1x1x16xf32>,
          %swap3A_513 = vector.shape_cast %swap3A_512 : vector<1x1x16xf32> to vector<16xf32>
          %swap3A_514 = vector.shape_cast %get3A_507 : vector<16xf32> to vector<1x1x16xf32>
          tpu.vector_store %arg8[%swap3A_509, %swap3A_510, %swap3A_511], %swap3A_514 {add = true, strides = array<i32>} : memref<3x200x128xf32, #tpu.memory_space<vmem>>, vector<1x1x16xf32>,
          %get3A_515 = arith.index_cast %add3A_492 : i32 to index
          %get3A_516 = arith.constant 32 : index
          %get3A_517 = tpu.vector_load %arg6[%get3A_515, %get3A_516] {strides = array<i32>} : memref<200x128xf32, #tpu.memory_space<vmem>>, vector<1x16xf32>,
          %get3A_518 = vector.shape_cast %get3A_517 : vector<1x16xf32> to vector<16xf32>
          %swap3A_519 = arith.constant 1 : i32
          %swap3A_520 = arith.index_cast %swap3A_519 : i32 to index
          %swap3A_521 = arith.index_cast %add3A_492 : i32 to index
          %swap3A_522 = arith.constant 32 : index
          %swap3A_523 = tpu.vector_load %arg8[%swap3A_520, %swap3A_521, %swap3A_522] {strides = array<i32>} : memref<3x200x128xf32, #tpu.memory_space<vmem>>, vector<1x1x16xf32>,
          %swap3A_524 = vector.shape_cast %swap3A_523 : vector<1x1x16xf32> to vector<16xf32>
          %swap3A_525 = vector.shape_cast %get3A_518 : vector<16xf32> to vector<1x1x16xf32>
          tpu.vector_store %arg8[%swap3A_520, %swap3A_521, %swap3A_522], %swap3A_525 {add = true, strides = array<i32>} : memref<3x200x128xf32, #tpu.memory_space<vmem>>, vector<1x1x16xf32>,
          %get3A_526 = arith.index_cast %add3A_492 : i32 to index
          %get3A_527 = arith.constant 48 : index
          %get3A_528 = tpu.vector_load %arg6[%get3A_526, %get3A_527] {strides = array<i32>} : memref<200x128xf32, #tpu.memory_space<vmem>>, vector<1x16xf32>,
          %get3A_529 = vector.shape_cast %get3A_528 : vector<1x16xf32> to vector<16xf32>
          %swap3A_530 = arith.constant 1 : i32
          %swap3A_531 = arith.index_cast %swap3A_530 : i32 to index
          %swap3A_532 = arith.index_cast %add3A_492 : i32 to index
          %swap3A_533 = arith.constant 48 : index
          %swap3A_534 = tpu.vector_load %arg8[%swap3A_531, %swap3A_532, %swap3A_533] {strides = array<i32>} : memref<3x200x128xf32, #tpu.memory_space<vmem>>, vector<1x1x16xf32>,
          %swap3A_535 = vector.shape_cast %swap3A_534 : vector<1x1x16xf32> to vector<16xf32>
          %swap3A_536 = vector.shape_cast %get3A_529 : vector<16xf32> to vector<1x1x16xf32>
          tpu.vector_store %arg8[%swap3A_531, %swap3A_532, %swap3A_533], %swap3A_536 {add = true, strides = array<i32>} : memref<3x200x128xf32, #tpu.memory_space<vmem>>, vector<1x1x16xf32>,
          %get3A_537 = arith.index_cast %add3A_492 : i32 to index
          %get3A_538 = arith.constant 64 : index
          %get3A_539 = tpu.vector_load %arg6[%get3A_537, %get3A_538] {strides = array<i32>} : memref<200x128xf32, #tpu.memory_space<vmem>>, vector<1x16xf32>,
          %get3A_540 = vector.shape_cast %get3A_539 : vector<1x16xf32> to vector<16xf32>
          %swap3A_541 = arith.constant 1 : i32
          %swap3A_542 = arith.index_cast %swap3A_541 : i32 to index
          %swap3A_543 = arith.index_cast %add3A_492 : i32 to index
          %swap3A_544 = arith.constant 64 : index
          %swap3A_545 = tpu.vector_load %arg8[%swap3A_542, %swap3A_543, %swap3A_544] {strides = array<i32>} : memref<3x200x128xf32, #tpu.memory_space<vmem>>, vector<1x1x16xf32>,
          %swap3A_546 = vector.shape_cast %swap3A_545 : vector<1x1x16xf32> to vector<16xf32>
          %swap3A_547 = vector.shape_cast %get3A_540 : vector<16xf32> to vector<1x1x16xf32>
          tpu.vector_store %arg8[%swap3A_542, %swap3A_543, %swap3A_544], %swap3A_547 {add = true, strides = array<i32>} : memref<3x200x128xf32, #tpu.memory_space<vmem>>, vector<1x1x16xf32>,
          %get3A_548 = arith.index_cast %add3A_492 : i32 to index
          %get3A_549 = arith.constant 80 : index
          %get3A_550 = tpu.vector_load %arg6[%get3A_548, %get3A_549] {strides = array<i32>} : memref<200x128xf32, #tpu.memory_space<vmem>>, vector<1x16xf32>,
          %get3A_551 = vector.shape_cast %get3A_550 : vector<1x16xf32> to vector<16xf32>
          %swap3A_552 = arith.constant 1 : i32
          %swap3A_553 = arith.index_cast %swap3A_552 : i32 to index
          %swap3A_554 = arith.index_cast %add3A_492 : i32 to index
          %swap3A_555 = arith.constant 80 : index
          %swap3A_556 = tpu.vector_load %arg8[%swap3A_553, %swap3A_554, %swap3A_555] {strides = array<i32>} : memref<3x200x128xf32, #tpu.memory_space<vmem>>, vector<1x1x16xf32>,
          %swap3A_557 = vector.shape_cast %swap3A_556 : vector<1x1x16xf32> to vector<16xf32>
          %swap3A_558 = vector.shape_cast %get3A_551 : vector<16xf32> to vector<1x1x16xf32>
          tpu.vector_store %arg8[%swap3A_553, %swap3A_554, %swap3A_555], %swap3A_558 {add = true, strides = array<i32>} : memref<3x200x128xf32, #tpu.memory_space<vmem>>, vector<1x1x16xf32>,
          %get3A_559 = arith.index_cast %add3A_492 : i32 to index
          %get3A_560 = arith.constant 96 : index
          %get3A_561 = tpu.vector_load %arg6[%get3A_559, %get3A_560] {strides = array<i32>} : memref<200x128xf32, #tpu.memory_space<vmem>>, vector<1x16xf32>,
          %get3A_562 = vector.shape_cast %get3A_561 : vector<1x16xf32> to vector<16xf32>
          %swap3A_563 = arith.constant 1 : i32
          %swap3A_564 = arith.index_cast %swap3A_563 : i32 to index
          %swap3A_565 = arith.index_cast %add3A_492 : i32 to index
          %swap3A_566 = arith.constant 96 : index
          %swap3A_567 = tpu.vector_load %arg8[%swap3A_564, %swap3A_565, %swap3A_566] {strides = array<i32>} : memref<3x200x128xf32, #tpu.memory_space<vmem>>, vector<1x1x16xf32>,
          %swap3A_568 = vector.shape_cast %swap3A_567 : vector<1x1x16xf32> to vector<16xf32>
          %swap3A_569 = vector.shape_cast %get3A_562 : vector<16xf32> to vector<1x1x16xf32>
          tpu.vector_store %arg8[%swap3A_564, %swap3A_565, %swap3A_566], %swap3A_569 {add = true, strides = array<i32>} : memref<3x200x128xf32, #tpu.memory_space<vmem>>, vector<1x1x16xf32>,
          %get3A_570 = arith.index_cast %add3A_492 : i32 to index
          %get3A_571 = arith.constant 112 : index
          %get3A_572 = tpu.vector_load %arg6[%get3A_570, %get3A_571] {strides = array<i32>} : memref<200x128xf32, #tpu.memory_space<vmem>>, vector<1x16xf32>,
          %get3A_573 = vector.shape_cast %get3A_572 : vector<1x16xf32> to vector<16xf32>
          %swap3A_574 = arith.constant 1 : i32
          %swap3A_575 = arith.index_cast %swap3A_574 : i32 to index
          %swap3A_576 = arith.index_cast %add3A_492 : i32 to index
          %swap3A_577 = arith.constant 112 : index
          %swap3A_578 = tpu.vector_load %arg8[%swap3A_575, %swap3A_576, %swap3A_577] {strides = array<i32>} : memref<3x200x128xf32, #tpu.memory_space<vmem>>, vector<1x1x16xf32>,
          %swap3A_579 = vector.shape_cast %swap3A_578 : vector<1x1x16xf32> to vector<16xf32>
          %swap3A_580 = vector.shape_cast %get3A_573 : vector<16xf32> to vector<1x1x16xf32>
          tpu.vector_store %arg8[%swap3A_575, %swap3A_576, %swap3A_577], %swap3A_580 {add = true, strides = array<i32>} : memref<3x200x128xf32, #tpu.memory_space<vmem>>, vector<1x1x16xf32>,
        }
        %scan3A_371 = arith.constant 100 : i32
        %mul3A_372 = arith.constant 200 : i32
        %mul3A_373 = arith.muli %add3A_337, %mul3A_372 : i32
        %add3A_374 = arith.addi %mul3A_2, %mul3A_373 : i32
        %dma_start3A_375 = arith.constant 1 : i32
        %dma_start3A_376 = arith.constant 1 : i32
        %dma_start3A_377 = arith.constant 0 : i32
        %dma_start3A_378 = arith.constant 0 : i32
        %dma_start3A_379 = tpu.memref_slice %arg8[%dma_start3A_375, %dma_start3A_377, %dma_start3A_378] : memref<3x200x128xf32, #tpu.memory_space<vmem>> -> memref<1x200x128xf32, #tpu.memory_space<vmem>>
        %dma_start3A_380 = tpu.memref_squeeze %dma_start3A_379 : memref<1x200x128xf32, #tpu.memory_space<vmem>> -> memref<200x128xf32, #tpu.memory_space<vmem>>
        %dma_start3A_381 = arith.constant 0 : i32
        %dma_start3A_382 = tpu.memref_slice %arg5[%add3A_374, %dma_start3A_381] : memref<204800x128xf32, #tpu.memory_space<hbm>> -> memref<200x128xf32, #tpu.memory_space<hbm>>
        %dma_start3A_383 = tpu.memref_slice %arg10[%dma_start3A_376] : memref<3x!tpu.dma_semaphore, #tpu.memory_space<semaphore_mem>> -> memref<1x!tpu.dma_semaphore, #tpu.memory_space<semaphore_mem>>
        %dma_start3A_384 = tpu.memref_squeeze %dma_start3A_383 : memref<1x!tpu.dma_semaphore, #tpu.memory_space<semaphore_mem>> -> memref<!tpu.dma_semaphore, #tpu.memory_space<semaphore_mem>>
        %dma_start3A_385 = arith.constant 0 : i32
        %dma_start3A_386 = tpu.memref_slice %arg5[%add3A_374, %dma_start3A_385] : memref<204800x128xf32, #tpu.memory_space<hbm>> -> memref<200x128xf32, #tpu.memory_space<hbm>>
        %dma_start3A_387 = arith.constant 0 : i32
        %dma_start3A_388 = arith.constant 0 : i32
        %dma_start3A_389 = tpu.memref_slice %arg8[%dma_start3A_375, %dma_start3A_387, %dma_start3A_388] : memref<3x200x128xf32, #tpu.memory_space<vmem>> -> memref<1x200x128xf32, #tpu.memory_space<vmem>>
        %dma_start3A_390 = tpu.memref_squeeze %dma_start3A_389 : memref<1x200x128xf32, #tpu.memory_space<vmem>> -> memref<200x128xf32, #tpu.memory_space<vmem>>
        tpu.enqueue_dma source(%dma_start3A_390 : memref<200x128xf32, #tpu.memory_space<vmem>>) target(%dma_start3A_386 : memref<200x128xf32, #tpu.memory_space<hbm>>) target_semaphore(%dma_start3A_384 : memref<!tpu.dma_semaphore, #tpu.memory_space<semaphore_mem>>)
        %add3A_391 = arith.constant 2 : i32
        %add3A_392 = arith.addi %add3A_337, %add3A_391 : i32
        %lt3A_393 = arith.constant 32 : i32
        %lt3A_394 = arith.cmpi slt, %add3A_392, %lt3A_393 : i32
        %convert_element_type3A_395 = arith.extui %lt3A_394 : i1 to i32
        %cond3A_396 = arith.constant 0 : i32
        %cond3A_397 = arith.cmpi ne, %convert_element_type3A_395, %cond3A_396 : i32
        scf.if %cond3A_397 {
          %ge3A = arith.constant 1 : i32
          %ge3A_398 = arith.cmpi sge, %add3A_337, %ge3A : i32
          %convert_element_type3A_399 = arith.extui %ge3A_398 : i1 to i32
          %cond3A_400 = arith.constant 0 : i32
          %cond3A_401 = arith.cmpi ne, %convert_element_type3A_399, %cond3A_400 : i32
          scf.if %cond3A_401 {
            %sub3A = arith.constant 1 : i32
            %sub3A_418 = arith.subi %add3A_337, %sub3A : i32
            %mul3A_419 = arith.constant 200 : i32
            %mul3A_420 = arith.muli %sub3A_418, %mul3A_419 : i32
            %add3A_421 = arith.addi %mul3A_2, %mul3A_420 : i32
            %dma_wait3A_422 = arith.constant 0 : i32
            %dma_wait3A_423 = arith.constant 0 : i32
            %dma_wait3A_424 = arith.constant 0 : i32
            %dma_wait3A_425 = arith.constant 0 : i32
            %dma_wait3A_426 = tpu.memref_slice %arg8[%dma_wait3A_422, %dma_wait3A_424, %dma_wait3A_425] : memref<3x200x128xf32, #tpu.memory_space<vmem>> -> memref<1x200x128xf32, #tpu.memory_space<vmem>>
            %dma_wait3A_427 = tpu.memref_squeeze %dma_wait3A_426 : memref<1x200x128xf32, #tpu.memory_space<vmem>> -> memref<200x128xf32, #tpu.memory_space<vmem>>
            %dma_wait3A_428 = arith.constant 0 : i32
            %dma_wait3A_429 = tpu.memref_slice %arg5[%add3A_421, %dma_wait3A_428] : memref<204800x128xf32, #tpu.memory_space<hbm>> -> memref<200x128xf32, #tpu.memory_space<hbm>>
            %dma_wait3A_430 = tpu.memref_slice %arg10[%dma_wait3A_423] : memref<3x!tpu.dma_semaphore, #tpu.memory_space<semaphore_mem>> -> memref<1x!tpu.dma_semaphore, #tpu.memory_space<semaphore_mem>>
            %dma_wait3A_431 = tpu.memref_squeeze %dma_wait3A_430 : memref<1x!tpu.dma_semaphore, #tpu.memory_space<semaphore_mem>> -> memref<!tpu.dma_semaphore, #tpu.memory_space<semaphore_mem>>
            %dma_wait3A_432 = arith.constant 0 : i32
            %dma_wait3A_433 = tpu.memref_slice %arg5[%add3A_421, %dma_wait3A_432] : memref<204800x128xf32, #tpu.memory_space<hbm>> -> memref<200x128xf32, #tpu.memory_space<hbm>>
            %dma_wait3A_434 = arith.constant 0 : i32
            %dma_wait3A_435 = arith.constant 0 : i32
            %dma_wait3A_436 = tpu.memref_slice %arg8[%dma_wait3A_422, %dma_wait3A_434, %dma_wait3A_435] : memref<3x200x128xf32, #tpu.memory_space<vmem>> -> memref<1x200x128xf32, #tpu.memory_space<vmem>>
            %dma_wait3A_437 = tpu.memref_squeeze %dma_wait3A_436 : memref<1x200x128xf32, #tpu.memory_space<vmem>> -> memref<200x128xf32, #tpu.memory_space<vmem>>
            tpu.wait_dma2 semaphore(%dma_wait3A_431 : memref<!tpu.dma_semaphore, #tpu.memory_space<semaphore_mem>>) src(%dma_wait3A_437 : memref<200x128xf32, #tpu.memory_space<vmem>>) dst(%dma_wait3A_433 : memref<200x128xf32, #tpu.memory_space<hbm>>)
          } else {
          }
          %add3A_402 = arith.constant 2 : i32
          %add3A_403 = arith.addi %add3A_337, %add3A_402 : i32
          %mul3A_404 = arith.constant 200 : i32
          %mul3A_405 = arith.muli %add3A_403, %mul3A_404 : i32
          %dma_start3A_406 = arith.constant 0 : i32
          %dma_start3A_407 = arith.constant 0 : i32
          %dma_start3A_408 = arith.constant 0 : i32
          %dma_start3A_409 = arith.constant 0 : i32
          %dma_start3A_410 = tpu.memref_slice %arg8[%dma_start3A_406, %dma_start3A_408, %dma_start3A_409] : memref<3x200x128xf32, #tpu.memory_space<vmem>> -> memref<1x200x128xf32, #tpu.memory_space<vmem>>
          %dma_start3A_411 = tpu.memref_squeeze %dma_start3A_410 : memref<1x200x128xf32, #tpu.memory_space<vmem>> -> memref<200x128xf32, #tpu.memory_space<vmem>>
          %dma_start3A_412 = tpu.memref_slice %arg7[%mul3A_405] : memref<6400xi32, #tpu.memory_space<vmem>> -> memref<200xi32, #tpu.memory_space<vmem>>
          %dma_start3A_413 = arith.constant 0 : i32
          %dma_start3A_414 = arith.constant 0 : i32
          %dma_start3A_415 = tpu.memref_slice %arg2[%dma_start3A_413, %dma_start3A_414] : memref<100000x128xf32, #tpu.memory_space<hbm>> -> memref<100000x128xf32, #tpu.memory_space<hbm>>
          %dma_start3A_416 = tpu.memref_slice %arg9[%dma_start3A_407] : memref<3x!tpu.dma_semaphore, #tpu.memory_space<semaphore_mem>> -> memref<1x!tpu.dma_semaphore, #tpu.memory_space<semaphore_mem>>
          %dma_start3A_417 = tpu.memref_squeeze %dma_start3A_416 : memref<1x!tpu.dma_semaphore, #tpu.memory_space<semaphore_mem>> -> memref<!tpu.dma_semaphore, #tpu.memory_space<semaphore_mem>>
          tpu.enqueue_indirect_dma source(%dma_start3A_415 : memref<100000x128xf32, #tpu.memory_space<hbm>>) target(%dma_start3A_411 : memref<200x128xf32, #tpu.memory_space<vmem>>) offsets(%dma_start3A_412 : memref<200xi32, #tpu.memory_space<vmem>>) semaphore(%dma_start3A_417 : memref<!tpu.dma_semaphore, #tpu.memory_space<semaphore_mem>>)
        } else {
        }
      } else {
      }
      %mul3A_343 = arith.constant 3 : i32
      %mul3A_344 = arith.muli %scan3A_327, %mul3A_343 : i32
      %add3A_345 = arith.constant 2 : i32
      %add3A_346 = arith.addi %mul3A_344, %add3A_345 : i32
      %lt3A_347 = arith.constant 31 : i32
      %lt3A_348 = arith.cmpi slt, %add3A_346, %lt3A_347 : i32
      %convert_element_type3A_349 = arith.extui %lt3A_348 : i1 to i32
      %cond3A_350 = arith.constant 0 : i32
      %cond3A_351 = arith.cmpi ne, %convert_element_type3A_349, %cond3A_350 : i32
      scf.if %cond3A_351 {
        %mul3A_352 = arith.constant 200 : i32
        %mul3A_353 = arith.muli %add3A_346, %mul3A_352 : i32
        %dma_wait3A_354 = arith.constant 2 : i32
        %dma_wait3A_355 = arith.constant 2 : i32
        %dma_wait3A_356 = arith.constant 0 : i32
        %dma_wait3A_357 = arith.constant 0 : i32
        %dma_wait3A_358 = tpu.memref_slice %arg8[%dma_wait3A_354, %dma_wait3A_356, %dma_wait3A_357] : memref<3x200x128xf32, #tpu.memory_space<vmem>> -> memref<1x200x128xf32, #tpu.memory_space<vmem>>
        %dma_wait3A_359 = tpu.memref_squeeze %dma_wait3A_358 : memref<1x200x128xf32, #tpu.memory_space<vmem>> -> memref<200x128xf32, #tpu.memory_space<vmem>>
        %dma_wait3A_360 = tpu.memref_slice %arg7[%mul3A_353] : memref<6400xi32, #tpu.memory_space<vmem>> -> memref<200xi32, #tpu.memory_space<vmem>>
        %dma_wait3A_361 = arith.constant 0 : i32
        %dma_wait3A_362 = arith.constant 0 : i32
        %dma_wait3A_363 = tpu.memref_slice %arg2[%dma_wait3A_361, %dma_wait3A_362] : memref<100000x128xf32, #tpu.memory_space<hbm>> -> memref<100000x128xf32, #tpu.memory_space<hbm>>
        %dma_wait3A_364 = tpu.memref_slice %arg9[%dma_wait3A_355] : memref<3x!tpu.dma_semaphore, #tpu.memory_space<semaphore_mem>> -> memref<1x!tpu.dma_semaphore, #tpu.memory_space<semaphore_mem>>
        %dma_wait3A_365 = tpu.memref_squeeze %dma_wait3A_364 : memref<1x!tpu.dma_semaphore, #tpu.memory_space<semaphore_mem>> -> memref<!tpu.dma_semaphore, #tpu.memory_space<semaphore_mem>>
        tpu.wait_indirect_dma semaphore(%dma_wait3A_365 : memref<!tpu.dma_semaphore, #tpu.memory_space<semaphore_mem>>) src(%dma_wait3A_363 : memref<100000x128xf32, #tpu.memory_space<hbm>>) dst(%dma_wait3A_359 : memref<200x128xf32, #tpu.memory_space<vmem>>)
        %scan3A_366 = arith.constant 0 : i32
        %scan3A_367 = arith.constant 0 : i32
        %scan3A_368 = arith.constant 100 : i32
        %scan3A_369 = arith.addi %scan3A_367, %scan3A_368 : i32
        %scan3A_370 = arith.constant 1 : i32
        scf.for %scan3A_398 = %scan3A_367 to %scan3A_369 step %scan3A_370  : i32 {
          %mul3A_399 = arith.constant 2 : i32
          %mul3A_400 = arith.muli %scan3A_398, %mul3A_399 : i32
          %add3A_401 = arith.constant 0 : i32
          %add3A_402 = arith.addi %mul3A_400, %add3A_401 : i32
          %get3A = arith.index_cast %add3A_402 : i32 to index
          %get3A_403 = arith.constant 0 : index
          %get3A_404 = tpu.vector_load %arg6[%get3A, %get3A_403] {strides = array<i32>} : memref<200x128xf32, #tpu.memory_space<vmem>>, vector<1x16xf32>,
          %get3A_405 = vector.shape_cast %get3A_404 : vector<1x16xf32> to vector<16xf32>
          %swap3A = arith.constant 2 : i32
          %swap3A_406 = arith.index_cast %swap3A : i32 to index
          %swap3A_407 = arith.index_cast %add3A_402 : i32 to index
          %swap3A_408 = arith.constant 0 : index
          %swap3A_409 = tpu.vector_load %arg8[%swap3A_406, %swap3A_407, %swap3A_408] {strides = array<i32>} : memref<3x200x128xf32, #tpu.memory_space<vmem>>, vector<1x1x16xf32>,
          %swap3A_410 = vector.shape_cast %swap3A_409 : vector<1x1x16xf32> to vector<16xf32>
          %swap3A_411 = vector.shape_cast %get3A_405 : vector<16xf32> to vector<1x1x16xf32>
          tpu.vector_store %arg8[%swap3A_406, %swap3A_407, %swap3A_408], %swap3A_411 {add = true, strides = array<i32>} : memref<3x200x128xf32, #tpu.memory_space<vmem>>, vector<1x1x16xf32>,
          %get3A_412 = arith.index_cast %add3A_402 : i32 to index
          %get3A_413 = arith.constant 16 : index
          %get3A_414 = tpu.vector_load %arg6[%get3A_412, %get3A_413] {strides = array<i32>} : memref<200x128xf32, #tpu.memory_space<vmem>>, vector<1x16xf32>,
          %get3A_415 = vector.shape_cast %get3A_414 : vector<1x16xf32> to vector<16xf32>
          %swap3A_416 = arith.constant 2 : i32
          %swap3A_417 = arith.index_cast %swap3A_416 : i32 to index
          %swap3A_418 = arith.index_cast %add3A_402 : i32 to index
          %swap3A_419 = arith.constant 16 : index
          %swap3A_420 = tpu.vector_load %arg8[%swap3A_417, %swap3A_418, %swap3A_419] {strides = array<i32>} : memref<3x200x128xf32, #tpu.memory_space<vmem>>, vector<1x1x16xf32>,
          %swap3A_421 = vector.shape_cast %swap3A_420 : vector<1x1x16xf32> to vector<16xf32>
          %swap3A_422 = vector.shape_cast %get3A_415 : vector<16xf32> to vector<1x1x16xf32>
          tpu.vector_store %arg8[%swap3A_417, %swap3A_418, %swap3A_419], %swap3A_422 {add = true, strides = array<i32>} : memref<3x200x128xf32, #tpu.memory_space<vmem>>, vector<1x1x16xf32>,
          %get3A_423 = arith.index_cast %add3A_402 : i32 to index
          %get3A_424 = arith.constant 32 : index
          %get3A_425 = tpu.vector_load %arg6[%get3A_423, %get3A_424] {strides = array<i32>} : memref<200x128xf32, #tpu.memory_space<vmem>>, vector<1x16xf32>,
          %get3A_426 = vector.shape_cast %get3A_425 : vector<1x16xf32> to vector<16xf32>
          %swap3A_427 = arith.constant 2 : i32
          %swap3A_428 = arith.index_cast %swap3A_427 : i32 to index
          %swap3A_429 = arith.index_cast %add3A_402 : i32 to index
          %swap3A_430 = arith.constant 32 : index
          %swap3A_431 = tpu.vector_load %arg8[%swap3A_428, %swap3A_429, %swap3A_430] {strides = array<i32>} : memref<3x200x128xf32, #tpu.memory_space<vmem>>, vector<1x1x16xf32>,
          %swap3A_432 = vector.shape_cast %swap3A_431 : vector<1x1x16xf32> to vector<16xf32>
          %swap3A_433 = vector.shape_cast %get3A_426 : vector<16xf32> to vector<1x1x16xf32>
          tpu.vector_store %arg8[%swap3A_428, %swap3A_429, %swap3A_430], %swap3A_433 {add = true, strides = array<i32>} : memref<3x200x128xf32, #tpu.memory_space<vmem>>, vector<1x1x16xf32>,
          %get3A_434 = arith.index_cast %add3A_402 : i32 to index
          %get3A_435 = arith.constant 48 : index
          %get3A_436 = tpu.vector_load %arg6[%get3A_434, %get3A_435] {strides = array<i32>} : memref<200x128xf32, #tpu.memory_space<vmem>>, vector<1x16xf32>,
          %get3A_437 = vector.shape_cast %get3A_436 : vector<1x16xf32> to vector<16xf32>
          %swap3A_438 = arith.constant 2 : i32
          %swap3A_439 = arith.index_cast %swap3A_438 : i32 to index
          %swap3A_440 = arith.index_cast %add3A_402 : i32 to index
          %swap3A_441 = arith.constant 48 : index
          %swap3A_442 = tpu.vector_load %arg8[%swap3A_439, %swap3A_440, %swap3A_441] {strides = array<i32>} : memref<3x200x128xf32, #tpu.memory_space<vmem>>, vector<1x1x16xf32>,
          %swap3A_443 = vector.shape_cast %swap3A_442 : vector<1x1x16xf32> to vector<16xf32>
          %swap3A_444 = vector.shape_cast %get3A_437 : vector<16xf32> to vector<1x1x16xf32>
          tpu.vector_store %arg8[%swap3A_439, %swap3A_440, %swap3A_441], %swap3A_444 {add = true, strides = array<i32>} : memref<3x200x128xf32, #tpu.memory_space<vmem>>, vector<1x1x16xf32>,
          %get3A_445 = arith.index_cast %add3A_402 : i32 to index
          %get3A_446 = arith.constant 64 : index
          %get3A_447 = tpu.vector_load %arg6[%get3A_445, %get3A_446] {strides = array<i32>} : memref<200x128xf32, #tpu.memory_space<vmem>>, vector<1x16xf32>,
          %get3A_448 = vector.shape_cast %get3A_447 : vector<1x16xf32> to vector<16xf32>
          %swap3A_449 = arith.constant 2 : i32
          %swap3A_450 = arith.index_cast %swap3A_449 : i32 to index
          %swap3A_451 = arith.index_cast %add3A_402 : i32 to index
          %swap3A_452 = arith.constant 64 : index
          %swap3A_453 = tpu.vector_load %arg8[%swap3A_450, %swap3A_451, %swap3A_452] {strides = array<i32>} : memref<3x200x128xf32, #tpu.memory_space<vmem>>, vector<1x1x16xf32>,
          %swap3A_454 = vector.shape_cast %swap3A_453 : vector<1x1x16xf32> to vector<16xf32>
          %swap3A_455 = vector.shape_cast %get3A_448 : vector<16xf32> to vector<1x1x16xf32>
          tpu.vector_store %arg8[%swap3A_450, %swap3A_451, %swap3A_452], %swap3A_455 {add = true, strides = array<i32>} : memref<3x200x128xf32, #tpu.memory_space<vmem>>, vector<1x1x16xf32>,
          %get3A_456 = arith.index_cast %add3A_402 : i32 to index
          %get3A_457 = arith.constant 80 : index
          %get3A_458 = tpu.vector_load %arg6[%get3A_456, %get3A_457] {strides = array<i32>} : memref<200x128xf32, #tpu.memory_space<vmem>>, vector<1x16xf32>,
          %get3A_459 = vector.shape_cast %get3A_458 : vector<1x16xf32> to vector<16xf32>
          %swap3A_460 = arith.constant 2 : i32
          %swap3A_461 = arith.index_cast %swap3A_460 : i32 to index
          %swap3A_462 = arith.index_cast %add3A_402 : i32 to index
          %swap3A_463 = arith.constant 80 : index
          %swap3A_464 = tpu.vector_load %arg8[%swap3A_461, %swap3A_462, %swap3A_463] {strides = array<i32>} : memref<3x200x128xf32, #tpu.memory_space<vmem>>, vector<1x1x16xf32>,
          %swap3A_465 = vector.shape_cast %swap3A_464 : vector<1x1x16xf32> to vector<16xf32>
          %swap3A_466 = vector.shape_cast %get3A_459 : vector<16xf32> to vector<1x1x16xf32>
          tpu.vector_store %arg8[%swap3A_461, %swap3A_462, %swap3A_463], %swap3A_466 {add = true, strides = array<i32>} : memref<3x200x128xf32, #tpu.memory_space<vmem>>, vector<1x1x16xf32>,
          %get3A_467 = arith.index_cast %add3A_402 : i32 to index
          %get3A_468 = arith.constant 96 : index
          %get3A_469 = tpu.vector_load %arg6[%get3A_467, %get3A_468] {strides = array<i32>} : memref<200x128xf32, #tpu.memory_space<vmem>>, vector<1x16xf32>,
          %get3A_470 = vector.shape_cast %get3A_469 : vector<1x16xf32> to vector<16xf32>
          %swap3A_471 = arith.constant 2 : i32
          %swap3A_472 = arith.index_cast %swap3A_471 : i32 to index
          %swap3A_473 = arith.index_cast %add3A_402 : i32 to index
          %swap3A_474 = arith.constant 96 : index
          %swap3A_475 = tpu.vector_load %arg8[%swap3A_472, %swap3A_473, %swap3A_474] {strides = array<i32>} : memref<3x200x128xf32, #tpu.memory_space<vmem>>, vector<1x1x16xf32>,
          %swap3A_476 = vector.shape_cast %swap3A_475 : vector<1x1x16xf32> to vector<16xf32>
          %swap3A_477 = vector.shape_cast %get3A_470 : vector<16xf32> to vector<1x1x16xf32>
          tpu.vector_store %arg8[%swap3A_472, %swap3A_473, %swap3A_474], %swap3A_477 {add = true, strides = array<i32>} : memref<3x200x128xf32, #tpu.memory_space<vmem>>, vector<1x1x16xf32>,
          %get3A_478 = arith.index_cast %add3A_402 : i32 to index
          %get3A_479 = arith.constant 112 : index
          %get3A_480 = tpu.vector_load %arg6[%get3A_478, %get3A_479] {strides = array<i32>} : memref<200x128xf32, #tpu.memory_space<vmem>>, vector<1x16xf32>,
          %get3A_481 = vector.shape_cast %get3A_480 : vector<1x16xf32> to vector<16xf32>
          %swap3A_482 = arith.constant 2 : i32
          %swap3A_483 = arith.index_cast %swap3A_482 : i32 to index
          %swap3A_484 = arith.index_cast %add3A_402 : i32 to index
          %swap3A_485 = arith.constant 112 : index
          %swap3A_486 = tpu.vector_load %arg8[%swap3A_483, %swap3A_484, %swap3A_485] {strides = array<i32>} : memref<3x200x128xf32, #tpu.memory_space<vmem>>, vector<1x1x16xf32>,
          %swap3A_487 = vector.shape_cast %swap3A_486 : vector<1x1x16xf32> to vector<16xf32>
          %swap3A_488 = vector.shape_cast %get3A_481 : vector<16xf32> to vector<1x1x16xf32>
          tpu.vector_store %arg8[%swap3A_483, %swap3A_484, %swap3A_485], %swap3A_488 {add = true, strides = array<i32>} : memref<3x200x128xf32, #tpu.memory_space<vmem>>, vector<1x1x16xf32>,
          %mul3A_489 = arith.constant 2 : i32
          %mul3A_490 = arith.muli %scan3A_398, %mul3A_489 : i32
          %add3A_491 = arith.constant 1 : i32
          %add3A_492 = arith.addi %mul3A_490, %add3A_491 : i32
          %get3A_493 = arith.index_cast %add3A_492 : i32 to index
          %get3A_494 = arith.constant 0 : index
          %get3A_495 = tpu.vector_load %arg6[%get3A_493, %get3A_494] {strides = array<i32>} : memref<200x128xf32, #tpu.memory_space<vmem>>, vector<1x16xf32>,
          %get3A_496 = vector.shape_cast %get3A_495 : vector<1x16xf32> to vector<16xf32>
          %swap3A_497 = arith.constant 2 : i32
          %swap3A_498 = arith.index_cast %swap3A_497 : i32 to index
          %swap3A_499 = arith.index_cast %add3A_492 : i32 to index
          %swap3A_500 = arith.constant 0 : index
          %swap3A_501 = tpu.vector_load %arg8[%swap3A_498, %swap3A_499, %swap3A_500] {strides = array<i32>} : memref<3x200x128xf32, #tpu.memory_space<vmem>>, vector<1x1x16xf32>,
          %swap3A_502 = vector.shape_cast %swap3A_501 : vector<1x1x16xf32> to vector<16xf32>
          %swap3A_503 = vector.shape_cast %get3A_496 : vector<16xf32> to vector<1x1x16xf32>
          tpu.vector_store %arg8[%swap3A_498, %swap3A_499, %swap3A_500], %swap3A_503 {add = true, strides = array<i32>} : memref<3x200x128xf32, #tpu.memory_space<vmem>>, vector<1x1x16xf32>,
          %get3A_504 = arith.index_cast %add3A_492 : i32 to index
          %get3A_505 = arith.constant 16 : index
          %get3A_506 = tpu.vector_load %arg6[%get3A_504, %get3A_505] {strides = array<i32>} : memref<200x128xf32, #tpu.memory_space<vmem>>, vector<1x16xf32>,
          %get3A_507 = vector.shape_cast %get3A_506 : vector<1x16xf32> to vector<16xf32>
          %swap3A_508 = arith.constant 2 : i32
          %swap3A_509 = arith.index_cast %swap3A_508 : i32 to index
          %swap3A_510 = arith.index_cast %add3A_492 : i32 to index
          %swap3A_511 = arith.constant 16 : index
          %swap3A_512 = tpu.vector_load %arg8[%swap3A_509, %swap3A_510, %swap3A_511] {strides = array<i32>} : memref<3x200x128xf32, #tpu.memory_space<vmem>>, vector<1x1x16xf32>,
          %swap3A_513 = vector.shape_cast %swap3A_512 : vector<1x1x16xf32> to vector<16xf32>
          %swap3A_514 = vector.shape_cast %get3A_507 : vector<16xf32> to vector<1x1x16xf32>
          tpu.vector_store %arg8[%swap3A_509, %swap3A_510, %swap3A_511], %swap3A_514 {add = true, strides = array<i32>} : memref<3x200x128xf32, #tpu.memory_space<vmem>>, vector<1x1x16xf32>,
          %get3A_515 = arith.index_cast %add3A_492 : i32 to index
          %get3A_516 = arith.constant 32 : index
          %get3A_517 = tpu.vector_load %arg6[%get3A_515, %get3A_516] {strides = array<i32>} : memref<200x128xf32, #tpu.memory_space<vmem>>, vector<1x16xf32>,
          %get3A_518 = vector.shape_cast %get3A_517 : vector<1x16xf32> to vector<16xf32>
          %swap3A_519 = arith.constant 2 : i32
          %swap3A_520 = arith.index_cast %swap3A_519 : i32 to index
          %swap3A_521 = arith.index_cast %add3A_492 : i32 to index
          %swap3A_522 = arith.constant 32 : index
          %swap3A_523 = tpu.vector_load %arg8[%swap3A_520, %swap3A_521, %swap3A_522] {strides = array<i32>} : memref<3x200x128xf32, #tpu.memory_space<vmem>>, vector<1x1x16xf32>,
          %swap3A_524 = vector.shape_cast %swap3A_523 : vector<1x1x16xf32> to vector<16xf32>
          %swap3A_525 = vector.shape_cast %get3A_518 : vector<16xf32> to vector<1x1x16xf32>
          tpu.vector_store %arg8[%swap3A_520, %swap3A_521, %swap3A_522], %swap3A_525 {add = true, strides = array<i32>} : memref<3x200x128xf32, #tpu.memory_space<vmem>>, vector<1x1x16xf32>,
          %get3A_526 = arith.index_cast %add3A_492 : i32 to index
          %get3A_527 = arith.constant 48 : index
          %get3A_528 = tpu.vector_load %arg6[%get3A_526, %get3A_527] {strides = array<i32>} : memref<200x128xf32, #tpu.memory_space<vmem>>, vector<1x16xf32>,
          %get3A_529 = vector.shape_cast %get3A_528 : vector<1x16xf32> to vector<16xf32>
          %swap3A_530 = arith.constant 2 : i32
          %swap3A_531 = arith.index_cast %swap3A_530 : i32 to index
          %swap3A_532 = arith.index_cast %add3A_492 : i32 to index
          %swap3A_533 = arith.constant 48 : index
          %swap3A_534 = tpu.vector_load %arg8[%swap3A_531, %swap3A_532, %swap3A_533] {strides = array<i32>} : memref<3x200x128xf32, #tpu.memory_space<vmem>>, vector<1x1x16xf32>,
          %swap3A_535 = vector.shape_cast %swap3A_534 : vector<1x1x16xf32> to vector<16xf32>
          %swap3A_536 = vector.shape_cast %get3A_529 : vector<16xf32> to vector<1x1x16xf32>
          tpu.vector_store %arg8[%swap3A_531, %swap3A_532, %swap3A_533], %swap3A_536 {add = true, strides = array<i32>} : memref<3x200x128xf32, #tpu.memory_space<vmem>>, vector<1x1x16xf32>,
          %get3A_537 = arith.index_cast %add3A_492 : i32 to index
          %get3A_538 = arith.constant 64 : index
          %get3A_539 = tpu.vector_load %arg6[%get3A_537, %get3A_538] {strides = array<i32>} : memref<200x128xf32, #tpu.memory_space<vmem>>, vector<1x16xf32>,
          %get3A_540 = vector.shape_cast %get3A_539 : vector<1x16xf32> to vector<16xf32>
          %swap3A_541 = arith.constant 2 : i32
          %swap3A_542 = arith.index_cast %swap3A_541 : i32 to index
          %swap3A_543 = arith.index_cast %add3A_492 : i32 to index
          %swap3A_544 = arith.constant 64 : index
          %swap3A_545 = tpu.vector_load %arg8[%swap3A_542, %swap3A_543, %swap3A_544] {strides = array<i32>} : memref<3x200x128xf32, #tpu.memory_space<vmem>>, vector<1x1x16xf32>,
          %swap3A_546 = vector.shape_cast %swap3A_545 : vector<1x1x16xf32> to vector<16xf32>
          %swap3A_547 = vector.shape_cast %get3A_540 : vector<16xf32> to vector<1x1x16xf32>
          tpu.vector_store %arg8[%swap3A_542, %swap3A_543, %swap3A_544], %swap3A_547 {add = true, strides = array<i32>} : memref<3x200x128xf32, #tpu.memory_space<vmem>>, vector<1x1x16xf32>,
          %get3A_548 = arith.index_cast %add3A_492 : i32 to index
          %get3A_549 = arith.constant 80 : index
          %get3A_550 = tpu.vector_load %arg6[%get3A_548, %get3A_549] {strides = array<i32>} : memref<200x128xf32, #tpu.memory_space<vmem>>, vector<1x16xf32>,
          %get3A_551 = vector.shape_cast %get3A_550 : vector<1x16xf32> to vector<16xf32>
          %swap3A_552 = arith.constant 2 : i32
          %swap3A_553 = arith.index_cast %swap3A_552 : i32 to index
          %swap3A_554 = arith.index_cast %add3A_492 : i32 to index
          %swap3A_555 = arith.constant 80 : index
          %swap3A_556 = tpu.vector_load %arg8[%swap3A_553, %swap3A_554, %swap3A_555] {strides = array<i32>} : memref<3x200x128xf32, #tpu.memory_space<vmem>>, vector<1x1x16xf32>,
          %swap3A_557 = vector.shape_cast %swap3A_556 : vector<1x1x16xf32> to vector<16xf32>
          %swap3A_558 = vector.shape_cast %get3A_551 : vector<16xf32> to vector<1x1x16xf32>
          tpu.vector_store %arg8[%swap3A_553, %swap3A_554, %swap3A_555], %swap3A_558 {add = true, strides = array<i32>} : memref<3x200x128xf32, #tpu.memory_space<vmem>>, vector<1x1x16xf32>,
          %get3A_559 = arith.index_cast %add3A_492 : i32 to index
          %get3A_560 = arith.constant 96 : index
          %get3A_561 = tpu.vector_load %arg6[%get3A_559, %get3A_560] {strides = array<i32>} : memref<200x128xf32, #tpu.memory_space<vmem>>, vector<1x16xf32>,
          %get3A_562 = vector.shape_cast %get3A_561 : vector<1x16xf32> to vector<16xf32>
          %swap3A_563 = arith.constant 2 : i32
          %swap3A_564 = arith.index_cast %swap3A_563 : i32 to index
          %swap3A_565 = arith.index_cast %add3A_492 : i32 to index
          %swap3A_566 = arith.constant 96 : index
          %swap3A_567 = tpu.vector_load %arg8[%swap3A_564, %swap3A_565, %swap3A_566] {strides = array<i32>} : memref<3x200x128xf32, #tpu.memory_space<vmem>>, vector<1x1x16xf32>,
          %swap3A_568 = vector.shape_cast %swap3A_567 : vector<1x1x16xf32> to vector<16xf32>
          %swap3A_569 = vector.shape_cast %get3A_562 : vector<16xf32> to vector<1x1x16xf32>
          tpu.vector_store %arg8[%swap3A_564, %swap3A_565, %swap3A_566], %swap3A_569 {add = true, strides = array<i32>} : memref<3x200x128xf32, #tpu.memory_space<vmem>>, vector<1x1x16xf32>,
          %get3A_570 = arith.index_cast %add3A_492 : i32 to index
          %get3A_571 = arith.constant 112 : index
          %get3A_572 = tpu.vector_load %arg6[%get3A_570, %get3A_571] {strides = array<i32>} : memref<200x128xf32, #tpu.memory_space<vmem>>, vector<1x16xf32>,
          %get3A_573 = vector.shape_cast %get3A_572 : vector<1x16xf32> to vector<16xf32>
          %swap3A_574 = arith.constant 2 : i32
          %swap3A_575 = arith.index_cast %swap3A_574 : i32 to index
          %swap3A_576 = arith.index_cast %add3A_492 : i32 to index
          %swap3A_577 = arith.constant 112 : index
          %swap3A_578 = tpu.vector_load %arg8[%swap3A_575, %swap3A_576, %swap3A_577] {strides = array<i32>} : memref<3x200x128xf32, #tpu.memory_space<vmem>>, vector<1x1x16xf32>,
          %swap3A_579 = vector.shape_cast %swap3A_578 : vector<1x1x16xf32> to vector<16xf32>
          %swap3A_580 = vector.shape_cast %get3A_573 : vector<16xf32> to vector<1x1x16xf32>
          tpu.vector_store %arg8[%swap3A_575, %swap3A_576, %swap3A_577], %swap3A_580 {add = true, strides = array<i32>} : memref<3x200x128xf32, #tpu.memory_space<vmem>>, vector<1x1x16xf32>,
        }
        %scan3A_371 = arith.constant 100 : i32
        %mul3A_372 = arith.constant 200 : i32
        %mul3A_373 = arith.muli %add3A_346, %mul3A_372 : i32
        %add3A_374 = arith.addi %mul3A_2, %mul3A_373 : i32
        %dma_start3A_375 = arith.constant 2 : i32
        %dma_start3A_376 = arith.constant 2 : i32
        %dma_start3A_377 = arith.constant 0 : i32
        %dma_start3A_378 = arith.constant 0 : i32
        %dma_start3A_379 = tpu.memref_slice %arg8[%dma_start3A_375, %dma_start3A_377, %dma_start3A_378] : memref<3x200x128xf32, #tpu.memory_space<vmem>> -> memref<1x200x128xf32, #tpu.memory_space<vmem>>
        %dma_start3A_380 = tpu.memref_squeeze %dma_start3A_379 : memref<1x200x128xf32, #tpu.memory_space<vmem>> -> memref<200x128xf32, #tpu.memory_space<vmem>>
        %dma_start3A_381 = arith.constant 0 : i32
        %dma_start3A_382 = tpu.memref_slice %arg5[%add3A_374, %dma_start3A_381] : memref<204800x128xf32, #tpu.memory_space<hbm>> -> memref<200x128xf32, #tpu.memory_space<hbm>>
        %dma_start3A_383 = tpu.memref_slice %arg10[%dma_start3A_376] : memref<3x!tpu.dma_semaphore, #tpu.memory_space<semaphore_mem>> -> memref<1x!tpu.dma_semaphore, #tpu.memory_space<semaphore_mem>>
        %dma_start3A_384 = tpu.memref_squeeze %dma_start3A_383 : memref<1x!tpu.dma_semaphore, #tpu.memory_space<semaphore_mem>> -> memref<!tpu.dma_semaphore, #tpu.memory_space<semaphore_mem>>
        %dma_start3A_385 = arith.constant 0 : i32
        %dma_start3A_386 = tpu.memref_slice %arg5[%add3A_374, %dma_start3A_385] : memref<204800x128xf32, #tpu.memory_space<hbm>> -> memref<200x128xf32, #tpu.memory_space<hbm>>
        %dma_start3A_387 = arith.constant 0 : i32
        %dma_start3A_388 = arith.constant 0 : i32
        %dma_start3A_389 = tpu.memref_slice %arg8[%dma_start3A_375, %dma_start3A_387, %dma_start3A_388] : memref<3x200x128xf32, #tpu.memory_space<vmem>> -> memref<1x200x128xf32, #tpu.memory_space<vmem>>
        %dma_start3A_390 = tpu.memref_squeeze %dma_start3A_389 : memref<1x200x128xf32, #tpu.memory_space<vmem>> -> memref<200x128xf32, #tpu.memory_space<vmem>>
        tpu.enqueue_dma source(%dma_start3A_390 : memref<200x128xf32, #tpu.memory_space<vmem>>) target(%dma_start3A_386 : memref<200x128xf32, #tpu.memory_space<hbm>>) target_semaphore(%dma_start3A_384 : memref<!tpu.dma_semaphore, #tpu.memory_space<semaphore_mem>>)
        %add3A_391 = arith.constant 2 : i32
        %add3A_392 = arith.addi %add3A_346, %add3A_391 : i32
        %lt3A_393 = arith.constant 32 : i32
        %lt3A_394 = arith.cmpi slt, %add3A_392, %lt3A_393 : i32
        %convert_element_type3A_395 = arith.extui %lt3A_394 : i1 to i32
        %cond3A_396 = arith.constant 0 : i32
        %cond3A_397 = arith.cmpi ne, %convert_element_type3A_395, %cond3A_396 : i32
        scf.if %cond3A_397 {
          %ge3A = arith.constant 1 : i32
          %ge3A_398 = arith.cmpi sge, %add3A_346, %ge3A : i32
          %convert_element_type3A_399 = arith.extui %ge3A_398 : i1 to i32
          %cond3A_400 = arith.constant 0 : i32
          %cond3A_401 = arith.cmpi ne, %convert_element_type3A_399, %cond3A_400 : i32
          scf.if %cond3A_401 {
            %sub3A = arith.constant 1 : i32
            %sub3A_418 = arith.subi %add3A_346, %sub3A : i32
            %mul3A_419 = arith.constant 200 : i32
            %mul3A_420 = arith.muli %sub3A_418, %mul3A_419 : i32
            %add3A_421 = arith.addi %mul3A_2, %mul3A_420 : i32
            %dma_wait3A_422 = arith.constant 1 : i32
            %dma_wait3A_423 = arith.constant 1 : i32
            %dma_wait3A_424 = arith.constant 0 : i32
            %dma_wait3A_425 = arith.constant 0 : i32
            %dma_wait3A_426 = tpu.memref_slice %arg8[%dma_wait3A_422, %dma_wait3A_424, %dma_wait3A_425] : memref<3x200x128xf32, #tpu.memory_space<vmem>> -> memref<1x200x128xf32, #tpu.memory_space<vmem>>
            %dma_wait3A_427 = tpu.memref_squeeze %dma_wait3A_426 : memref<1x200x128xf32, #tpu.memory_space<vmem>> -> memref<200x128xf32, #tpu.memory_space<vmem>>
            %dma_wait3A_428 = arith.constant 0 : i32
            %dma_wait3A_429 = tpu.memref_slice %arg5[%add3A_421, %dma_wait3A_428] : memref<204800x128xf32, #tpu.memory_space<hbm>> -> memref<200x128xf32, #tpu.memory_space<hbm>>
            %dma_wait3A_430 = tpu.memref_slice %arg10[%dma_wait3A_423] : memref<3x!tpu.dma_semaphore, #tpu.memory_space<semaphore_mem>> -> memref<1x!tpu.dma_semaphore, #tpu.memory_space<semaphore_mem>>
            %dma_wait3A_431 = tpu.memref_squeeze %dma_wait3A_430 : memref<1x!tpu.dma_semaphore, #tpu.memory_space<semaphore_mem>> -> memref<!tpu.dma_semaphore, #tpu.memory_space<semaphore_mem>>
            %dma_wait3A_432 = arith.constant 0 : i32
            %dma_wait3A_433 = tpu.memref_slice %arg5[%add3A_421, %dma_wait3A_432] : memref<204800x128xf32, #tpu.memory_space<hbm>> -> memref<200x128xf32, #tpu.memory_space<hbm>>
            %dma_wait3A_434 = arith.constant 0 : i32
            %dma_wait3A_435 = arith.constant 0 : i32
            %dma_wait3A_436 = tpu.memref_slice %arg8[%dma_wait3A_422, %dma_wait3A_434, %dma_wait3A_435] : memref<3x200x128xf32, #tpu.memory_space<vmem>> -> memref<1x200x128xf32, #tpu.memory_space<vmem>>
            %dma_wait3A_437 = tpu.memref_squeeze %dma_wait3A_436 : memref<1x200x128xf32, #tpu.memory_space<vmem>> -> memref<200x128xf32, #tpu.memory_space<vmem>>
            tpu.wait_dma2 semaphore(%dma_wait3A_431 : memref<!tpu.dma_semaphore, #tpu.memory_space<semaphore_mem>>) src(%dma_wait3A_437 : memref<200x128xf32, #tpu.memory_space<vmem>>) dst(%dma_wait3A_433 : memref<200x128xf32, #tpu.memory_space<hbm>>)
          } else {
          }
          %add3A_402 = arith.constant 2 : i32
          %add3A_403 = arith.addi %add3A_346, %add3A_402 : i32
          %mul3A_404 = arith.constant 200 : i32
          %mul3A_405 = arith.muli %add3A_403, %mul3A_404 : i32
          %dma_start3A_406 = arith.constant 1 : i32
          %dma_start3A_407 = arith.constant 1 : i32
          %dma_start3A_408 = arith.constant 0 : i32
          %dma_start3A_409 = arith.constant 0 : i32
          %dma_start3A_410 = tpu.memref_slice %arg8[%dma_start3A_406, %dma_start3A_408, %dma_start3A_409] : memref<3x200x128xf32, #tpu.memory_space<vmem>> -> memref<1x200x128xf32, #tpu.memory_space<vmem>>
          %dma_start3A_411 = tpu.memref_squeeze %dma_start3A_410 : memref<1x200x128xf32, #tpu.memory_space<vmem>> -> memref<200x128xf32, #tpu.memory_space<vmem>>
          %dma_start3A_412 = tpu.memref_slice %arg7[%mul3A_405] : memref<6400xi32, #tpu.memory_space<vmem>> -> memref<200xi32, #tpu.memory_space<vmem>>
          %dma_start3A_413 = arith.constant 0 : i32
          %dma_start3A_414 = arith.constant 0 : i32
          %dma_start3A_415 = tpu.memref_slice %arg2[%dma_start3A_413, %dma_start3A_414] : memref<100000x128xf32, #tpu.memory_space<hbm>> -> memref<100000x128xf32, #tpu.memory_space<hbm>>
          %dma_start3A_416 = tpu.memref_slice %arg9[%dma_start3A_407] : memref<3x!tpu.dma_semaphore, #tpu.memory_space<semaphore_mem>> -> memref<1x!tpu.dma_semaphore, #tpu.memory_space<semaphore_mem>>
          %dma_start3A_417 = tpu.memref_squeeze %dma_start3A_416 : memref<1x!tpu.dma_semaphore, #tpu.memory_space<semaphore_mem>> -> memref<!tpu.dma_semaphore, #tpu.memory_space<semaphore_mem>>
          tpu.enqueue_indirect_dma source(%dma_start3A_415 : memref<100000x128xf32, #tpu.memory_space<hbm>>) target(%dma_start3A_411 : memref<200x128xf32, #tpu.memory_space<vmem>>) offsets(%dma_start3A_412 : memref<200xi32, #tpu.memory_space<vmem>>) semaphore(%dma_start3A_417 : memref<!tpu.dma_semaphore, #tpu.memory_space<semaphore_mem>>)
        } else {
        }
      } else {
      }
    }
    %scan3A_47 = arith.constant 11 : i32
    %dma_wait3A_48 = arith.constant 1 : i32
    %dma_wait3A_49 = arith.constant 1 : i32
    %dma_wait3A_50 = arith.constant 0 : i32
    %dma_wait3A_51 = arith.constant 0 : i32
    %dma_wait3A_52 = tpu.memref_slice %arg8[%dma_wait3A_48, %dma_wait3A_50, %dma_wait3A_51] : memref<3x200x128xf32, #tpu.memory_space<vmem>> -> memref<1x200x128xf32, #tpu.memory_space<vmem>>
    %dma_wait3A_53 = tpu.memref_squeeze %dma_wait3A_52 : memref<1x200x128xf32, #tpu.memory_space<vmem>> -> memref<200x128xf32, #tpu.memory_space<vmem>>
    %dma_wait3A_54 = arith.constant 6200 : i32
    %dma_wait3A_55 = tpu.memref_slice %arg7[%dma_wait3A_54] : memref<6400xi32, #tpu.memory_space<vmem>> -> memref<200xi32, #tpu.memory_space<vmem>>
    %dma_wait3A_56 = arith.constant 0 : i32
    %dma_wait3A_57 = arith.constant 0 : i32
    %dma_wait3A_58 = tpu.memref_slice %arg2[%dma_wait3A_56, %dma_wait3A_57] : memref<100000x128xf32, #tpu.memory_space<hbm>> -> memref<100000x128xf32, #tpu.memory_space<hbm>>
    %dma_wait3A_59 = tpu.memref_slice %arg9[%dma_wait3A_49] : memref<3x!tpu.dma_semaphore, #tpu.memory_space<semaphore_mem>> -> memref<1x!tpu.dma_semaphore, #tpu.memory_space<semaphore_mem>>
    %dma_wait3A_60 = tpu.memref_squeeze %dma_wait3A_59 : memref<1x!tpu.dma_semaphore, #tpu.memory_space<semaphore_mem>> -> memref<!tpu.dma_semaphore, #tpu.memory_space<semaphore_mem>>
    tpu.wait_indirect_dma semaphore(%dma_wait3A_60 : memref<!tpu.dma_semaphore, #tpu.memory_space<semaphore_mem>>) src(%dma_wait3A_58 : memref<100000x128xf32, #tpu.memory_space<hbm>>) dst(%dma_wait3A_53 : memref<200x128xf32, #tpu.memory_space<vmem>>)
    %scan3A_61 = arith.constant 0 : i32
    %scan3A_62 = arith.constant 0 : i32
    %scan3A_63 = arith.constant 20 : i32
    %scan3A_64 = arith.addi %scan3A_62, %scan3A_63 : i32
    %scan3A_65 = arith.constant 1 : i32
    scf.for %scan3A_327 = %scan3A_62 to %scan3A_64 step %scan3A_65  : i32 {
      %mul3A_328 = arith.constant 2 : i32
      %mul3A_329 = arith.muli %scan3A_327, %mul3A_328 : i32
      %add3A_330 = arith.constant 0 : i32
      %add3A_331 = arith.addi %add3A_330, %mul3A_329 : i32
      %add3A_332 = arith.constant 0 : i32
      %add3A_333 = arith.addi %add3A_331, %add3A_332 : i32
      %get3A = arith.index_cast %add3A_333 : i32 to index
      %get3A_334 = arith.constant 0 : index
      %get3A_335 = tpu.vector_load %arg6[%get3A, %get3A_334] {strides = array<i32>} : memref<200x128xf32, #tpu.memory_space<vmem>>, vector<1x16xf32>,
      %get3A_336 = vector.shape_cast %get3A_335 : vector<1x16xf32> to vector<16xf32>
      %swap3A = arith.constant 1 : i32
      %swap3A_337 = arith.index_cast %swap3A : i32 to index
      %swap3A_338 = arith.index_cast %add3A_333 : i32 to index
      %swap3A_339 = arith.constant 0 : index
      %swap3A_340 = tpu.vector_load %arg8[%swap3A_337, %swap3A_338, %swap3A_339] {strides = array<i32>} : memref<3x200x128xf32, #tpu.memory_space<vmem>>, vector<1x1x16xf32>,
      %swap3A_341 = vector.shape_cast %swap3A_340 : vector<1x1x16xf32> to vector<16xf32>
      %swap3A_342 = vector.shape_cast %get3A_336 : vector<16xf32> to vector<1x1x16xf32>
      tpu.vector_store %arg8[%swap3A_337, %swap3A_338, %swap3A_339], %swap3A_342 {add = true, strides = array<i32>} : memref<3x200x128xf32, #tpu.memory_space<vmem>>, vector<1x1x16xf32>,
      %get3A_343 = arith.index_cast %add3A_333 : i32 to index
      %get3A_344 = arith.constant 16 : index
      %get3A_345 = tpu.vector_load %arg6[%get3A_343, %get3A_344] {strides = array<i32>} : memref<200x128xf32, #tpu.memory_space<vmem>>, vector<1x16xf32>,
      %get3A_346 = vector.shape_cast %get3A_345 : vector<1x16xf32> to vector<16xf32>
      %swap3A_347 = arith.constant 1 : i32
      %swap3A_348 = arith.index_cast %swap3A_347 : i32 to index
      %swap3A_349 = arith.index_cast %add3A_333 : i32 to index
      %swap3A_350 = arith.constant 16 : index
      %swap3A_351 = tpu.vector_load %arg8[%swap3A_348, %swap3A_349, %swap3A_350] {strides = array<i32>} : memref<3x200x128xf32, #tpu.memory_space<vmem>>, vector<1x1x16xf32>,
      %swap3A_352 = vector.shape_cast %swap3A_351 : vector<1x1x16xf32> to vector<16xf32>
      %swap3A_353 = vector.shape_cast %get3A_346 : vector<16xf32> to vector<1x1x16xf32>
      tpu.vector_store %arg8[%swap3A_348, %swap3A_349, %swap3A_350], %swap3A_353 {add = true, strides = array<i32>} : memref<3x200x128xf32, #tpu.memory_space<vmem>>, vector<1x1x16xf32>,
      %get3A_354 = arith.index_cast %add3A_333 : i32 to index
      %get3A_355 = arith.constant 32 : index
      %get3A_356 = tpu.vector_load %arg6[%get3A_354, %get3A_355] {strides = array<i32>} : memref<200x128xf32, #tpu.memory_space<vmem>>, vector<1x16xf32>,
      %get3A_357 = vector.shape_cast %get3A_356 : vector<1x16xf32> to vector<16xf32>
      %swap3A_358 = arith.constant 1 : i32
      %swap3A_359 = arith.index_cast %swap3A_358 : i32 to index
      %swap3A_360 = arith.index_cast %add3A_333 : i32 to index
      %swap3A_361 = arith.constant 32 : index
      %swap3A_362 = tpu.vector_load %arg8[%swap3A_359, %swap3A_360, %swap3A_361] {strides = array<i32>} : memref<3x200x128xf32, #tpu.memory_space<vmem>>, vector<1x1x16xf32>,
      %swap3A_363 = vector.shape_cast %swap3A_362 : vector<1x1x16xf32> to vector<16xf32>
      %swap3A_364 = vector.shape_cast %get3A_357 : vector<16xf32> to vector<1x1x16xf32>
      tpu.vector_store %arg8[%swap3A_359, %swap3A_360, %swap3A_361], %swap3A_364 {add = true, strides = array<i32>} : memref<3x200x128xf32, #tpu.memory_space<vmem>>, vector<1x1x16xf32>,
      %get3A_365 = arith.index_cast %add3A_333 : i32 to index
      %get3A_366 = arith.constant 48 : index
      %get3A_367 = tpu.vector_load %arg6[%get3A_365, %get3A_366] {strides = array<i32>} : memref<200x128xf32, #tpu.memory_space<vmem>>, vector<1x16xf32>,
      %get3A_368 = vector.shape_cast %get3A_367 : vector<1x16xf32> to vector<16xf32>
      %swap3A_369 = arith.constant 1 : i32
      %swap3A_370 = arith.index_cast %swap3A_369 : i32 to index
      %swap3A_371 = arith.index_cast %add3A_333 : i32 to index
      %swap3A_372 = arith.constant 48 : index
      %swap3A_373 = tpu.vector_load %arg8[%swap3A_370, %swap3A_371, %swap3A_372] {strides = array<i32>} : memref<3x200x128xf32, #tpu.memory_space<vmem>>, vector<1x1x16xf32>,
      %swap3A_374 = vector.shape_cast %swap3A_373 : vector<1x1x16xf32> to vector<16xf32>
      %swap3A_375 = vector.shape_cast %get3A_368 : vector<16xf32> to vector<1x1x16xf32>
      tpu.vector_store %arg8[%swap3A_370, %swap3A_371, %swap3A_372], %swap3A_375 {add = true, strides = array<i32>} : memref<3x200x128xf32, #tpu.memory_space<vmem>>, vector<1x1x16xf32>,
      %get3A_376 = arith.index_cast %add3A_333 : i32 to index
      %get3A_377 = arith.constant 64 : index
      %get3A_378 = tpu.vector_load %arg6[%get3A_376, %get3A_377] {strides = array<i32>} : memref<200x128xf32, #tpu.memory_space<vmem>>, vector<1x16xf32>,
      %get3A_379 = vector.shape_cast %get3A_378 : vector<1x16xf32> to vector<16xf32>
      %swap3A_380 = arith.constant 1 : i32
      %swap3A_381 = arith.index_cast %swap3A_380 : i32 to index
      %swap3A_382 = arith.index_cast %add3A_333 : i32 to index
      %swap3A_383 = arith.constant 64 : index
      %swap3A_384 = tpu.vector_load %arg8[%swap3A_381, %swap3A_382, %swap3A_383] {strides = array<i32>} : memref<3x200x128xf32, #tpu.memory_space<vmem>>, vector<1x1x16xf32>,
      %swap3A_385 = vector.shape_cast %swap3A_384 : vector<1x1x16xf32> to vector<16xf32>
      %swap3A_386 = vector.shape_cast %get3A_379 : vector<16xf32> to vector<1x1x16xf32>
      tpu.vector_store %arg8[%swap3A_381, %swap3A_382, %swap3A_383], %swap3A_386 {add = true, strides = array<i32>} : memref<3x200x128xf32, #tpu.memory_space<vmem>>, vector<1x1x16xf32>,
      %get3A_387 = arith.index_cast %add3A_333 : i32 to index
      %get3A_388 = arith.constant 80 : index
      %get3A_389 = tpu.vector_load %arg6[%get3A_387, %get3A_388] {strides = array<i32>} : memref<200x128xf32, #tpu.memory_space<vmem>>, vector<1x16xf32>,
      %get3A_390 = vector.shape_cast %get3A_389 : vector<1x16xf32> to vector<16xf32>
      %swap3A_391 = arith.constant 1 : i32
      %swap3A_392 = arith.index_cast %swap3A_391 : i32 to index
      %swap3A_393 = arith.index_cast %add3A_333 : i32 to index
      %swap3A_394 = arith.constant 80 : index
      %swap3A_395 = tpu.vector_load %arg8[%swap3A_392, %swap3A_393, %swap3A_394] {strides = array<i32>} : memref<3x200x128xf32, #tpu.memory_space<vmem>>, vector<1x1x16xf32>,
      %swap3A_396 = vector.shape_cast %swap3A_395 : vector<1x1x16xf32> to vector<16xf32>
      %swap3A_397 = vector.shape_cast %get3A_390 : vector<16xf32> to vector<1x1x16xf32>
      tpu.vector_store %arg8[%swap3A_392, %swap3A_393, %swap3A_394], %swap3A_397 {add = true, strides = array<i32>} : memref<3x200x128xf32, #tpu.memory_space<vmem>>, vector<1x1x16xf32>,
      %get3A_398 = arith.index_cast %add3A_333 : i32 to index
      %get3A_399 = arith.constant 96 : index
      %get3A_400 = tpu.vector_load %arg6[%get3A_398, %get3A_399] {strides = array<i32>} : memref<200x128xf32, #tpu.memory_space<vmem>>, vector<1x16xf32>,
      %get3A_401 = vector.shape_cast %get3A_400 : vector<1x16xf32> to vector<16xf32>
      %swap3A_402 = arith.constant 1 : i32
      %swap3A_403 = arith.index_cast %swap3A_402 : i32 to index
      %swap3A_404 = arith.index_cast %add3A_333 : i32 to index
      %swap3A_405 = arith.constant 96 : index
      %swap3A_406 = tpu.vector_load %arg8[%swap3A_403, %swap3A_404, %swap3A_405] {strides = array<i32>} : memref<3x200x128xf32, #tpu.memory_space<vmem>>, vector<1x1x16xf32>,
      %swap3A_407 = vector.shape_cast %swap3A_406 : vector<1x1x16xf32> to vector<16xf32>
      %swap3A_408 = vector.shape_cast %get3A_401 : vector<16xf32> to vector<1x1x16xf32>
      tpu.vector_store %arg8[%swap3A_403, %swap3A_404, %swap3A_405], %swap3A_408 {add = true, strides = array<i32>} : memref<3x200x128xf32, #tpu.memory_space<vmem>>, vector<1x1x16xf32>,
      %get3A_409 = arith.index_cast %add3A_333 : i32 to index
      %get3A_410 = arith.constant 112 : index
      %get3A_411 = tpu.vector_load %arg6[%get3A_409, %get3A_410] {strides = array<i32>} : memref<200x128xf32, #tpu.memory_space<vmem>>, vector<1x16xf32>,
      %get3A_412 = vector.shape_cast %get3A_411 : vector<1x16xf32> to vector<16xf32>
      %swap3A_413 = arith.constant 1 : i32
      %swap3A_414 = arith.index_cast %swap3A_413 : i32 to index
      %swap3A_415 = arith.index_cast %add3A_333 : i32 to index
      %swap3A_416 = arith.constant 112 : index
      %swap3A_417 = tpu.vector_load %arg8[%swap3A_414, %swap3A_415, %swap3A_416] {strides = array<i32>} : memref<3x200x128xf32, #tpu.memory_space<vmem>>, vector<1x1x16xf32>,
      %swap3A_418 = vector.shape_cast %swap3A_417 : vector<1x1x16xf32> to vector<16xf32>
      %swap3A_419 = vector.shape_cast %get3A_412 : vector<16xf32> to vector<1x1x16xf32>
      tpu.vector_store %arg8[%swap3A_414, %swap3A_415, %swap3A_416], %swap3A_419 {add = true, strides = array<i32>} : memref<3x200x128xf32, #tpu.memory_space<vmem>>, vector<1x1x16xf32>,
      %mul3A_420 = arith.constant 2 : i32
      %mul3A_421 = arith.muli %scan3A_327, %mul3A_420 : i32
      %add3A_422 = arith.constant 0 : i32
      %add3A_423 = arith.addi %add3A_422, %mul3A_421 : i32
      %add3A_424 = arith.constant 1 : i32
      %add3A_425 = arith.addi %add3A_423, %add3A_424 : i32
      %get3A_426 = arith.index_cast %add3A_425 : i32 to index
      %get3A_427 = arith.constant 0 : index
      %get3A_428 = tpu.vector_load %arg6[%get3A_426, %get3A_427] {strides = array<i32>} : memref<200x128xf32, #tpu.memory_space<vmem>>, vector<1x16xf32>,
      %get3A_429 = vector.shape_cast %get3A_428 : vector<1x16xf32> to vector<16xf32>
      %swap3A_430 = arith.constant 1 : i32
      %swap3A_431 = arith.index_cast %swap3A_430 : i32 to index
      %swap3A_432 = arith.index_cast %add3A_425 : i32 to index
      %swap3A_433 = arith.constant 0 : index
      %swap3A_434 = tpu.vector_load %arg8[%swap3A_431, %swap3A_432, %swap3A_433] {strides = array<i32>} : memref<3x200x128xf32, #tpu.memory_space<vmem>>, vector<1x1x16xf32>,
      %swap3A_435 = vector.shape_cast %swap3A_434 : vector<1x1x16xf32> to vector<16xf32>
      %swap3A_436 = vector.shape_cast %get3A_429 : vector<16xf32> to vector<1x1x16xf32>
      tpu.vector_store %arg8[%swap3A_431, %swap3A_432, %swap3A_433], %swap3A_436 {add = true, strides = array<i32>} : memref<3x200x128xf32, #tpu.memory_space<vmem>>, vector<1x1x16xf32>,
      %get3A_437 = arith.index_cast %add3A_425 : i32 to index
      %get3A_438 = arith.constant 16 : index
      %get3A_439 = tpu.vector_load %arg6[%get3A_437, %get3A_438] {strides = array<i32>} : memref<200x128xf32, #tpu.memory_space<vmem>>, vector<1x16xf32>,
      %get3A_440 = vector.shape_cast %get3A_439 : vector<1x16xf32> to vector<16xf32>
      %swap3A_441 = arith.constant 1 : i32
      %swap3A_442 = arith.index_cast %swap3A_441 : i32 to index
      %swap3A_443 = arith.index_cast %add3A_425 : i32 to index
      %swap3A_444 = arith.constant 16 : index
      %swap3A_445 = tpu.vector_load %arg8[%swap3A_442, %swap3A_443, %swap3A_444] {strides = array<i32>} : memref<3x200x128xf32, #tpu.memory_space<vmem>>, vector<1x1x16xf32>,
      %swap3A_446 = vector.shape_cast %swap3A_445 : vector<1x1x16xf32> to vector<16xf32>
      %swap3A_447 = vector.shape_cast %get3A_440 : vector<16xf32> to vector<1x1x16xf32>
      tpu.vector_store %arg8[%swap3A_442, %swap3A_443, %swap3A_444], %swap3A_447 {add = true, strides = array<i32>} : memref<3x200x128xf32, #tpu.memory_space<vmem>>, vector<1x1x16xf32>,
      %get3A_448 = arith.index_cast %add3A_425 : i32 to index
      %get3A_449 = arith.constant 32 : index
      %get3A_450 = tpu.vector_load %arg6[%get3A_448, %get3A_449] {strides = array<i32>} : memref<200x128xf32, #tpu.memory_space<vmem>>, vector<1x16xf32>,
      %get3A_451 = vector.shape_cast %get3A_450 : vector<1x16xf32> to vector<16xf32>
      %swap3A_452 = arith.constant 1 : i32
      %swap3A_453 = arith.index_cast %swap3A_452 : i32 to index
      %swap3A_454 = arith.index_cast %add3A_425 : i32 to index
      %swap3A_455 = arith.constant 32 : index
      %swap3A_456 = tpu.vector_load %arg8[%swap3A_453, %swap3A_454, %swap3A_455] {strides = array<i32>} : memref<3x200x128xf32, #tpu.memory_space<vmem>>, vector<1x1x16xf32>,
      %swap3A_457 = vector.shape_cast %swap3A_456 : vector<1x1x16xf32> to vector<16xf32>
      %swap3A_458 = vector.shape_cast %get3A_451 : vector<16xf32> to vector<1x1x16xf32>
      tpu.vector_store %arg8[%swap3A_453, %swap3A_454, %swap3A_455], %swap3A_458 {add = true, strides = array<i32>} : memref<3x200x128xf32, #tpu.memory_space<vmem>>, vector<1x1x16xf32>,
      %get3A_459 = arith.index_cast %add3A_425 : i32 to index
      %get3A_460 = arith.constant 48 : index
      %get3A_461 = tpu.vector_load %arg6[%get3A_459, %get3A_460] {strides = array<i32>} : memref<200x128xf32, #tpu.memory_space<vmem>>, vector<1x16xf32>,
      %get3A_462 = vector.shape_cast %get3A_461 : vector<1x16xf32> to vector<16xf32>
      %swap3A_463 = arith.constant 1 : i32
      %swap3A_464 = arith.index_cast %swap3A_463 : i32 to index
      %swap3A_465 = arith.index_cast %add3A_425 : i32 to index
      %swap3A_466 = arith.constant 48 : index
      %swap3A_467 = tpu.vector_load %arg8[%swap3A_464, %swap3A_465, %swap3A_466] {strides = array<i32>} : memref<3x200x128xf32, #tpu.memory_space<vmem>>, vector<1x1x16xf32>,
      %swap3A_468 = vector.shape_cast %swap3A_467 : vector<1x1x16xf32> to vector<16xf32>
      %swap3A_469 = vector.shape_cast %get3A_462 : vector<16xf32> to vector<1x1x16xf32>
      tpu.vector_store %arg8[%swap3A_464, %swap3A_465, %swap3A_466], %swap3A_469 {add = true, strides = array<i32>} : memref<3x200x128xf32, #tpu.memory_space<vmem>>, vector<1x1x16xf32>,
      %get3A_470 = arith.index_cast %add3A_425 : i32 to index
      %get3A_471 = arith.constant 64 : index
      %get3A_472 = tpu.vector_load %arg6[%get3A_470, %get3A_471] {strides = array<i32>} : memref<200x128xf32, #tpu.memory_space<vmem>>, vector<1x16xf32>,
      %get3A_473 = vector.shape_cast %get3A_472 : vector<1x16xf32> to vector<16xf32>
      %swap3A_474 = arith.constant 1 : i32
      %swap3A_475 = arith.index_cast %swap3A_474 : i32 to index
      %swap3A_476 = arith.index_cast %add3A_425 : i32 to index
      %swap3A_477 = arith.constant 64 : index
      %swap3A_478 = tpu.vector_load %arg8[%swap3A_475, %swap3A_476, %swap3A_477] {strides = array<i32>} : memref<3x200x128xf32, #tpu.memory_space<vmem>>, vector<1x1x16xf32>,
      %swap3A_479 = vector.shape_cast %swap3A_478 : vector<1x1x16xf32> to vector<16xf32>
      %swap3A_480 = vector.shape_cast %get3A_473 : vector<16xf32> to vector<1x1x16xf32>
      tpu.vector_store %arg8[%swap3A_475, %swap3A_476, %swap3A_477], %swap3A_480 {add = true, strides = array<i32>} : memref<3x200x128xf32, #tpu.memory_space<vmem>>, vector<1x1x16xf32>,
      %get3A_481 = arith.index_cast %add3A_425 : i32 to index
      %get3A_482 = arith.constant 80 : index
      %get3A_483 = tpu.vector_load %arg6[%get3A_481, %get3A_482] {strides = array<i32>} : memref<200x128xf32, #tpu.memory_space<vmem>>, vector<1x16xf32>,
      %get3A_484 = vector.shape_cast %get3A_483 : vector<1x16xf32> to vector<16xf32>
      %swap3A_485 = arith.constant 1 : i32
      %swap3A_486 = arith.index_cast %swap3A_485 : i32 to index
      %swap3A_487 = arith.index_cast %add3A_425 : i32 to index
      %swap3A_488 = arith.constant 80 : index
      %swap3A_489 = tpu.vector_load %arg8[%swap3A_486, %swap3A_487, %swap3A_488] {strides = array<i32>} : memref<3x200x128xf32, #tpu.memory_space<vmem>>, vector<1x1x16xf32>,
      %swap3A_490 = vector.shape_cast %swap3A_489 : vector<1x1x16xf32> to vector<16xf32>
      %swap3A_491 = vector.shape_cast %get3A_484 : vector<16xf32> to vector<1x1x16xf32>
      tpu.vector_store %arg8[%swap3A_486, %swap3A_487, %swap3A_488], %swap3A_491 {add = true, strides = array<i32>} : memref<3x200x128xf32, #tpu.memory_space<vmem>>, vector<1x1x16xf32>,
      %get3A_492 = arith.index_cast %add3A_425 : i32 to index
      %get3A_493 = arith.constant 96 : index
      %get3A_494 = tpu.vector_load %arg6[%get3A_492, %get3A_493] {strides = array<i32>} : memref<200x128xf32, #tpu.memory_space<vmem>>, vector<1x16xf32>,
      %get3A_495 = vector.shape_cast %get3A_494 : vector<1x16xf32> to vector<16xf32>
      %swap3A_496 = arith.constant 1 : i32
      %swap3A_497 = arith.index_cast %swap3A_496 : i32 to index
      %swap3A_498 = arith.index_cast %add3A_425 : i32 to index
      %swap3A_499 = arith.constant 96 : index
      %swap3A_500 = tpu.vector_load %arg8[%swap3A_497, %swap3A_498, %swap3A_499] {strides = array<i32>} : memref<3x200x128xf32, #tpu.memory_space<vmem>>, vector<1x1x16xf32>,
      %swap3A_501 = vector.shape_cast %swap3A_500 : vector<1x1x16xf32> to vector<16xf32>
      %swap3A_502 = vector.shape_cast %get3A_495 : vector<16xf32> to vector<1x1x16xf32>
      tpu.vector_store %arg8[%swap3A_497, %swap3A_498, %swap3A_499], %swap3A_502 {add = true, strides = array<i32>} : memref<3x200x128xf32, #tpu.memory_space<vmem>>, vector<1x1x16xf32>,
      %get3A_503 = arith.index_cast %add3A_425 : i32 to index
      %get3A_504 = arith.constant 112 : index
      %get3A_505 = tpu.vector_load %arg6[%get3A_503, %get3A_504] {strides = array<i32>} : memref<200x128xf32, #tpu.memory_space<vmem>>, vector<1x16xf32>,
      %get3A_506 = vector.shape_cast %get3A_505 : vector<1x16xf32> to vector<16xf32>
      %swap3A_507 = arith.constant 1 : i32
      %swap3A_508 = arith.index_cast %swap3A_507 : i32 to index
      %swap3A_509 = arith.index_cast %add3A_425 : i32 to index
      %swap3A_510 = arith.constant 112 : index
      %swap3A_511 = tpu.vector_load %arg8[%swap3A_508, %swap3A_509, %swap3A_510] {strides = array<i32>} : memref<3x200x128xf32, #tpu.memory_space<vmem>>, vector<1x1x16xf32>,
      %swap3A_512 = vector.shape_cast %swap3A_511 : vector<1x1x16xf32> to vector<16xf32>
      %swap3A_513 = vector.shape_cast %get3A_506 : vector<16xf32> to vector<1x1x16xf32>
      tpu.vector_store %arg8[%swap3A_508, %swap3A_509, %swap3A_510], %swap3A_513 {add = true, strides = array<i32>} : memref<3x200x128xf32, #tpu.memory_space<vmem>>, vector<1x1x16xf32>,
    }
    %scan3A_66 = arith.constant 20 : i32
    %add3A_67 = arith.constant 6200 : i32
    %add3A_68 = arith.addi %mul3A_2, %add3A_67 : i32
    %add3A_69 = arith.constant 0 : i32
    %add3A_70 = arith.addi %add3A_68, %add3A_69 : i32
    %dma_start3A_71 = arith.constant 1 : i32
    %dma_start3A_72 = arith.constant 1 : i32
    %dma_start3A_73 = arith.constant 0 : i32
    %dma_start3A_74 = arith.constant 0 : i32
    %dma_start3A_75 = tpu.memref_slice %arg8[%dma_start3A_71, %dma_start3A_73, %dma_start3A_74] : memref<3x200x128xf32, #tpu.memory_space<vmem>> -> memref<1x40x128xf32, #tpu.memory_space<vmem>>
    %dma_start3A_76 = tpu.memref_squeeze %dma_start3A_75 : memref<1x40x128xf32, #tpu.memory_space<vmem>> -> memref<40x128xf32, #tpu.memory_space<vmem>>
    %dma_start3A_77 = arith.constant 0 : i32
    %dma_start3A_78 = tpu.memref_slice %arg5[%add3A_70, %dma_start3A_77] : memref<204800x128xf32, #tpu.memory_space<hbm>> -> memref<40x128xf32, #tpu.memory_space<hbm>>
    %dma_start3A_79 = tpu.memref_slice %arg10[%dma_start3A_72] : memref<3x!tpu.dma_semaphore, #tpu.memory_space<semaphore_mem>> -> memref<1x!tpu.dma_semaphore, #tpu.memory_space<semaphore_mem>>
    %dma_start3A_80 = tpu.memref_squeeze %dma_start3A_79 : memref<1x!tpu.dma_semaphore, #tpu.memory_space<semaphore_mem>> -> memref<!tpu.dma_semaphore, #tpu.memory_space<semaphore_mem>>
    %dma_start3A_81 = arith.constant 0 : i32
    %dma_start3A_82 = tpu.memref_slice %arg5[%add3A_70, %dma_start3A_81] : memref<204800x128xf32, #tpu.memory_space<hbm>> -> memref<40x128xf32, #tpu.memory_space<hbm>>
    %dma_start3A_83 = arith.constant 0 : i32
    %dma_start3A_84 = arith.constant 0 : i32
    %dma_start3A_85 = tpu.memref_slice %arg8[%dma_start3A_71, %dma_start3A_83, %dma_start3A_84] : memref<3x200x128xf32, #tpu.memory_space<vmem>> -> memref<1x40x128xf32, #tpu.memory_space<vmem>>
    %dma_start3A_86 = tpu.memref_squeeze %dma_start3A_85 : memref<1x40x128xf32, #tpu.memory_space<vmem>> -> memref<40x128xf32, #tpu.memory_space<vmem>>
    tpu.enqueue_dma source(%dma_start3A_86 : memref<40x128xf32, #tpu.memory_space<vmem>>) target(%dma_start3A_82 : memref<40x128xf32, #tpu.memory_space<hbm>>) target_semaphore(%dma_start3A_80 : memref<!tpu.dma_semaphore, #tpu.memory_space<semaphore_mem>>)
    %scan3A_87 = arith.constant 0 : i32
    %scan3A_88 = arith.constant 0 : i32
    %scan3A_89 = arith.constant 20 : i32
    %scan3A_90 = arith.addi %scan3A_88, %scan3A_89 : i32
    %scan3A_91 = arith.constant 1 : i32
    scf.for %scan3A_327 = %scan3A_88 to %scan3A_90 step %scan3A_91  : i32 {
      %mul3A_328 = arith.constant 2 : i32
      %mul3A_329 = arith.muli %scan3A_327, %mul3A_328 : i32
      %add3A_330 = arith.constant 40 : i32
      %add3A_331 = arith.addi %add3A_330, %mul3A_329 : i32
      %add3A_332 = arith.constant 0 : i32
      %add3A_333 = arith.addi %add3A_331, %add3A_332 : i32
      %get3A = arith.index_cast %add3A_333 : i32 to index
      %get3A_334 = arith.constant 0 : index
      %get3A_335 = tpu.vector_load %arg6[%get3A, %get3A_334] {strides = array<i32>} : memref<200x128xf32, #tpu.memory_space<vmem>>, vector<1x16xf32>,
      %get3A_336 = vector.shape_cast %get3A_335 : vector<1x16xf32> to vector<16xf32>
      %swap3A = arith.constant 1 : i32
      %swap3A_337 = arith.index_cast %swap3A : i32 to index
      %swap3A_338 = arith.index_cast %add3A_333 : i32 to index
      %swap3A_339 = arith.constant 0 : index
      %swap3A_340 = tpu.vector_load %arg8[%swap3A_337, %swap3A_338, %swap3A_339] {strides = array<i32>} : memref<3x200x128xf32, #tpu.memory_space<vmem>>, vector<1x1x16xf32>,
      %swap3A_341 = vector.shape_cast %swap3A_340 : vector<1x1x16xf32> to vector<16xf32>
      %swap3A_342 = vector.shape_cast %get3A_336 : vector<16xf32> to vector<1x1x16xf32>
      tpu.vector_store %arg8[%swap3A_337, %swap3A_338, %swap3A_339], %swap3A_342 {add = true, strides = array<i32>} : memref<3x200x128xf32, #tpu.memory_space<vmem>>, vector<1x1x16xf32>,
      %get3A_343 = arith.index_cast %add3A_333 : i32 to index
      %get3A_344 = arith.constant 16 : index
      %get3A_345 = tpu.vector_load %arg6[%get3A_343, %get3A_344] {strides = array<i32>} : memref<200x128xf32, #tpu.memory_space<vmem>>, vector<1x16xf32>,
      %get3A_346 = vector.shape_cast %get3A_345 : vector<1x16xf32> to vector<16xf32>
      %swap3A_347 = arith.constant 1 : i32
      %swap3A_348 = arith.index_cast %swap3A_347 : i32 to index
      %swap3A_349 = arith.index_cast %add3A_333 : i32 to index
      %swap3A_350 = arith.constant 16 : index
      %swap3A_351 = tpu.vector_load %arg8[%swap3A_348, %swap3A_349, %swap3A_350] {strides = array<i32>} : memref<3x200x128xf32, #tpu.memory_space<vmem>>, vector<1x1x16xf32>,
      %swap3A_352 = vector.shape_cast %swap3A_351 : vector<1x1x16xf32> to vector<16xf32>
      %swap3A_353 = vector.shape_cast %get3A_346 : vector<16xf32> to vector<1x1x16xf32>
      tpu.vector_store %arg8[%swap3A_348, %swap3A_349, %swap3A_350], %swap3A_353 {add = true, strides = array<i32>} : memref<3x200x128xf32, #tpu.memory_space<vmem>>, vector<1x1x16xf32>,
      %get3A_354 = arith.index_cast %add3A_333 : i32 to index
      %get3A_355 = arith.constant 32 : index
      %get3A_356 = tpu.vector_load %arg6[%get3A_354, %get3A_355] {strides = array<i32>} : memref<200x128xf32, #tpu.memory_space<vmem>>, vector<1x16xf32>,
      %get3A_357 = vector.shape_cast %get3A_356 : vector<1x16xf32> to vector<16xf32>
      %swap3A_358 = arith.constant 1 : i32
      %swap3A_359 = arith.index_cast %swap3A_358 : i32 to index
      %swap3A_360 = arith.index_cast %add3A_333 : i32 to index
      %swap3A_361 = arith.constant 32 : index
      %swap3A_362 = tpu.vector_load %arg8[%swap3A_359, %swap3A_360, %swap3A_361] {strides = array<i32>} : memref<3x200x128xf32, #tpu.memory_space<vmem>>, vector<1x1x16xf32>,
      %swap3A_363 = vector.shape_cast %swap3A_362 : vector<1x1x16xf32> to vector<16xf32>
      %swap3A_364 = vector.shape_cast %get3A_357 : vector<16xf32> to vector<1x1x16xf32>
      tpu.vector_store %arg8[%swap3A_359, %swap3A_360, %swap3A_361], %swap3A_364 {add = true, strides = array<i32>} : memref<3x200x128xf32, #tpu.memory_space<vmem>>, vector<1x1x16xf32>,
      %get3A_365 = arith.index_cast %add3A_333 : i32 to index
      %get3A_366 = arith.constant 48 : index
      %get3A_367 = tpu.vector_load %arg6[%get3A_365, %get3A_366] {strides = array<i32>} : memref<200x128xf32, #tpu.memory_space<vmem>>, vector<1x16xf32>,
      %get3A_368 = vector.shape_cast %get3A_367 : vector<1x16xf32> to vector<16xf32>
      %swap3A_369 = arith.constant 1 : i32
      %swap3A_370 = arith.index_cast %swap3A_369 : i32 to index
      %swap3A_371 = arith.index_cast %add3A_333 : i32 to index
      %swap3A_372 = arith.constant 48 : index
      %swap3A_373 = tpu.vector_load %arg8[%swap3A_370, %swap3A_371, %swap3A_372] {strides = array<i32>} : memref<3x200x128xf32, #tpu.memory_space<vmem>>, vector<1x1x16xf32>,
      %swap3A_374 = vector.shape_cast %swap3A_373 : vector<1x1x16xf32> to vector<16xf32>
      %swap3A_375 = vector.shape_cast %get3A_368 : vector<16xf32> to vector<1x1x16xf32>
      tpu.vector_store %arg8[%swap3A_370, %swap3A_371, %swap3A_372], %swap3A_375 {add = true, strides = array<i32>} : memref<3x200x128xf32, #tpu.memory_space<vmem>>, vector<1x1x16xf32>,
      %get3A_376 = arith.index_cast %add3A_333 : i32 to index
      %get3A_377 = arith.constant 64 : index
      %get3A_378 = tpu.vector_load %arg6[%get3A_376, %get3A_377] {strides = array<i32>} : memref<200x128xf32, #tpu.memory_space<vmem>>, vector<1x16xf32>,
      %get3A_379 = vector.shape_cast %get3A_378 : vector<1x16xf32> to vector<16xf32>
      %swap3A_380 = arith.constant 1 : i32
      %swap3A_381 = arith.index_cast %swap3A_380 : i32 to index
      %swap3A_382 = arith.index_cast %add3A_333 : i32 to index
      %swap3A_383 = arith.constant 64 : index
      %swap3A_384 = tpu.vector_load %arg8[%swap3A_381, %swap3A_382, %swap3A_383] {strides = array<i32>} : memref<3x200x128xf32, #tpu.memory_space<vmem>>, vector<1x1x16xf32>,
      %swap3A_385 = vector.shape_cast %swap3A_384 : vector<1x1x16xf32> to vector<16xf32>
      %swap3A_386 = vector.shape_cast %get3A_379 : vector<16xf32> to vector<1x1x16xf32>
      tpu.vector_store %arg8[%swap3A_381, %swap3A_382, %swap3A_383], %swap3A_386 {add = true, strides = array<i32>} : memref<3x200x128xf32, #tpu.memory_space<vmem>>, vector<1x1x16xf32>,
      %get3A_387 = arith.index_cast %add3A_333 : i32 to index
      %get3A_388 = arith.constant 80 : index
      %get3A_389 = tpu.vector_load %arg6[%get3A_387, %get3A_388] {strides = array<i32>} : memref<200x128xf32, #tpu.memory_space<vmem>>, vector<1x16xf32>,
      %get3A_390 = vector.shape_cast %get3A_389 : vector<1x16xf32> to vector<16xf32>
      %swap3A_391 = arith.constant 1 : i32
      %swap3A_392 = arith.index_cast %swap3A_391 : i32 to index
      %swap3A_393 = arith.index_cast %add3A_333 : i32 to index
      %swap3A_394 = arith.constant 80 : index
      %swap3A_395 = tpu.vector_load %arg8[%swap3A_392, %swap3A_393, %swap3A_394] {strides = array<i32>} : memref<3x200x128xf32, #tpu.memory_space<vmem>>, vector<1x1x16xf32>,
      %swap3A_396 = vector.shape_cast %swap3A_395 : vector<1x1x16xf32> to vector<16xf32>
      %swap3A_397 = vector.shape_cast %get3A_390 : vector<16xf32> to vector<1x1x16xf32>
      tpu.vector_store %arg8[%swap3A_392, %swap3A_393, %swap3A_394], %swap3A_397 {add = true, strides = array<i32>} : memref<3x200x128xf32, #tpu.memory_space<vmem>>, vector<1x1x16xf32>,
      %get3A_398 = arith.index_cast %add3A_333 : i32 to index
      %get3A_399 = arith.constant 96 : index
      %get3A_400 = tpu.vector_load %arg6[%get3A_398, %get3A_399] {strides = array<i32>} : memref<200x128xf32, #tpu.memory_space<vmem>>, vector<1x16xf32>,
      %get3A_401 = vector.shape_cast %get3A_400 : vector<1x16xf32> to vector<16xf32>
      %swap3A_402 = arith.constant 1 : i32
      %swap3A_403 = arith.index_cast %swap3A_402 : i32 to index
      %swap3A_404 = arith.index_cast %add3A_333 : i32 to index
      %swap3A_405 = arith.constant 96 : index
      %swap3A_406 = tpu.vector_load %arg8[%swap3A_403, %swap3A_404, %swap3A_405] {strides = array<i32>} : memref<3x200x128xf32, #tpu.memory_space<vmem>>, vector<1x1x16xf32>,
      %swap3A_407 = vector.shape_cast %swap3A_406 : vector<1x1x16xf32> to vector<16xf32>
      %swap3A_408 = vector.shape_cast %get3A_401 : vector<16xf32> to vector<1x1x16xf32>
      tpu.vector_store %arg8[%swap3A_403, %swap3A_404, %swap3A_405], %swap3A_408 {add = true, strides = array<i32>} : memref<3x200x128xf32, #tpu.memory_space<vmem>>, vector<1x1x16xf32>,
      %get3A_409 = arith.index_cast %add3A_333 : i32 to index
      %get3A_410 = arith.constant 112 : index
      %get3A_411 = tpu.vector_load %arg6[%get3A_409, %get3A_410] {strides = array<i32>} : memref<200x128xf32, #tpu.memory_space<vmem>>, vector<1x16xf32>,
      %get3A_412 = vector.shape_cast %get3A_411 : vector<1x16xf32> to vector<16xf32>
      %swap3A_413 = arith.constant 1 : i32
      %swap3A_414 = arith.index_cast %swap3A_413 : i32 to index
      %swap3A_415 = arith.index_cast %add3A_333 : i32 to index
      %swap3A_416 = arith.constant 112 : index
      %swap3A_417 = tpu.vector_load %arg8[%swap3A_414, %swap3A_415, %swap3A_416] {strides = array<i32>} : memref<3x200x128xf32, #tpu.memory_space<vmem>>, vector<1x1x16xf32>,
      %swap3A_418 = vector.shape_cast %swap3A_417 : vector<1x1x16xf32> to vector<16xf32>
      %swap3A_419 = vector.shape_cast %get3A_412 : vector<16xf32> to vector<1x1x16xf32>
      tpu.vector_store %arg8[%swap3A_414, %swap3A_415, %swap3A_416], %swap3A_419 {add = true, strides = array<i32>} : memref<3x200x128xf32, #tpu.memory_space<vmem>>, vector<1x1x16xf32>,
      %mul3A_420 = arith.constant 2 : i32
      %mul3A_421 = arith.muli %scan3A_327, %mul3A_420 : i32
      %add3A_422 = arith.constant 40 : i32
      %add3A_423 = arith.addi %add3A_422, %mul3A_421 : i32
      %add3A_424 = arith.constant 1 : i32
      %add3A_425 = arith.addi %add3A_423, %add3A_424 : i32
      %get3A_426 = arith.index_cast %add3A_425 : i32 to index
      %get3A_427 = arith.constant 0 : index
      %get3A_428 = tpu.vector_load %arg6[%get3A_426, %get3A_427] {strides = array<i32>} : memref<200x128xf32, #tpu.memory_space<vmem>>, vector<1x16xf32>,
      %get3A_429 = vector.shape_cast %get3A_428 : vector<1x16xf32> to vector<16xf32>
      %swap3A_430 = arith.constant 1 : i32
      %swap3A_431 = arith.index_cast %swap3A_430 : i32 to index
      %swap3A_432 = arith.index_cast %add3A_425 : i32 to index
      %swap3A_433 = arith.constant 0 : index
      %swap3A_434 = tpu.vector_load %arg8[%swap3A_431, %swap3A_432, %swap3A_433] {strides = array<i32>} : memref<3x200x128xf32, #tpu.memory_space<vmem>>, vector<1x1x16xf32>,
      %swap3A_435 = vector.shape_cast %swap3A_434 : vector<1x1x16xf32> to vector<16xf32>
      %swap3A_436 = vector.shape_cast %get3A_429 : vector<16xf32> to vector<1x1x16xf32>
      tpu.vector_store %arg8[%swap3A_431, %swap3A_432, %swap3A_433], %swap3A_436 {add = true, strides = array<i32>} : memref<3x200x128xf32, #tpu.memory_space<vmem>>, vector<1x1x16xf32>,
      %get3A_437 = arith.index_cast %add3A_425 : i32 to index
      %get3A_438 = arith.constant 16 : index
      %get3A_439 = tpu.vector_load %arg6[%get3A_437, %get3A_438] {strides = array<i32>} : memref<200x128xf32, #tpu.memory_space<vmem>>, vector<1x16xf32>,
      %get3A_440 = vector.shape_cast %get3A_439 : vector<1x16xf32> to vector<16xf32>
      %swap3A_441 = arith.constant 1 : i32
      %swap3A_442 = arith.index_cast %swap3A_441 : i32 to index
      %swap3A_443 = arith.index_cast %add3A_425 : i32 to index
      %swap3A_444 = arith.constant 16 : index
      %swap3A_445 = tpu.vector_load %arg8[%swap3A_442, %swap3A_443, %swap3A_444] {strides = array<i32>} : memref<3x200x128xf32, #tpu.memory_space<vmem>>, vector<1x1x16xf32>,
      %swap3A_446 = vector.shape_cast %swap3A_445 : vector<1x1x16xf32> to vector<16xf32>
      %swap3A_447 = vector.shape_cast %get3A_440 : vector<16xf32> to vector<1x1x16xf32>
      tpu.vector_store %arg8[%swap3A_442, %swap3A_443, %swap3A_444], %swap3A_447 {add = true, strides = array<i32>} : memref<3x200x128xf32, #tpu.memory_space<vmem>>, vector<1x1x16xf32>,
      %get3A_448 = arith.index_cast %add3A_425 : i32 to index
      %get3A_449 = arith.constant 32 : index
      %get3A_450 = tpu.vector_load %arg6[%get3A_448, %get3A_449] {strides = array<i32>} : memref<200x128xf32, #tpu.memory_space<vmem>>, vector<1x16xf32>,
      %get3A_451 = vector.shape_cast %get3A_450 : vector<1x16xf32> to vector<16xf32>
      %swap3A_452 = arith.constant 1 : i32
      %swap3A_453 = arith.index_cast %swap3A_452 : i32 to index
      %swap3A_454 = arith.index_cast %add3A_425 : i32 to index
      %swap3A_455 = arith.constant 32 : index
      %swap3A_456 = tpu.vector_load %arg8[%swap3A_453, %swap3A_454, %swap3A_455] {strides = array<i32>} : memref<3x200x128xf32, #tpu.memory_space<vmem>>, vector<1x1x16xf32>,
      %swap3A_457 = vector.shape_cast %swap3A_456 : vector<1x1x16xf32> to vector<16xf32>
      %swap3A_458 = vector.shape_cast %get3A_451 : vector<16xf32> to vector<1x1x16xf32>
      tpu.vector_store %arg8[%swap3A_453, %swap3A_454, %swap3A_455], %swap3A_458 {add = true, strides = array<i32>} : memref<3x200x128xf32, #tpu.memory_space<vmem>>, vector<1x1x16xf32>,
      %get3A_459 = arith.index_cast %add3A_425 : i32 to index
      %get3A_460 = arith.constant 48 : index
      %get3A_461 = tpu.vector_load %arg6[%get3A_459, %get3A_460] {strides = array<i32>} : memref<200x128xf32, #tpu.memory_space<vmem>>, vector<1x16xf32>,
      %get3A_462 = vector.shape_cast %get3A_461 : vector<1x16xf32> to vector<16xf32>
      %swap3A_463 = arith.constant 1 : i32
      %swap3A_464 = arith.index_cast %swap3A_463 : i32 to index
      %swap3A_465 = arith.index_cast %add3A_425 : i32 to index
      %swap3A_466 = arith.constant 48 : index
      %swap3A_467 = tpu.vector_load %arg8[%swap3A_464, %swap3A_465, %swap3A_466] {strides = array<i32>} : memref<3x200x128xf32, #tpu.memory_space<vmem>>, vector<1x1x16xf32>,
      %swap3A_468 = vector.shape_cast %swap3A_467 : vector<1x1x16xf32> to vector<16xf32>
      %swap3A_469 = vector.shape_cast %get3A_462 : vector<16xf32> to vector<1x1x16xf32>
      tpu.vector_store %arg8[%swap3A_464, %swap3A_465, %swap3A_466], %swap3A_469 {add = true, strides = array<i32>} : memref<3x200x128xf32, #tpu.memory_space<vmem>>, vector<1x1x16xf32>,
      %get3A_470 = arith.index_cast %add3A_425 : i32 to index
      %get3A_471 = arith.constant 64 : index
      %get3A_472 = tpu.vector_load %arg6[%get3A_470, %get3A_471] {strides = array<i32>} : memref<200x128xf32, #tpu.memory_space<vmem>>, vector<1x16xf32>,
      %get3A_473 = vector.shape_cast %get3A_472 : vector<1x16xf32> to vector<16xf32>
      %swap3A_474 = arith.constant 1 : i32
      %swap3A_475 = arith.index_cast %swap3A_474 : i32 to index
      %swap3A_476 = arith.index_cast %add3A_425 : i32 to index
      %swap3A_477 = arith.constant 64 : index
      %swap3A_478 = tpu.vector_load %arg8[%swap3A_475, %swap3A_476, %swap3A_477] {strides = array<i32>} : memref<3x200x128xf32, #tpu.memory_space<vmem>>, vector<1x1x16xf32>,
      %swap3A_479 = vector.shape_cast %swap3A_478 : vector<1x1x16xf32> to vector<16xf32>
      %swap3A_480 = vector.shape_cast %get3A_473 : vector<16xf32> to vector<1x1x16xf32>
      tpu.vector_store %arg8[%swap3A_475, %swap3A_476, %swap3A_477], %swap3A_480 {add = true, strides = array<i32>} : memref<3x200x128xf32, #tpu.memory_space<vmem>>, vector<1x1x16xf32>,
      %get3A_481 = arith.index_cast %add3A_425 : i32 to index
      %get3A_482 = arith.constant 80 : index
      %get3A_483 = tpu.vector_load %arg6[%get3A_481, %get3A_482] {strides = array<i32>} : memref<200x128xf32, #tpu.memory_space<vmem>>, vector<1x16xf32>,
      %get3A_484 = vector.shape_cast %get3A_483 : vector<1x16xf32> to vector<16xf32>
      %swap3A_485 = arith.constant 1 : i32
      %swap3A_486 = arith.index_cast %swap3A_485 : i32 to index
      %swap3A_487 = arith.index_cast %add3A_425 : i32 to index
      %swap3A_488 = arith.constant 80 : index
      %swap3A_489 = tpu.vector_load %arg8[%swap3A_486, %swap3A_487, %swap3A_488] {strides = array<i32>} : memref<3x200x128xf32, #tpu.memory_space<vmem>>, vector<1x1x16xf32>,
      %swap3A_490 = vector.shape_cast %swap3A_489 : vector<1x1x16xf32> to vector<16xf32>
      %swap3A_491 = vector.shape_cast %get3A_484 : vector<16xf32> to vector<1x1x16xf32>
      tpu.vector_store %arg8[%swap3A_486, %swap3A_487, %swap3A_488], %swap3A_491 {add = true, strides = array<i32>} : memref<3x200x128xf32, #tpu.memory_space<vmem>>, vector<1x1x16xf32>,
      %get3A_492 = arith.index_cast %add3A_425 : i32 to index
      %get3A_493 = arith.constant 96 : index
      %get3A_494 = tpu.vector_load %arg6[%get3A_492, %get3A_493] {strides = array<i32>} : memref<200x128xf32, #tpu.memory_space<vmem>>, vector<1x16xf32>,
      %get3A_495 = vector.shape_cast %get3A_494 : vector<1x16xf32> to vector<16xf32>
      %swap3A_496 = arith.constant 1 : i32
      %swap3A_497 = arith.index_cast %swap3A_496 : i32 to index
      %swap3A_498 = arith.index_cast %add3A_425 : i32 to index
      %swap3A_499 = arith.constant 96 : index
      %swap3A_500 = tpu.vector_load %arg8[%swap3A_497, %swap3A_498, %swap3A_499] {strides = array<i32>} : memref<3x200x128xf32, #tpu.memory_space<vmem>>, vector<1x1x16xf32>,
      %swap3A_501 = vector.shape_cast %swap3A_500 : vector<1x1x16xf32> to vector<16xf32>
      %swap3A_502 = vector.shape_cast %get3A_495 : vector<16xf32> to vector<1x1x16xf32>
      tpu.vector_store %arg8[%swap3A_497, %swap3A_498, %swap3A_499], %swap3A_502 {add = true, strides = array<i32>} : memref<3x200x128xf32, #tpu.memory_space<vmem>>, vector<1x1x16xf32>,
      %get3A_503 = arith.index_cast %add3A_425 : i32 to index
      %get3A_504 = arith.constant 112 : index
      %get3A_505 = tpu.vector_load %arg6[%get3A_503, %get3A_504] {strides = array<i32>} : memref<200x128xf32, #tpu.memory_space<vmem>>, vector<1x16xf32>,
      %get3A_506 = vector.shape_cast %get3A_505 : vector<1x16xf32> to vector<16xf32>
      %swap3A_507 = arith.constant 1 : i32
      %swap3A_508 = arith.index_cast %swap3A_507 : i32 to index
      %swap3A_509 = arith.index_cast %add3A_425 : i32 to index
      %swap3A_510 = arith.constant 112 : index
      %swap3A_511 = tpu.vector_load %arg8[%swap3A_508, %swap3A_509, %swap3A_510] {strides = array<i32>} : memref<3x200x128xf32, #tpu.memory_space<vmem>>, vector<1x1x16xf32>,
      %swap3A_512 = vector.shape_cast %swap3A_511 : vector<1x1x16xf32> to vector<16xf32>
      %swap3A_513 = vector.shape_cast %get3A_506 : vector<16xf32> to vector<1x1x16xf32>
      tpu.vector_store %arg8[%swap3A_508, %swap3A_509, %swap3A_510], %swap3A_513 {add = true, strides = array<i32>} : memref<3x200x128xf32, #tpu.memory_space<vmem>>, vector<1x1x16xf32>,
    }
    %scan3A_92 = arith.constant 20 : i32
    %add3A_93 = arith.constant 6200 : i32
    %add3A_94 = arith.addi %mul3A_2, %add3A_93 : i32
    %add3A_95 = arith.constant 40 : i32
    %add3A_96 = arith.addi %add3A_94, %add3A_95 : i32
    %dma_start3A_97 = arith.constant 1 : i32
    %dma_start3A_98 = arith.constant 1 : i32
    %dma_start3A_99 = arith.constant 40 : i32
    %dma_start3A_100 = arith.constant 0 : i32
    %dma_start3A_101 = tpu.memref_slice %arg8[%dma_start3A_97, %dma_start3A_99, %dma_start3A_100] : memref<3x200x128xf32, #tpu.memory_space<vmem>> -> memref<1x40x128xf32, #tpu.memory_space<vmem>>
    %dma_start3A_102 = tpu.memref_squeeze %dma_start3A_101 : memref<1x40x128xf32, #tpu.memory_space<vmem>> -> memref<40x128xf32, #tpu.memory_space<vmem>>
    %dma_start3A_103 = arith.constant 0 : i32
    %dma_start3A_104 = tpu.memref_slice %arg5[%add3A_96, %dma_start3A_103] : memref<204800x128xf32, #tpu.memory_space<hbm>> -> memref<40x128xf32, #tpu.memory_space<hbm>>
    %dma_start3A_105 = tpu.memref_slice %arg10[%dma_start3A_98] : memref<3x!tpu.dma_semaphore, #tpu.memory_space<semaphore_mem>> -> memref<1x!tpu.dma_semaphore, #tpu.memory_space<semaphore_mem>>
    %dma_start3A_106 = tpu.memref_squeeze %dma_start3A_105 : memref<1x!tpu.dma_semaphore, #tpu.memory_space<semaphore_mem>> -> memref<!tpu.dma_semaphore, #tpu.memory_space<semaphore_mem>>
    %dma_start3A_107 = arith.constant 0 : i32
    %dma_start3A_108 = tpu.memref_slice %arg5[%add3A_96, %dma_start3A_107] : memref<204800x128xf32, #tpu.memory_space<hbm>> -> memref<40x128xf32, #tpu.memory_space<hbm>>
    %dma_start3A_109 = arith.constant 40 : i32
    %dma_start3A_110 = arith.constant 0 : i32
    %dma_start3A_111 = tpu.memref_slice %arg8[%dma_start3A_97, %dma_start3A_109, %dma_start3A_110] : memref<3x200x128xf32, #tpu.memory_space<vmem>> -> memref<1x40x128xf32, #tpu.memory_space<vmem>>
    %dma_start3A_112 = tpu.memref_squeeze %dma_start3A_111 : memref<1x40x128xf32, #tpu.memory_space<vmem>> -> memref<40x128xf32, #tpu.memory_space<vmem>>
    tpu.enqueue_dma source(%dma_start3A_112 : memref<40x128xf32, #tpu.memory_space<vmem>>) target(%dma_start3A_108 : memref<40x128xf32, #tpu.memory_space<hbm>>) target_semaphore(%dma_start3A_106 : memref<!tpu.dma_semaphore, #tpu.memory_space<semaphore_mem>>)
    %scan3A_113 = arith.constant 0 : i32
    %scan3A_114 = arith.constant 0 : i32
    %scan3A_115 = arith.constant 20 : i32
    %scan3A_116 = arith.addi %scan3A_114, %scan3A_115 : i32
    %scan3A_117 = arith.constant 1 : i32
    scf.for %scan3A_327 = %scan3A_114 to %scan3A_116 step %scan3A_117  : i32 {
      %mul3A_328 = arith.constant 2 : i32
      %mul3A_329 = arith.muli %scan3A_327, %mul3A_328 : i32
      %add3A_330 = arith.constant 80 : i32
      %add3A_331 = arith.addi %add3A_330, %mul3A_329 : i32
      %add3A_332 = arith.constant 0 : i32
      %add3A_333 = arith.addi %add3A_331, %add3A_332 : i32
      %get3A = arith.index_cast %add3A_333 : i32 to index
      %get3A_334 = arith.constant 0 : index
      %get3A_335 = tpu.vector_load %arg6[%get3A, %get3A_334] {strides = array<i32>} : memref<200x128xf32, #tpu.memory_space<vmem>>, vector<1x16xf32>,
      %get3A_336 = vector.shape_cast %get3A_335 : vector<1x16xf32> to vector<16xf32>
      %swap3A = arith.constant 1 : i32
      %swap3A_337 = arith.index_cast %swap3A : i32 to index
      %swap3A_338 = arith.index_cast %add3A_333 : i32 to index
      %swap3A_339 = arith.constant 0 : index
      %swap3A_340 = tpu.vector_load %arg8[%swap3A_337, %swap3A_338, %swap3A_339] {strides = array<i32>} : memref<3x200x128xf32, #tpu.memory_space<vmem>>, vector<1x1x16xf32>,
      %swap3A_341 = vector.shape_cast %swap3A_340 : vector<1x1x16xf32> to vector<16xf32>
      %swap3A_342 = vector.shape_cast %get3A_336 : vector<16xf32> to vector<1x1x16xf32>
      tpu.vector_store %arg8[%swap3A_337, %swap3A_338, %swap3A_339], %swap3A_342 {add = true, strides = array<i32>} : memref<3x200x128xf32, #tpu.memory_space<vmem>>, vector<1x1x16xf32>,
      %get3A_343 = arith.index_cast %add3A_333 : i32 to index
      %get3A_344 = arith.constant 16 : index
      %get3A_345 = tpu.vector_load %arg6[%get3A_343, %get3A_344] {strides = array<i32>} : memref<200x128xf32, #tpu.memory_space<vmem>>, vector<1x16xf32>,
      %get3A_346 = vector.shape_cast %get3A_345 : vector<1x16xf32> to vector<16xf32>
      %swap3A_347 = arith.constant 1 : i32
      %swap3A_348 = arith.index_cast %swap3A_347 : i32 to index
      %swap3A_349 = arith.index_cast %add3A_333 : i32 to index
      %swap3A_350 = arith.constant 16 : index
      %swap3A_351 = tpu.vector_load %arg8[%swap3A_348, %swap3A_349, %swap3A_350] {strides = array<i32>} : memref<3x200x128xf32, #tpu.memory_space<vmem>>, vector<1x1x16xf32>,
      %swap3A_352 = vector.shape_cast %swap3A_351 : vector<1x1x16xf32> to vector<16xf32>
      %swap3A_353 = vector.shape_cast %get3A_346 : vector<16xf32> to vector<1x1x16xf32>
      tpu.vector_store %arg8[%swap3A_348, %swap3A_349, %swap3A_350], %swap3A_353 {add = true, strides = array<i32>} : memref<3x200x128xf32, #tpu.memory_space<vmem>>, vector<1x1x16xf32>,
      %get3A_354 = arith.index_cast %add3A_333 : i32 to index
      %get3A_355 = arith.constant 32 : index
      %get3A_356 = tpu.vector_load %arg6[%get3A_354, %get3A_355] {strides = array<i32>} : memref<200x128xf32, #tpu.memory_space<vmem>>, vector<1x16xf32>,
      %get3A_357 = vector.shape_cast %get3A_356 : vector<1x16xf32> to vector<16xf32>
      %swap3A_358 = arith.constant 1 : i32
      %swap3A_359 = arith.index_cast %swap3A_358 : i32 to index
      %swap3A_360 = arith.index_cast %add3A_333 : i32 to index
      %swap3A_361 = arith.constant 32 : index
      %swap3A_362 = tpu.vector_load %arg8[%swap3A_359, %swap3A_360, %swap3A_361] {strides = array<i32>} : memref<3x200x128xf32, #tpu.memory_space<vmem>>, vector<1x1x16xf32>,
      %swap3A_363 = vector.shape_cast %swap3A_362 : vector<1x1x16xf32> to vector<16xf32>
      %swap3A_364 = vector.shape_cast %get3A_357 : vector<16xf32> to vector<1x1x16xf32>
      tpu.vector_store %arg8[%swap3A_359, %swap3A_360, %swap3A_361], %swap3A_364 {add = true, strides = array<i32>} : memref<3x200x128xf32, #tpu.memory_space<vmem>>, vector<1x1x16xf32>,
      %get3A_365 = arith.index_cast %add3A_333 : i32 to index
      %get3A_366 = arith.constant 48 : index
      %get3A_367 = tpu.vector_load %arg6[%get3A_365, %get3A_366] {strides = array<i32>} : memref<200x128xf32, #tpu.memory_space<vmem>>, vector<1x16xf32>,
      %get3A_368 = vector.shape_cast %get3A_367 : vector<1x16xf32> to vector<16xf32>
      %swap3A_369 = arith.constant 1 : i32
      %swap3A_370 = arith.index_cast %swap3A_369 : i32 to index
      %swap3A_371 = arith.index_cast %add3A_333 : i32 to index
      %swap3A_372 = arith.constant 48 : index
      %swap3A_373 = tpu.vector_load %arg8[%swap3A_370, %swap3A_371, %swap3A_372] {strides = array<i32>} : memref<3x200x128xf32, #tpu.memory_space<vmem>>, vector<1x1x16xf32>,
      %swap3A_374 = vector.shape_cast %swap3A_373 : vector<1x1x16xf32> to vector<16xf32>
      %swap3A_375 = vector.shape_cast %get3A_368 : vector<16xf32> to vector<1x1x16xf32>
      tpu.vector_store %arg8[%swap3A_370, %swap3A_371, %swap3A_372], %swap3A_375 {add = true, strides = array<i32>} : memref<3x200x128xf32, #tpu.memory_space<vmem>>, vector<1x1x16xf32>,
      %get3A_376 = arith.index_cast %add3A_333 : i32 to index
      %get3A_377 = arith.constant 64 : index
      %get3A_378 = tpu.vector_load %arg6[%get3A_376, %get3A_377] {strides = array<i32>} : memref<200x128xf32, #tpu.memory_space<vmem>>, vector<1x16xf32>,
      %get3A_379 = vector.shape_cast %get3A_378 : vector<1x16xf32> to vector<16xf32>
      %swap3A_380 = arith.constant 1 : i32
      %swap3A_381 = arith.index_cast %swap3A_380 : i32 to index
      %swap3A_382 = arith.index_cast %add3A_333 : i32 to index
      %swap3A_383 = arith.constant 64 : index
      %swap3A_384 = tpu.vector_load %arg8[%swap3A_381, %swap3A_382, %swap3A_383] {strides = array<i32>} : memref<3x200x128xf32, #tpu.memory_space<vmem>>, vector<1x1x16xf32>,
      %swap3A_385 = vector.shape_cast %swap3A_384 : vector<1x1x16xf32> to vector<16xf32>
      %swap3A_386 = vector.shape_cast %get3A_379 : vector<16xf32> to vector<1x1x16xf32>
      tpu.vector_store %arg8[%swap3A_381, %swap3A_382, %swap3A_383], %swap3A_386 {add = true, strides = array<i32>} : memref<3x200x128xf32, #tpu.memory_space<vmem>>, vector<1x1x16xf32>,
      %get3A_387 = arith.index_cast %add3A_333 : i32 to index
      %get3A_388 = arith.constant 80 : index
      %get3A_389 = tpu.vector_load %arg6[%get3A_387, %get3A_388] {strides = array<i32>} : memref<200x128xf32, #tpu.memory_space<vmem>>, vector<1x16xf32>,
      %get3A_390 = vector.shape_cast %get3A_389 : vector<1x16xf32> to vector<16xf32>
      %swap3A_391 = arith.constant 1 : i32
      %swap3A_392 = arith.index_cast %swap3A_391 : i32 to index
      %swap3A_393 = arith.index_cast %add3A_333 : i32 to index
      %swap3A_394 = arith.constant 80 : index
      %swap3A_395 = tpu.vector_load %arg8[%swap3A_392, %swap3A_393, %swap3A_394] {strides = array<i32>} : memref<3x200x128xf32, #tpu.memory_space<vmem>>, vector<1x1x16xf32>,
      %swap3A_396 = vector.shape_cast %swap3A_395 : vector<1x1x16xf32> to vector<16xf32>
      %swap3A_397 = vector.shape_cast %get3A_390 : vector<16xf32> to vector<1x1x16xf32>
      tpu.vector_store %arg8[%swap3A_392, %swap3A_393, %swap3A_394], %swap3A_397 {add = true, strides = array<i32>} : memref<3x200x128xf32, #tpu.memory_space<vmem>>, vector<1x1x16xf32>,
      %get3A_398 = arith.index_cast %add3A_333 : i32 to index
      %get3A_399 = arith.constant 96 : index
      %get3A_400 = tpu.vector_load %arg6[%get3A_398, %get3A_399] {strides = array<i32>} : memref<200x128xf32, #tpu.memory_space<vmem>>, vector<1x16xf32>,
      %get3A_401 = vector.shape_cast %get3A_400 : vector<1x16xf32> to vector<16xf32>
      %swap3A_402 = arith.constant 1 : i32
      %swap3A_403 = arith.index_cast %swap3A_402 : i32 to index
      %swap3A_404 = arith.index_cast %add3A_333 : i32 to index
      %swap3A_405 = arith.constant 96 : index
      %swap3A_406 = tpu.vector_load %arg8[%swap3A_403, %swap3A_404, %swap3A_405] {strides = array<i32>} : memref<3x200x128xf32, #tpu.memory_space<vmem>>, vector<1x1x16xf32>,
      %swap3A_407 = vector.shape_cast %swap3A_406 : vector<1x1x16xf32> to vector<16xf32>
      %swap3A_408 = vector.shape_cast %get3A_401 : vector<16xf32> to vector<1x1x16xf32>
      tpu.vector_store %arg8[%swap3A_403, %swap3A_404, %swap3A_405], %swap3A_408 {add = true, strides = array<i32>} : memref<3x200x128xf32, #tpu.memory_space<vmem>>, vector<1x1x16xf32>,
      %get3A_409 = arith.index_cast %add3A_333 : i32 to index
      %get3A_410 = arith.constant 112 : index
      %get3A_411 = tpu.vector_load %arg6[%get3A_409, %get3A_410] {strides = array<i32>} : memref<200x128xf32, #tpu.memory_space<vmem>>, vector<1x16xf32>,
      %get3A_412 = vector.shape_cast %get3A_411 : vector<1x16xf32> to vector<16xf32>
      %swap3A_413 = arith.constant 1 : i32
      %swap3A_414 = arith.index_cast %swap3A_413 : i32 to index
      %swap3A_415 = arith.index_cast %add3A_333 : i32 to index
      %swap3A_416 = arith.constant 112 : index
      %swap3A_417 = tpu.vector_load %arg8[%swap3A_414, %swap3A_415, %swap3A_416] {strides = array<i32>} : memref<3x200x128xf32, #tpu.memory_space<vmem>>, vector<1x1x16xf32>,
      %swap3A_418 = vector.shape_cast %swap3A_417 : vector<1x1x16xf32> to vector<16xf32>
      %swap3A_419 = vector.shape_cast %get3A_412 : vector<16xf32> to vector<1x1x16xf32>
      tpu.vector_store %arg8[%swap3A_414, %swap3A_415, %swap3A_416], %swap3A_419 {add = true, strides = array<i32>} : memref<3x200x128xf32, #tpu.memory_space<vmem>>, vector<1x1x16xf32>,
      %mul3A_420 = arith.constant 2 : i32
      %mul3A_421 = arith.muli %scan3A_327, %mul3A_420 : i32
      %add3A_422 = arith.constant 80 : i32
      %add3A_423 = arith.addi %add3A_422, %mul3A_421 : i32
      %add3A_424 = arith.constant 1 : i32
      %add3A_425 = arith.addi %add3A_423, %add3A_424 : i32
      %get3A_426 = arith.index_cast %add3A_425 : i32 to index
      %get3A_427 = arith.constant 0 : index
      %get3A_428 = tpu.vector_load %arg6[%get3A_426, %get3A_427] {strides = array<i32>} : memref<200x128xf32, #tpu.memory_space<vmem>>, vector<1x16xf32>,
      %get3A_429 = vector.shape_cast %get3A_428 : vector<1x16xf32> to vector<16xf32>
      %swap3A_430 = arith.constant 1 : i32
      %swap3A_431 = arith.index_cast %swap3A_430 : i32 to index
      %swap3A_432 = arith.index_cast %add3A_425 : i32 to index
      %swap3A_433 = arith.constant 0 : index
      %swap3A_434 = tpu.vector_load %arg8[%swap3A_431, %swap3A_432, %swap3A_433] {strides = array<i32>} : memref<3x200x128xf32, #tpu.memory_space<vmem>>, vector<1x1x16xf32>,
      %swap3A_435 = vector.shape_cast %swap3A_434 : vector<1x1x16xf32> to vector<16xf32>
      %swap3A_436 = vector.shape_cast %get3A_429 : vector<16xf32> to vector<1x1x16xf32>
      tpu.vector_store %arg8[%swap3A_431, %swap3A_432, %swap3A_433], %swap3A_436 {add = true, strides = array<i32>} : memref<3x200x128xf32, #tpu.memory_space<vmem>>, vector<1x1x16xf32>,
      %get3A_437 = arith.index_cast %add3A_425 : i32 to index
      %get3A_438 = arith.constant 16 : index
      %get3A_439 = tpu.vector_load %arg6[%get3A_437, %get3A_438] {strides = array<i32>} : memref<200x128xf32, #tpu.memory_space<vmem>>, vector<1x16xf32>,
      %get3A_440 = vector.shape_cast %get3A_439 : vector<1x16xf32> to vector<16xf32>
      %swap3A_441 = arith.constant 1 : i32
      %swap3A_442 = arith.index_cast %swap3A_441 : i32 to index
      %swap3A_443 = arith.index_cast %add3A_425 : i32 to index
      %swap3A_444 = arith.constant 16 : index
      %swap3A_445 = tpu.vector_load %arg8[%swap3A_442, %swap3A_443, %swap3A_444] {strides = array<i32>} : memref<3x200x128xf32, #tpu.memory_space<vmem>>, vector<1x1x16xf32>,
      %swap3A_446 = vector.shape_cast %swap3A_445 : vector<1x1x16xf32> to vector<16xf32>
      %swap3A_447 = vector.shape_cast %get3A_440 : vector<16xf32> to vector<1x1x16xf32>
      tpu.vector_store %arg8[%swap3A_442, %swap3A_443, %swap3A_444], %swap3A_447 {add = true, strides = array<i32>} : memref<3x200x128xf32, #tpu.memory_space<vmem>>, vector<1x1x16xf32>,
      %get3A_448 = arith.index_cast %add3A_425 : i32 to index
      %get3A_449 = arith.constant 32 : index
      %get3A_450 = tpu.vector_load %arg6[%get3A_448, %get3A_449] {strides = array<i32>} : memref<200x128xf32, #tpu.memory_space<vmem>>, vector<1x16xf32>,
      %get3A_451 = vector.shape_cast %get3A_450 : vector<1x16xf32> to vector<16xf32>
      %swap3A_452 = arith.constant 1 : i32
      %swap3A_453 = arith.index_cast %swap3A_452 : i32 to index
      %swap3A_454 = arith.index_cast %add3A_425 : i32 to index
      %swap3A_455 = arith.constant 32 : index
      %swap3A_456 = tpu.vector_load %arg8[%swap3A_453, %swap3A_454, %swap3A_455] {strides = array<i32>} : memref<3x200x128xf32, #tpu.memory_space<vmem>>, vector<1x1x16xf32>,
      %swap3A_457 = vector.shape_cast %swap3A_456 : vector<1x1x16xf32> to vector<16xf32>
      %swap3A_458 = vector.shape_cast %get3A_451 : vector<16xf32> to vector<1x1x16xf32>
      tpu.vector_store %arg8[%swap3A_453, %swap3A_454, %swap3A_455], %swap3A_458 {add = true, strides = array<i32>} : memref<3x200x128xf32, #tpu.memory_space<vmem>>, vector<1x1x16xf32>,
      %get3A_459 = arith.index_cast %add3A_425 : i32 to index
      %get3A_460 = arith.constant 48 : index
      %get3A_461 = tpu.vector_load %arg6[%get3A_459, %get3A_460] {strides = array<i32>} : memref<200x128xf32, #tpu.memory_space<vmem>>, vector<1x16xf32>,
      %get3A_462 = vector.shape_cast %get3A_461 : vector<1x16xf32> to vector<16xf32>
      %swap3A_463 = arith.constant 1 : i32
      %swap3A_464 = arith.index_cast %swap3A_463 : i32 to index
      %swap3A_465 = arith.index_cast %add3A_425 : i32 to index
      %swap3A_466 = arith.constant 48 : index
      %swap3A_467 = tpu.vector_load %arg8[%swap3A_464, %swap3A_465, %swap3A_466] {strides = array<i32>} : memref<3x200x128xf32, #tpu.memory_space<vmem>>, vector<1x1x16xf32>,
      %swap3A_468 = vector.shape_cast %swap3A_467 : vector<1x1x16xf32> to vector<16xf32>
      %swap3A_469 = vector.shape_cast %get3A_462 : vector<16xf32> to vector<1x1x16xf32>
      tpu.vector_store %arg8[%swap3A_464, %swap3A_465, %swap3A_466], %swap3A_469 {add = true, strides = array<i32>} : memref<3x200x128xf32, #tpu.memory_space<vmem>>, vector<1x1x16xf32>,
      %get3A_470 = arith.index_cast %add3A_425 : i32 to index
      %get3A_471 = arith.constant 64 : index
      %get3A_472 = tpu.vector_load %arg6[%get3A_470, %get3A_471] {strides = array<i32>} : memref<200x128xf32, #tpu.memory_space<vmem>>, vector<1x16xf32>,
      %get3A_473 = vector.shape_cast %get3A_472 : vector<1x16xf32> to vector<16xf32>
      %swap3A_474 = arith.constant 1 : i32
      %swap3A_475 = arith.index_cast %swap3A_474 : i32 to index
      %swap3A_476 = arith.index_cast %add3A_425 : i32 to index
      %swap3A_477 = arith.constant 64 : index
      %swap3A_478 = tpu.vector_load %arg8[%swap3A_475, %swap3A_476, %swap3A_477] {strides = array<i32>} : memref<3x200x128xf32, #tpu.memory_space<vmem>>, vector<1x1x16xf32>,
      %swap3A_479 = vector.shape_cast %swap3A_478 : vector<1x1x16xf32> to vector<16xf32>
      %swap3A_480 = vector.shape_cast %get3A_473 : vector<16xf32> to vector<1x1x16xf32>
      tpu.vector_store %arg8[%swap3A_475, %swap3A_476, %swap3A_477], %swap3A_480 {add = true, strides = array<i32>} : memref<3x200x128xf32, #tpu.memory_space<vmem>>, vector<1x1x16xf32>,
      %get3A_481 = arith.index_cast %add3A_425 : i32 to index
      %get3A_482 = arith.constant 80 : index
      %get3A_483 = tpu.vector_load %arg6[%get3A_481, %get3A_482] {strides = array<i32>} : memref<200x128xf32, #tpu.memory_space<vmem>>, vector<1x16xf32>,
      %get3A_484 = vector.shape_cast %get3A_483 : vector<1x16xf32> to vector<16xf32>
      %swap3A_485 = arith.constant 1 : i32
      %swap3A_486 = arith.index_cast %swap3A_485 : i32 to index
      %swap3A_487 = arith.index_cast %add3A_425 : i32 to index
      %swap3A_488 = arith.constant 80 : index
      %swap3A_489 = tpu.vector_load %arg8[%swap3A_486, %swap3A_487, %swap3A_488] {strides = array<i32>} : memref<3x200x128xf32, #tpu.memory_space<vmem>>, vector<1x1x16xf32>,
      %swap3A_490 = vector.shape_cast %swap3A_489 : vector<1x1x16xf32> to vector<16xf32>
      %swap3A_491 = vector.shape_cast %get3A_484 : vector<16xf32> to vector<1x1x16xf32>
      tpu.vector_store %arg8[%swap3A_486, %swap3A_487, %swap3A_488], %swap3A_491 {add = true, strides = array<i32>} : memref<3x200x128xf32, #tpu.memory_space<vmem>>, vector<1x1x16xf32>,
      %get3A_492 = arith.index_cast %add3A_425 : i32 to index
      %get3A_493 = arith.constant 96 : index
      %get3A_494 = tpu.vector_load %arg6[%get3A_492, %get3A_493] {strides = array<i32>} : memref<200x128xf32, #tpu.memory_space<vmem>>, vector<1x16xf32>,
      %get3A_495 = vector.shape_cast %get3A_494 : vector<1x16xf32> to vector<16xf32>
      %swap3A_496 = arith.constant 1 : i32
      %swap3A_497 = arith.index_cast %swap3A_496 : i32 to index
      %swap3A_498 = arith.index_cast %add3A_425 : i32 to index
      %swap3A_499 = arith.constant 96 : index
      %swap3A_500 = tpu.vector_load %arg8[%swap3A_497, %swap3A_498, %swap3A_499] {strides = array<i32>} : memref<3x200x128xf32, #tpu.memory_space<vmem>>, vector<1x1x16xf32>,
      %swap3A_501 = vector.shape_cast %swap3A_500 : vector<1x1x16xf32> to vector<16xf32>
      %swap3A_502 = vector.shape_cast %get3A_495 : vector<16xf32> to vector<1x1x16xf32>
      tpu.vector_store %arg8[%swap3A_497, %swap3A_498, %swap3A_499], %swap3A_502 {add = true, strides = array<i32>} : memref<3x200x128xf32, #tpu.memory_space<vmem>>, vector<1x1x16xf32>,
      %get3A_503 = arith.index_cast %add3A_425 : i32 to index
      %get3A_504 = arith.constant 112 : index
      %get3A_505 = tpu.vector_load %arg6[%get3A_503, %get3A_504] {strides = array<i32>} : memref<200x128xf32, #tpu.memory_space<vmem>>, vector<1x16xf32>,
      %get3A_506 = vector.shape_cast %get3A_505 : vector<1x16xf32> to vector<16xf32>
      %swap3A_507 = arith.constant 1 : i32
      %swap3A_508 = arith.index_cast %swap3A_507 : i32 to index
      %swap3A_509 = arith.index_cast %add3A_425 : i32 to index
      %swap3A_510 = arith.constant 112 : index
      %swap3A_511 = tpu.vector_load %arg8[%swap3A_508, %swap3A_509, %swap3A_510] {strides = array<i32>} : memref<3x200x128xf32, #tpu.memory_space<vmem>>, vector<1x1x16xf32>,
      %swap3A_512 = vector.shape_cast %swap3A_511 : vector<1x1x16xf32> to vector<16xf32>
      %swap3A_513 = vector.shape_cast %get3A_506 : vector<16xf32> to vector<1x1x16xf32>
      tpu.vector_store %arg8[%swap3A_508, %swap3A_509, %swap3A_510], %swap3A_513 {add = true, strides = array<i32>} : memref<3x200x128xf32, #tpu.memory_space<vmem>>, vector<1x1x16xf32>,
    }
    %scan3A_118 = arith.constant 20 : i32
    %add3A_119 = arith.constant 6200 : i32
    %add3A_120 = arith.addi %mul3A_2, %add3A_119 : i32
    %add3A_121 = arith.constant 80 : i32
    %add3A_122 = arith.addi %add3A_120, %add3A_121 : i32
    %dma_start3A_123 = arith.constant 1 : i32
    %dma_start3A_124 = arith.constant 1 : i32
    %dma_start3A_125 = arith.constant 80 : i32
    %dma_start3A_126 = arith.constant 0 : i32
    %dma_start3A_127 = tpu.memref_slice %arg8[%dma_start3A_123, %dma_start3A_125, %dma_start3A_126] : memref<3x200x128xf32, #tpu.memory_space<vmem>> -> memref<1x40x128xf32, #tpu.memory_space<vmem>>
    %dma_start3A_128 = tpu.memref_squeeze %dma_start3A_127 : memref<1x40x128xf32, #tpu.memory_space<vmem>> -> memref<40x128xf32, #tpu.memory_space<vmem>>
    %dma_start3A_129 = arith.constant 0 : i32
    %dma_start3A_130 = tpu.memref_slice %arg5[%add3A_122, %dma_start3A_129] : memref<204800x128xf32, #tpu.memory_space<hbm>> -> memref<40x128xf32, #tpu.memory_space<hbm>>
    %dma_start3A_131 = tpu.memref_slice %arg10[%dma_start3A_124] : memref<3x!tpu.dma_semaphore, #tpu.memory_space<semaphore_mem>> -> memref<1x!tpu.dma_semaphore, #tpu.memory_space<semaphore_mem>>
    %dma_start3A_132 = tpu.memref_squeeze %dma_start3A_131 : memref<1x!tpu.dma_semaphore, #tpu.memory_space<semaphore_mem>> -> memref<!tpu.dma_semaphore, #tpu.memory_space<semaphore_mem>>
    %dma_start3A_133 = arith.constant 0 : i32
    %dma_start3A_134 = tpu.memref_slice %arg5[%add3A_122, %dma_start3A_133] : memref<204800x128xf32, #tpu.memory_space<hbm>> -> memref<40x128xf32, #tpu.memory_space<hbm>>
    %dma_start3A_135 = arith.constant 80 : i32
    %dma_start3A_136 = arith.constant 0 : i32
    %dma_start3A_137 = tpu.memref_slice %arg8[%dma_start3A_123, %dma_start3A_135, %dma_start3A_136] : memref<3x200x128xf32, #tpu.memory_space<vmem>> -> memref<1x40x128xf32, #tpu.memory_space<vmem>>
    %dma_start3A_138 = tpu.memref_squeeze %dma_start3A_137 : memref<1x40x128xf32, #tpu.memory_space<vmem>> -> memref<40x128xf32, #tpu.memory_space<vmem>>
    tpu.enqueue_dma source(%dma_start3A_138 : memref<40x128xf32, #tpu.memory_space<vmem>>) target(%dma_start3A_134 : memref<40x128xf32, #tpu.memory_space<hbm>>) target_semaphore(%dma_start3A_132 : memref<!tpu.dma_semaphore, #tpu.memory_space<semaphore_mem>>)
    %scan3A_139 = arith.constant 0 : i32
    %scan3A_140 = arith.constant 0 : i32
    %scan3A_141 = arith.constant 20 : i32
    %scan3A_142 = arith.addi %scan3A_140, %scan3A_141 : i32
    %scan3A_143 = arith.constant 1 : i32
    scf.for %scan3A_327 = %scan3A_140 to %scan3A_142 step %scan3A_143  : i32 {
      %mul3A_328 = arith.constant 2 : i32
      %mul3A_329 = arith.muli %scan3A_327, %mul3A_328 : i32
      %add3A_330 = arith.constant 120 : i32
      %add3A_331 = arith.addi %add3A_330, %mul3A_329 : i32
      %add3A_332 = arith.constant 0 : i32
      %add3A_333 = arith.addi %add3A_331, %add3A_332 : i32
      %get3A = arith.index_cast %add3A_333 : i32 to index
      %get3A_334 = arith.constant 0 : index
      %get3A_335 = tpu.vector_load %arg6[%get3A, %get3A_334] {strides = array<i32>} : memref<200x128xf32, #tpu.memory_space<vmem>>, vector<1x16xf32>,
      %get3A_336 = vector.shape_cast %get3A_335 : vector<1x16xf32> to vector<16xf32>
      %swap3A = arith.constant 1 : i32
      %swap3A_337 = arith.index_cast %swap3A : i32 to index
      %swap3A_338 = arith.index_cast %add3A_333 : i32 to index
      %swap3A_339 = arith.constant 0 : index
      %swap3A_340 = tpu.vector_load %arg8[%swap3A_337, %swap3A_338, %swap3A_339] {strides = array<i32>} : memref<3x200x128xf32, #tpu.memory_space<vmem>>, vector<1x1x16xf32>,
      %swap3A_341 = vector.shape_cast %swap3A_340 : vector<1x1x16xf32> to vector<16xf32>
      %swap3A_342 = vector.shape_cast %get3A_336 : vector<16xf32> to vector<1x1x16xf32>
      tpu.vector_store %arg8[%swap3A_337, %swap3A_338, %swap3A_339], %swap3A_342 {add = true, strides = array<i32>} : memref<3x200x128xf32, #tpu.memory_space<vmem>>, vector<1x1x16xf32>,
      %get3A_343 = arith.index_cast %add3A_333 : i32 to index
      %get3A_344 = arith.constant 16 : index
      %get3A_345 = tpu.vector_load %arg6[%get3A_343, %get3A_344] {strides = array<i32>} : memref<200x128xf32, #tpu.memory_space<vmem>>, vector<1x16xf32>,
      %get3A_346 = vector.shape_cast %get3A_345 : vector<1x16xf32> to vector<16xf32>
      %swap3A_347 = arith.constant 1 : i32
      %swap3A_348 = arith.index_cast %swap3A_347 : i32 to index
      %swap3A_349 = arith.index_cast %add3A_333 : i32 to index
      %swap3A_350 = arith.constant 16 : index
      %swap3A_351 = tpu.vector_load %arg8[%swap3A_348, %swap3A_349, %swap3A_350] {strides = array<i32>} : memref<3x200x128xf32, #tpu.memory_space<vmem>>, vector<1x1x16xf32>,
      %swap3A_352 = vector.shape_cast %swap3A_351 : vector<1x1x16xf32> to vector<16xf32>
      %swap3A_353 = vector.shape_cast %get3A_346 : vector<16xf32> to vector<1x1x16xf32>
      tpu.vector_store %arg8[%swap3A_348, %swap3A_349, %swap3A_350], %swap3A_353 {add = true, strides = array<i32>} : memref<3x200x128xf32, #tpu.memory_space<vmem>>, vector<1x1x16xf32>,
      %get3A_354 = arith.index_cast %add3A_333 : i32 to index
      %get3A_355 = arith.constant 32 : index
      %get3A_356 = tpu.vector_load %arg6[%get3A_354, %get3A_355] {strides = array<i32>} : memref<200x128xf32, #tpu.memory_space<vmem>>, vector<1x16xf32>,
      %get3A_357 = vector.shape_cast %get3A_356 : vector<1x16xf32> to vector<16xf32>
      %swap3A_358 = arith.constant 1 : i32
      %swap3A_359 = arith.index_cast %swap3A_358 : i32 to index
      %swap3A_360 = arith.index_cast %add3A_333 : i32 to index
      %swap3A_361 = arith.constant 32 : index
      %swap3A_362 = tpu.vector_load %arg8[%swap3A_359, %swap3A_360, %swap3A_361] {strides = array<i32>} : memref<3x200x128xf32, #tpu.memory_space<vmem>>, vector<1x1x16xf32>,
      %swap3A_363 = vector.shape_cast %swap3A_362 : vector<1x1x16xf32> to vector<16xf32>
      %swap3A_364 = vector.shape_cast %get3A_357 : vector<16xf32> to vector<1x1x16xf32>
      tpu.vector_store %arg8[%swap3A_359, %swap3A_360, %swap3A_361], %swap3A_364 {add = true, strides = array<i32>} : memref<3x200x128xf32, #tpu.memory_space<vmem>>, vector<1x1x16xf32>,
      %get3A_365 = arith.index_cast %add3A_333 : i32 to index
      %get3A_366 = arith.constant 48 : index
      %get3A_367 = tpu.vector_load %arg6[%get3A_365, %get3A_366] {strides = array<i32>} : memref<200x128xf32, #tpu.memory_space<vmem>>, vector<1x16xf32>,
      %get3A_368 = vector.shape_cast %get3A_367 : vector<1x16xf32> to vector<16xf32>
      %swap3A_369 = arith.constant 1 : i32
      %swap3A_370 = arith.index_cast %swap3A_369 : i32 to index
      %swap3A_371 = arith.index_cast %add3A_333 : i32 to index
      %swap3A_372 = arith.constant 48 : index
      %swap3A_373 = tpu.vector_load %arg8[%swap3A_370, %swap3A_371, %swap3A_372] {strides = array<i32>} : memref<3x200x128xf32, #tpu.memory_space<vmem>>, vector<1x1x16xf32>,
      %swap3A_374 = vector.shape_cast %swap3A_373 : vector<1x1x16xf32> to vector<16xf32>
      %swap3A_375 = vector.shape_cast %get3A_368 : vector<16xf32> to vector<1x1x16xf32>
      tpu.vector_store %arg8[%swap3A_370, %swap3A_371, %swap3A_372], %swap3A_375 {add = true, strides = array<i32>} : memref<3x200x128xf32, #tpu.memory_space<vmem>>, vector<1x1x16xf32>,
      %get3A_376 = arith.index_cast %add3A_333 : i32 to index
      %get3A_377 = arith.constant 64 : index
      %get3A_378 = tpu.vector_load %arg6[%get3A_376, %get3A_377] {strides = array<i32>} : memref<200x128xf32, #tpu.memory_space<vmem>>, vector<1x16xf32>,
      %get3A_379 = vector.shape_cast %get3A_378 : vector<1x16xf32> to vector<16xf32>
      %swap3A_380 = arith.constant 1 : i32
      %swap3A_381 = arith.index_cast %swap3A_380 : i32 to index
      %swap3A_382 = arith.index_cast %add3A_333 : i32 to index
      %swap3A_383 = arith.constant 64 : index
      %swap3A_384 = tpu.vector_load %arg8[%swap3A_381, %swap3A_382, %swap3A_383] {strides = array<i32>} : memref<3x200x128xf32, #tpu.memory_space<vmem>>, vector<1x1x16xf32>,
      %swap3A_385 = vector.shape_cast %swap3A_384 : vector<1x1x16xf32> to vector<16xf32>
      %swap3A_386 = vector.shape_cast %get3A_379 : vector<16xf32> to vector<1x1x16xf32>
      tpu.vector_store %arg8[%swap3A_381, %swap3A_382, %swap3A_383], %swap3A_386 {add = true, strides = array<i32>} : memref<3x200x128xf32, #tpu.memory_space<vmem>>, vector<1x1x16xf32>,
      %get3A_387 = arith.index_cast %add3A_333 : i32 to index
      %get3A_388 = arith.constant 80 : index
      %get3A_389 = tpu.vector_load %arg6[%get3A_387, %get3A_388] {strides = array<i32>} : memref<200x128xf32, #tpu.memory_space<vmem>>, vector<1x16xf32>,
      %get3A_390 = vector.shape_cast %get3A_389 : vector<1x16xf32> to vector<16xf32>
      %swap3A_391 = arith.constant 1 : i32
      %swap3A_392 = arith.index_cast %swap3A_391 : i32 to index
      %swap3A_393 = arith.index_cast %add3A_333 : i32 to index
      %swap3A_394 = arith.constant 80 : index
      %swap3A_395 = tpu.vector_load %arg8[%swap3A_392, %swap3A_393, %swap3A_394] {strides = array<i32>} : memref<3x200x128xf32, #tpu.memory_space<vmem>>, vector<1x1x16xf32>,
      %swap3A_396 = vector.shape_cast %swap3A_395 : vector<1x1x16xf32> to vector<16xf32>
      %swap3A_397 = vector.shape_cast %get3A_390 : vector<16xf32> to vector<1x1x16xf32>
      tpu.vector_store %arg8[%swap3A_392, %swap3A_393, %swap3A_394], %swap3A_397 {add = true, strides = array<i32>} : memref<3x200x128xf32, #tpu.memory_space<vmem>>, vector<1x1x16xf32>,
      %get3A_398 = arith.index_cast %add3A_333 : i32 to index
      %get3A_399 = arith.constant 96 : index
      %get3A_400 = tpu.vector_load %arg6[%get3A_398, %get3A_399] {strides = array<i32>} : memref<200x128xf32, #tpu.memory_space<vmem>>, vector<1x16xf32>,
      %get3A_401 = vector.shape_cast %get3A_400 : vector<1x16xf32> to vector<16xf32>
      %swap3A_402 = arith.constant 1 : i32
      %swap3A_403 = arith.index_cast %swap3A_402 : i32 to index
      %swap3A_404 = arith.index_cast %add3A_333 : i32 to index
      %swap3A_405 = arith.constant 96 : index
      %swap3A_406 = tpu.vector_load %arg8[%swap3A_403, %swap3A_404, %swap3A_405] {strides = array<i32>} : memref<3x200x128xf32, #tpu.memory_space<vmem>>, vector<1x1x16xf32>,
      %swap3A_407 = vector.shape_cast %swap3A_406 : vector<1x1x16xf32> to vector<16xf32>
      %swap3A_408 = vector.shape_cast %get3A_401 : vector<16xf32> to vector<1x1x16xf32>
      tpu.vector_store %arg8[%swap3A_403, %swap3A_404, %swap3A_405], %swap3A_408 {add = true, strides = array<i32>} : memref<3x200x128xf32, #tpu.memory_space<vmem>>, vector<1x1x16xf32>,
      %get3A_409 = arith.index_cast %add3A_333 : i32 to index
      %get3A_410 = arith.constant 112 : index
      %get3A_411 = tpu.vector_load %arg6[%get3A_409, %get3A_410] {strides = array<i32>} : memref<200x128xf32, #tpu.memory_space<vmem>>, vector<1x16xf32>,
      %get3A_412 = vector.shape_cast %get3A_411 : vector<1x16xf32> to vector<16xf32>
      %swap3A_413 = arith.constant 1 : i32
      %swap3A_414 = arith.index_cast %swap3A_413 : i32 to index
      %swap3A_415 = arith.index_cast %add3A_333 : i32 to index
      %swap3A_416 = arith.constant 112 : index
      %swap3A_417 = tpu.vector_load %arg8[%swap3A_414, %swap3A_415, %swap3A_416] {strides = array<i32>} : memref<3x200x128xf32, #tpu.memory_space<vmem>>, vector<1x1x16xf32>,
      %swap3A_418 = vector.shape_cast %swap3A_417 : vector<1x1x16xf32> to vector<16xf32>
      %swap3A_419 = vector.shape_cast %get3A_412 : vector<16xf32> to vector<1x1x16xf32>
      tpu.vector_store %arg8[%swap3A_414, %swap3A_415, %swap3A_416], %swap3A_419 {add = true, strides = array<i32>} : memref<3x200x128xf32, #tpu.memory_space<vmem>>, vector<1x1x16xf32>,
      %mul3A_420 = arith.constant 2 : i32
      %mul3A_421 = arith.muli %scan3A_327, %mul3A_420 : i32
      %add3A_422 = arith.constant 120 : i32
      %add3A_423 = arith.addi %add3A_422, %mul3A_421 : i32
      %add3A_424 = arith.constant 1 : i32
      %add3A_425 = arith.addi %add3A_423, %add3A_424 : i32
      %get3A_426 = arith.index_cast %add3A_425 : i32 to index
      %get3A_427 = arith.constant 0 : index
      %get3A_428 = tpu.vector_load %arg6[%get3A_426, %get3A_427] {strides = array<i32>} : memref<200x128xf32, #tpu.memory_space<vmem>>, vector<1x16xf32>,
      %get3A_429 = vector.shape_cast %get3A_428 : vector<1x16xf32> to vector<16xf32>
      %swap3A_430 = arith.constant 1 : i32
      %swap3A_431 = arith.index_cast %swap3A_430 : i32 to index
      %swap3A_432 = arith.index_cast %add3A_425 : i32 to index
      %swap3A_433 = arith.constant 0 : index
      %swap3A_434 = tpu.vector_load %arg8[%swap3A_431, %swap3A_432, %swap3A_433] {strides = array<i32>} : memref<3x200x128xf32, #tpu.memory_space<vmem>>, vector<1x1x16xf32>,
      %swap3A_435 = vector.shape_cast %swap3A_434 : vector<1x1x16xf32> to vector<16xf32>
      %swap3A_436 = vector.shape_cast %get3A_429 : vector<16xf32> to vector<1x1x16xf32>
      tpu.vector_store %arg8[%swap3A_431, %swap3A_432, %swap3A_433], %swap3A_436 {add = true, strides = array<i32>} : memref<3x200x128xf32, #tpu.memory_space<vmem>>, vector<1x1x16xf32>,
      %get3A_437 = arith.index_cast %add3A_425 : i32 to index
      %get3A_438 = arith.constant 16 : index
      %get3A_439 = tpu.vector_load %arg6[%get3A_437, %get3A_438] {strides = array<i32>} : memref<200x128xf32, #tpu.memory_space<vmem>>, vector<1x16xf32>,
      %get3A_440 = vector.shape_cast %get3A_439 : vector<1x16xf32> to vector<16xf32>
      %swap3A_441 = arith.constant 1 : i32
      %swap3A_442 = arith.index_cast %swap3A_441 : i32 to index
      %swap3A_443 = arith.index_cast %add3A_425 : i32 to index
      %swap3A_444 = arith.constant 16 : index
      %swap3A_445 = tpu.vector_load %arg8[%swap3A_442, %swap3A_443, %swap3A_444] {strides = array<i32>} : memref<3x200x128xf32, #tpu.memory_space<vmem>>, vector<1x1x16xf32>,
      %swap3A_446 = vector.shape_cast %swap3A_445 : vector<1x1x16xf32> to vector<16xf32>
      %swap3A_447 = vector.shape_cast %get3A_440 : vector<16xf32> to vector<1x1x16xf32>
      tpu.vector_store %arg8[%swap3A_442, %swap3A_443, %swap3A_444], %swap3A_447 {add = true, strides = array<i32>} : memref<3x200x128xf32, #tpu.memory_space<vmem>>, vector<1x1x16xf32>,
      %get3A_448 = arith.index_cast %add3A_425 : i32 to index
      %get3A_449 = arith.constant 32 : index
      %get3A_450 = tpu.vector_load %arg6[%get3A_448, %get3A_449] {strides = array<i32>} : memref<200x128xf32, #tpu.memory_space<vmem>>, vector<1x16xf32>,
      %get3A_451 = vector.shape_cast %get3A_450 : vector<1x16xf32> to vector<16xf32>
      %swap3A_452 = arith.constant 1 : i32
      %swap3A_453 = arith.index_cast %swap3A_452 : i32 to index
      %swap3A_454 = arith.index_cast %add3A_425 : i32 to index
      %swap3A_455 = arith.constant 32 : index
      %swap3A_456 = tpu.vector_load %arg8[%swap3A_453, %swap3A_454, %swap3A_455] {strides = array<i32>} : memref<3x200x128xf32, #tpu.memory_space<vmem>>, vector<1x1x16xf32>,
      %swap3A_457 = vector.shape_cast %swap3A_456 : vector<1x1x16xf32> to vector<16xf32>
      %swap3A_458 = vector.shape_cast %get3A_451 : vector<16xf32> to vector<1x1x16xf32>
      tpu.vector_store %arg8[%swap3A_453, %swap3A_454, %swap3A_455], %swap3A_458 {add = true, strides = array<i32>} : memref<3x200x128xf32, #tpu.memory_space<vmem>>, vector<1x1x16xf32>,
      %get3A_459 = arith.index_cast %add3A_425 : i32 to index
      %get3A_460 = arith.constant 48 : index
      %get3A_461 = tpu.vector_load %arg6[%get3A_459, %get3A_460] {strides = array<i32>} : memref<200x128xf32, #tpu.memory_space<vmem>>, vector<1x16xf32>,
      %get3A_462 = vector.shape_cast %get3A_461 : vector<1x16xf32> to vector<16xf32>
      %swap3A_463 = arith.constant 1 : i32
      %swap3A_464 = arith.index_cast %swap3A_463 : i32 to index
      %swap3A_465 = arith.index_cast %add3A_425 : i32 to index
      %swap3A_466 = arith.constant 48 : index
      %swap3A_467 = tpu.vector_load %arg8[%swap3A_464, %swap3A_465, %swap3A_466] {strides = array<i32>} : memref<3x200x128xf32, #tpu.memory_space<vmem>>, vector<1x1x16xf32>,
      %swap3A_468 = vector.shape_cast %swap3A_467 : vector<1x1x16xf32> to vector<16xf32>
      %swap3A_469 = vector.shape_cast %get3A_462 : vector<16xf32> to vector<1x1x16xf32>
      tpu.vector_store %arg8[%swap3A_464, %swap3A_465, %swap3A_466], %swap3A_469 {add = true, strides = array<i32>} : memref<3x200x128xf32, #tpu.memory_space<vmem>>, vector<1x1x16xf32>,
      %get3A_470 = arith.index_cast %add3A_425 : i32 to index
      %get3A_471 = arith.constant 64 : index
      %get3A_472 = tpu.vector_load %arg6[%get3A_470, %get3A_471] {strides = array<i32>} : memref<200x128xf32, #tpu.memory_space<vmem>>, vector<1x16xf32>,
      %get3A_473 = vector.shape_cast %get3A_472 : vector<1x16xf32> to vector<16xf32>
      %swap3A_474 = arith.constant 1 : i32
      %swap3A_475 = arith.index_cast %swap3A_474 : i32 to index
      %swap3A_476 = arith.index_cast %add3A_425 : i32 to index
      %swap3A_477 = arith.constant 64 : index
      %swap3A_478 = tpu.vector_load %arg8[%swap3A_475, %swap3A_476, %swap3A_477] {strides = array<i32>} : memref<3x200x128xf32, #tpu.memory_space<vmem>>, vector<1x1x16xf32>,
      %swap3A_479 = vector.shape_cast %swap3A_478 : vector<1x1x16xf32> to vector<16xf32>
      %swap3A_480 = vector.shape_cast %get3A_473 : vector<16xf32> to vector<1x1x16xf32>
      tpu.vector_store %arg8[%swap3A_475, %swap3A_476, %swap3A_477], %swap3A_480 {add = true, strides = array<i32>} : memref<3x200x128xf32, #tpu.memory_space<vmem>>, vector<1x1x16xf32>,
      %get3A_481 = arith.index_cast %add3A_425 : i32 to index
      %get3A_482 = arith.constant 80 : index
      %get3A_483 = tpu.vector_load %arg6[%get3A_481, %get3A_482] {strides = array<i32>} : memref<200x128xf32, #tpu.memory_space<vmem>>, vector<1x16xf32>,
      %get3A_484 = vector.shape_cast %get3A_483 : vector<1x16xf32> to vector<16xf32>
      %swap3A_485 = arith.constant 1 : i32
      %swap3A_486 = arith.index_cast %swap3A_485 : i32 to index
      %swap3A_487 = arith.index_cast %add3A_425 : i32 to index
      %swap3A_488 = arith.constant 80 : index
      %swap3A_489 = tpu.vector_load %arg8[%swap3A_486, %swap3A_487, %swap3A_488] {strides = array<i32>} : memref<3x200x128xf32, #tpu.memory_space<vmem>>, vector<1x1x16xf32>,
      %swap3A_490 = vector.shape_cast %swap3A_489 : vector<1x1x16xf32> to vector<16xf32>
      %swap3A_491 = vector.shape_cast %get3A_484 : vector<16xf32> to vector<1x1x16xf32>
      tpu.vector_store %arg8[%swap3A_486, %swap3A_487, %swap3A_488], %swap3A_491 {add = true, strides = array<i32>} : memref<3x200x128xf32, #tpu.memory_space<vmem>>, vector<1x1x16xf32>,
      %get3A_492 = arith.index_cast %add3A_425 : i32 to index
      %get3A_493 = arith.constant 96 : index
      %get3A_494 = tpu.vector_load %arg6[%get3A_492, %get3A_493] {strides = array<i32>} : memref<200x128xf32, #tpu.memory_space<vmem>>, vector<1x16xf32>,
      %get3A_495 = vector.shape_cast %get3A_494 : vector<1x16xf32> to vector<16xf32>
      %swap3A_496 = arith.constant 1 : i32
      %swap3A_497 = arith.index_cast %swap3A_496 : i32 to index
      %swap3A_498 = arith.index_cast %add3A_425 : i32 to index
      %swap3A_499 = arith.constant 96 : index
      %swap3A_500 = tpu.vector_load %arg8[%swap3A_497, %swap3A_498, %swap3A_499] {strides = array<i32>} : memref<3x200x128xf32, #tpu.memory_space<vmem>>, vector<1x1x16xf32>,
      %swap3A_501 = vector.shape_cast %swap3A_500 : vector<1x1x16xf32> to vector<16xf32>
      %swap3A_502 = vector.shape_cast %get3A_495 : vector<16xf32> to vector<1x1x16xf32>
      tpu.vector_store %arg8[%swap3A_497, %swap3A_498, %swap3A_499], %swap3A_502 {add = true, strides = array<i32>} : memref<3x200x128xf32, #tpu.memory_space<vmem>>, vector<1x1x16xf32>,
      %get3A_503 = arith.index_cast %add3A_425 : i32 to index
      %get3A_504 = arith.constant 112 : index
      %get3A_505 = tpu.vector_load %arg6[%get3A_503, %get3A_504] {strides = array<i32>} : memref<200x128xf32, #tpu.memory_space<vmem>>, vector<1x16xf32>,
      %get3A_506 = vector.shape_cast %get3A_505 : vector<1x16xf32> to vector<16xf32>
      %swap3A_507 = arith.constant 1 : i32
      %swap3A_508 = arith.index_cast %swap3A_507 : i32 to index
      %swap3A_509 = arith.index_cast %add3A_425 : i32 to index
      %swap3A_510 = arith.constant 112 : index
      %swap3A_511 = tpu.vector_load %arg8[%swap3A_508, %swap3A_509, %swap3A_510] {strides = array<i32>} : memref<3x200x128xf32, #tpu.memory_space<vmem>>, vector<1x1x16xf32>,
      %swap3A_512 = vector.shape_cast %swap3A_511 : vector<1x1x16xf32> to vector<16xf32>
      %swap3A_513 = vector.shape_cast %get3A_506 : vector<16xf32> to vector<1x1x16xf32>
      tpu.vector_store %arg8[%swap3A_508, %swap3A_509, %swap3A_510], %swap3A_513 {add = true, strides = array<i32>} : memref<3x200x128xf32, #tpu.memory_space<vmem>>, vector<1x1x16xf32>,
    }
    %scan3A_144 = arith.constant 20 : i32
    %add3A_145 = arith.constant 6200 : i32
    %add3A_146 = arith.addi %mul3A_2, %add3A_145 : i32
    %add3A_147 = arith.constant 120 : i32
    %add3A_148 = arith.addi %add3A_146, %add3A_147 : i32
    %dma_start3A_149 = arith.constant 1 : i32
    %dma_start3A_150 = arith.constant 1 : i32
    %dma_start3A_151 = arith.constant 120 : i32
    %dma_start3A_152 = arith.constant 0 : i32
    %dma_start3A_153 = tpu.memref_slice %arg8[%dma_start3A_149, %dma_start3A_151, %dma_start3A_152] : memref<3x200x128xf32, #tpu.memory_space<vmem>> -> memref<1x40x128xf32, #tpu.memory_space<vmem>>
    %dma_start3A_154 = tpu.memref_squeeze %dma_start3A_153 : memref<1x40x128xf32, #tpu.memory_space<vmem>> -> memref<40x128xf32, #tpu.memory_space<vmem>>
    %dma_start3A_155 = arith.constant 0 : i32
    %dma_start3A_156 = tpu.memref_slice %arg5[%add3A_148, %dma_start3A_155] : memref<204800x128xf32, #tpu.memory_space<hbm>> -> memref<40x128xf32, #tpu.memory_space<hbm>>
    %dma_start3A_157 = tpu.memref_slice %arg10[%dma_start3A_150] : memref<3x!tpu.dma_semaphore, #tpu.memory_space<semaphore_mem>> -> memref<1x!tpu.dma_semaphore, #tpu.memory_space<semaphore_mem>>
    %dma_start3A_158 = tpu.memref_squeeze %dma_start3A_157 : memref<1x!tpu.dma_semaphore, #tpu.memory_space<semaphore_mem>> -> memref<!tpu.dma_semaphore, #tpu.memory_space<semaphore_mem>>
    %dma_start3A_159 = arith.constant 0 : i32
    %dma_start3A_160 = tpu.memref_slice %arg5[%add3A_148, %dma_start3A_159] : memref<204800x128xf32, #tpu.memory_space<hbm>> -> memref<40x128xf32, #tpu.memory_space<hbm>>
    %dma_start3A_161 = arith.constant 120 : i32
    %dma_start3A_162 = arith.constant 0 : i32
    %dma_start3A_163 = tpu.memref_slice %arg8[%dma_start3A_149, %dma_start3A_161, %dma_start3A_162] : memref<3x200x128xf32, #tpu.memory_space<vmem>> -> memref<1x40x128xf32, #tpu.memory_space<vmem>>
    %dma_start3A_164 = tpu.memref_squeeze %dma_start3A_163 : memref<1x40x128xf32, #tpu.memory_space<vmem>> -> memref<40x128xf32, #tpu.memory_space<vmem>>
    tpu.enqueue_dma source(%dma_start3A_164 : memref<40x128xf32, #tpu.memory_space<vmem>>) target(%dma_start3A_160 : memref<40x128xf32, #tpu.memory_space<hbm>>) target_semaphore(%dma_start3A_158 : memref<!tpu.dma_semaphore, #tpu.memory_space<semaphore_mem>>)
    %scan3A_165 = arith.constant 0 : i32
    %scan3A_166 = arith.constant 0 : i32
    %scan3A_167 = arith.constant 20 : i32
    %scan3A_168 = arith.addi %scan3A_166, %scan3A_167 : i32
    %scan3A_169 = arith.constant 1 : i32
    scf.for %scan3A_327 = %scan3A_166 to %scan3A_168 step %scan3A_169  : i32 {
      %mul3A_328 = arith.constant 2 : i32
      %mul3A_329 = arith.muli %scan3A_327, %mul3A_328 : i32
      %add3A_330 = arith.constant 160 : i32
      %add3A_331 = arith.addi %add3A_330, %mul3A_329 : i32
      %add3A_332 = arith.constant 0 : i32
      %add3A_333 = arith.addi %add3A_331, %add3A_332 : i32
      %get3A = arith.index_cast %add3A_333 : i32 to index
      %get3A_334 = arith.constant 0 : index
      %get3A_335 = tpu.vector_load %arg6[%get3A, %get3A_334] {strides = array<i32>} : memref<200x128xf32, #tpu.memory_space<vmem>>, vector<1x16xf32>,
      %get3A_336 = vector.shape_cast %get3A_335 : vector<1x16xf32> to vector<16xf32>
      %swap3A = arith.constant 1 : i32
      %swap3A_337 = arith.index_cast %swap3A : i32 to index
      %swap3A_338 = arith.index_cast %add3A_333 : i32 to index
      %swap3A_339 = arith.constant 0 : index
      %swap3A_340 = tpu.vector_load %arg8[%swap3A_337, %swap3A_338, %swap3A_339] {strides = array<i32>} : memref<3x200x128xf32, #tpu.memory_space<vmem>>, vector<1x1x16xf32>,
      %swap3A_341 = vector.shape_cast %swap3A_340 : vector<1x1x16xf32> to vector<16xf32>
      %swap3A_342 = vector.shape_cast %get3A_336 : vector<16xf32> to vector<1x1x16xf32>
      tpu.vector_store %arg8[%swap3A_337, %swap3A_338, %swap3A_339], %swap3A_342 {add = true, strides = array<i32>} : memref<3x200x128xf32, #tpu.memory_space<vmem>>, vector<1x1x16xf32>,
      %get3A_343 = arith.index_cast %add3A_333 : i32 to index
      %get3A_344 = arith.constant 16 : index
      %get3A_345 = tpu.vector_load %arg6[%get3A_343, %get3A_344] {strides = array<i32>} : memref<200x128xf32, #tpu.memory_space<vmem>>, vector<1x16xf32>,
      %get3A_346 = vector.shape_cast %get3A_345 : vector<1x16xf32> to vector<16xf32>
      %swap3A_347 = arith.constant 1 : i32
      %swap3A_348 = arith.index_cast %swap3A_347 : i32 to index
      %swap3A_349 = arith.index_cast %add3A_333 : i32 to index
      %swap3A_350 = arith.constant 16 : index
      %swap3A_351 = tpu.vector_load %arg8[%swap3A_348, %swap3A_349, %swap3A_350] {strides = array<i32>} : memref<3x200x128xf32, #tpu.memory_space<vmem>>, vector<1x1x16xf32>,
      %swap3A_352 = vector.shape_cast %swap3A_351 : vector<1x1x16xf32> to vector<16xf32>
      %swap3A_353 = vector.shape_cast %get3A_346 : vector<16xf32> to vector<1x1x16xf32>
      tpu.vector_store %arg8[%swap3A_348, %swap3A_349, %swap3A_350], %swap3A_353 {add = true, strides = array<i32>} : memref<3x200x128xf32, #tpu.memory_space<vmem>>, vector<1x1x16xf32>,
      %get3A_354 = arith.index_cast %add3A_333 : i32 to index
      %get3A_355 = arith.constant 32 : index
      %get3A_356 = tpu.vector_load %arg6[%get3A_354, %get3A_355] {strides = array<i32>} : memref<200x128xf32, #tpu.memory_space<vmem>>, vector<1x16xf32>,
      %get3A_357 = vector.shape_cast %get3A_356 : vector<1x16xf32> to vector<16xf32>
      %swap3A_358 = arith.constant 1 : i32
      %swap3A_359 = arith.index_cast %swap3A_358 : i32 to index
      %swap3A_360 = arith.index_cast %add3A_333 : i32 to index
      %swap3A_361 = arith.constant 32 : index
      %swap3A_362 = tpu.vector_load %arg8[%swap3A_359, %swap3A_360, %swap3A_361] {strides = array<i32>} : memref<3x200x128xf32, #tpu.memory_space<vmem>>, vector<1x1x16xf32>,
      %swap3A_363 = vector.shape_cast %swap3A_362 : vector<1x1x16xf32> to vector<16xf32>
      %swap3A_364 = vector.shape_cast %get3A_357 : vector<16xf32> to vector<1x1x16xf32>
      tpu.vector_store %arg8[%swap3A_359, %swap3A_360, %swap3A_361], %swap3A_364 {add = true, strides = array<i32>} : memref<3x200x128xf32, #tpu.memory_space<vmem>>, vector<1x1x16xf32>,
      %get3A_365 = arith.index_cast %add3A_333 : i32 to index
      %get3A_366 = arith.constant 48 : index
      %get3A_367 = tpu.vector_load %arg6[%get3A_365, %get3A_366] {strides = array<i32>} : memref<200x128xf32, #tpu.memory_space<vmem>>, vector<1x16xf32>,
      %get3A_368 = vector.shape_cast %get3A_367 : vector<1x16xf32> to vector<16xf32>
      %swap3A_369 = arith.constant 1 : i32
      %swap3A_370 = arith.index_cast %swap3A_369 : i32 to index
      %swap3A_371 = arith.index_cast %add3A_333 : i32 to index
      %swap3A_372 = arith.constant 48 : index
      %swap3A_373 = tpu.vector_load %arg8[%swap3A_370, %swap3A_371, %swap3A_372] {strides = array<i32>} : memref<3x200x128xf32, #tpu.memory_space<vmem>>, vector<1x1x16xf32>,
      %swap3A_374 = vector.shape_cast %swap3A_373 : vector<1x1x16xf32> to vector<16xf32>
      %swap3A_375 = vector.shape_cast %get3A_368 : vector<16xf32> to vector<1x1x16xf32>
      tpu.vector_store %arg8[%swap3A_370, %swap3A_371, %swap3A_372], %swap3A_375 {add = true, strides = array<i32>} : memref<3x200x128xf32, #tpu.memory_space<vmem>>, vector<1x1x16xf32>,
      %get3A_376 = arith.index_cast %add3A_333 : i32 to index
      %get3A_377 = arith.constant 64 : index
      %get3A_378 = tpu.vector_load %arg6[%get3A_376, %get3A_377] {strides = array<i32>} : memref<200x128xf32, #tpu.memory_space<vmem>>, vector<1x16xf32>,
      %get3A_379 = vector.shape_cast %get3A_378 : vector<1x16xf32> to vector<16xf32>
      %swap3A_380 = arith.constant 1 : i32
      %swap3A_381 = arith.index_cast %swap3A_380 : i32 to index
      %swap3A_382 = arith.index_cast %add3A_333 : i32 to index
      %swap3A_383 = arith.constant 64 : index
      %swap3A_384 = tpu.vector_load %arg8[%swap3A_381, %swap3A_382, %swap3A_383] {strides = array<i32>} : memref<3x200x128xf32, #tpu.memory_space<vmem>>, vector<1x1x16xf32>,
      %swap3A_385 = vector.shape_cast %swap3A_384 : vector<1x1x16xf32> to vector<16xf32>
      %swap3A_386 = vector.shape_cast %get3A_379 : vector<16xf32> to vector<1x1x16xf32>
      tpu.vector_store %arg8[%swap3A_381, %swap3A_382, %swap3A_383], %swap3A_386 {add = true, strides = array<i32>} : memref<3x200x128xf32, #tpu.memory_space<vmem>>, vector<1x1x16xf32>,
      %get3A_387 = arith.index_cast %add3A_333 : i32 to index
      %get3A_388 = arith.constant 80 : index
      %get3A_389 = tpu.vector_load %arg6[%get3A_387, %get3A_388] {strides = array<i32>} : memref<200x128xf32, #tpu.memory_space<vmem>>, vector<1x16xf32>,
      %get3A_390 = vector.shape_cast %get3A_389 : vector<1x16xf32> to vector<16xf32>
      %swap3A_391 = arith.constant 1 : i32
      %swap3A_392 = arith.index_cast %swap3A_391 : i32 to index
      %swap3A_393 = arith.index_cast %add3A_333 : i32 to index
      %swap3A_394 = arith.constant 80 : index
      %swap3A_395 = tpu.vector_load %arg8[%swap3A_392, %swap3A_393, %swap3A_394] {strides = array<i32>} : memref<3x200x128xf32, #tpu.memory_space<vmem>>, vector<1x1x16xf32>,
      %swap3A_396 = vector.shape_cast %swap3A_395 : vector<1x1x16xf32> to vector<16xf32>
      %swap3A_397 = vector.shape_cast %get3A_390 : vector<16xf32> to vector<1x1x16xf32>
      tpu.vector_store %arg8[%swap3A_392, %swap3A_393, %swap3A_394], %swap3A_397 {add = true, strides = array<i32>} : memref<3x200x128xf32, #tpu.memory_space<vmem>>, vector<1x1x16xf32>,
      %get3A_398 = arith.index_cast %add3A_333 : i32 to index
      %get3A_399 = arith.constant 96 : index
      %get3A_400 = tpu.vector_load %arg6[%get3A_398, %get3A_399] {strides = array<i32>} : memref<200x128xf32, #tpu.memory_space<vmem>>, vector<1x16xf32>,
      %get3A_401 = vector.shape_cast %get3A_400 : vector<1x16xf32> to vector<16xf32>
      %swap3A_402 = arith.constant 1 : i32
      %swap3A_403 = arith.index_cast %swap3A_402 : i32 to index
      %swap3A_404 = arith.index_cast %add3A_333 : i32 to index
      %swap3A_405 = arith.constant 96 : index
      %swap3A_406 = tpu.vector_load %arg8[%swap3A_403, %swap3A_404, %swap3A_405] {strides = array<i32>} : memref<3x200x128xf32, #tpu.memory_space<vmem>>, vector<1x1x16xf32>,
      %swap3A_407 = vector.shape_cast %swap3A_406 : vector<1x1x16xf32> to vector<16xf32>
      %swap3A_408 = vector.shape_cast %get3A_401 : vector<16xf32> to vector<1x1x16xf32>
      tpu.vector_store %arg8[%swap3A_403, %swap3A_404, %swap3A_405], %swap3A_408 {add = true, strides = array<i32>} : memref<3x200x128xf32, #tpu.memory_space<vmem>>, vector<1x1x16xf32>,
      %get3A_409 = arith.index_cast %add3A_333 : i32 to index
      %get3A_410 = arith.constant 112 : index
      %get3A_411 = tpu.vector_load %arg6[%get3A_409, %get3A_410] {strides = array<i32>} : memref<200x128xf32, #tpu.memory_space<vmem>>, vector<1x16xf32>,
      %get3A_412 = vector.shape_cast %get3A_411 : vector<1x16xf32> to vector<16xf32>
      %swap3A_413 = arith.constant 1 : i32
      %swap3A_414 = arith.index_cast %swap3A_413 : i32 to index
      %swap3A_415 = arith.index_cast %add3A_333 : i32 to index
      %swap3A_416 = arith.constant 112 : index
      %swap3A_417 = tpu.vector_load %arg8[%swap3A_414, %swap3A_415, %swap3A_416] {strides = array<i32>} : memref<3x200x128xf32, #tpu.memory_space<vmem>>, vector<1x1x16xf32>,
      %swap3A_418 = vector.shape_cast %swap3A_417 : vector<1x1x16xf32> to vector<16xf32>
      %swap3A_419 = vector.shape_cast %get3A_412 : vector<16xf32> to vector<1x1x16xf32>
      tpu.vector_store %arg8[%swap3A_414, %swap3A_415, %swap3A_416], %swap3A_419 {add = true, strides = array<i32>} : memref<3x200x128xf32, #tpu.memory_space<vmem>>, vector<1x1x16xf32>,
      %mul3A_420 = arith.constant 2 : i32
      %mul3A_421 = arith.muli %scan3A_327, %mul3A_420 : i32
      %add3A_422 = arith.constant 160 : i32
      %add3A_423 = arith.addi %add3A_422, %mul3A_421 : i32
      %add3A_424 = arith.constant 1 : i32
      %add3A_425 = arith.addi %add3A_423, %add3A_424 : i32
      %get3A_426 = arith.index_cast %add3A_425 : i32 to index
      %get3A_427 = arith.constant 0 : index
      %get3A_428 = tpu.vector_load %arg6[%get3A_426, %get3A_427] {strides = array<i32>} : memref<200x128xf32, #tpu.memory_space<vmem>>, vector<1x16xf32>,
      %get3A_429 = vector.shape_cast %get3A_428 : vector<1x16xf32> to vector<16xf32>
      %swap3A_430 = arith.constant 1 : i32
      %swap3A_431 = arith.index_cast %swap3A_430 : i32 to index
      %swap3A_432 = arith.index_cast %add3A_425 : i32 to index
      %swap3A_433 = arith.constant 0 : index
      %swap3A_434 = tpu.vector_load %arg8[%swap3A_431, %swap3A_432, %swap3A_433] {strides = array<i32>} : memref<3x200x128xf32, #tpu.memory_space<vmem>>, vector<1x1x16xf32>,
      %swap3A_435 = vector.shape_cast %swap3A_434 : vector<1x1x16xf32> to vector<16xf32>
      %swap3A_436 = vector.shape_cast %get3A_429 : vector<16xf32> to vector<1x1x16xf32>
      tpu.vector_store %arg8[%swap3A_431, %swap3A_432, %swap3A_433], %swap3A_436 {add = true, strides = array<i32>} : memref<3x200x128xf32, #tpu.memory_space<vmem>>, vector<1x1x16xf32>,
      %get3A_437 = arith.index_cast %add3A_425 : i32 to index
      %get3A_438 = arith.constant 16 : index
      %get3A_439 = tpu.vector_load %arg6[%get3A_437, %get3A_438] {strides = array<i32>} : memref<200x128xf32, #tpu.memory_space<vmem>>, vector<1x16xf32>,
      %get3A_440 = vector.shape_cast %get3A_439 : vector<1x16xf32> to vector<16xf32>
      %swap3A_441 = arith.constant 1 : i32
      %swap3A_442 = arith.index_cast %swap3A_441 : i32 to index
      %swap3A_443 = arith.index_cast %add3A_425 : i32 to index
      %swap3A_444 = arith.constant 16 : index
      %swap3A_445 = tpu.vector_load %arg8[%swap3A_442, %swap3A_443, %swap3A_444] {strides = array<i32>} : memref<3x200x128xf32, #tpu.memory_space<vmem>>, vector<1x1x16xf32>,
      %swap3A_446 = vector.shape_cast %swap3A_445 : vector<1x1x16xf32> to vector<16xf32>
      %swap3A_447 = vector.shape_cast %get3A_440 : vector<16xf32> to vector<1x1x16xf32>
      tpu.vector_store %arg8[%swap3A_442, %swap3A_443, %swap3A_444], %swap3A_447 {add = true, strides = array<i32>} : memref<3x200x128xf32, #tpu.memory_space<vmem>>, vector<1x1x16xf32>,
      %get3A_448 = arith.index_cast %add3A_425 : i32 to index
      %get3A_449 = arith.constant 32 : index
      %get3A_450 = tpu.vector_load %arg6[%get3A_448, %get3A_449] {strides = array<i32>} : memref<200x128xf32, #tpu.memory_space<vmem>>, vector<1x16xf32>,
      %get3A_451 = vector.shape_cast %get3A_450 : vector<1x16xf32> to vector<16xf32>
      %swap3A_452 = arith.constant 1 : i32
      %swap3A_453 = arith.index_cast %swap3A_452 : i32 to index
      %swap3A_454 = arith.index_cast %add3A_425 : i32 to index
      %swap3A_455 = arith.constant 32 : index
      %swap3A_456 = tpu.vector_load %arg8[%swap3A_453, %swap3A_454, %swap3A_455] {strides = array<i32>} : memref<3x200x128xf32, #tpu.memory_space<vmem>>, vector<1x1x16xf32>,
      %swap3A_457 = vector.shape_cast %swap3A_456 : vector<1x1x16xf32> to vector<16xf32>
      %swap3A_458 = vector.shape_cast %get3A_451 : vector<16xf32> to vector<1x1x16xf32>
      tpu.vector_store %arg8[%swap3A_453, %swap3A_454, %swap3A_455], %swap3A_458 {add = true, strides = array<i32>} : memref<3x200x128xf32, #tpu.memory_space<vmem>>, vector<1x1x16xf32>,
      %get3A_459 = arith.index_cast %add3A_425 : i32 to index
      %get3A_460 = arith.constant 48 : index
      %get3A_461 = tpu.vector_load %arg6[%get3A_459, %get3A_460] {strides = array<i32>} : memref<200x128xf32, #tpu.memory_space<vmem>>, vector<1x16xf32>,
      %get3A_462 = vector.shape_cast %get3A_461 : vector<1x16xf32> to vector<16xf32>
      %swap3A_463 = arith.constant 1 : i32
      %swap3A_464 = arith.index_cast %swap3A_463 : i32 to index
      %swap3A_465 = arith.index_cast %add3A_425 : i32 to index
      %swap3A_466 = arith.constant 48 : index
      %swap3A_467 = tpu.vector_load %arg8[%swap3A_464, %swap3A_465, %swap3A_466] {strides = array<i32>} : memref<3x200x128xf32, #tpu.memory_space<vmem>>, vector<1x1x16xf32>,
      %swap3A_468 = vector.shape_cast %swap3A_467 : vector<1x1x16xf32> to vector<16xf32>
      %swap3A_469 = vector.shape_cast %get3A_462 : vector<16xf32> to vector<1x1x16xf32>
      tpu.vector_store %arg8[%swap3A_464, %swap3A_465, %swap3A_466], %swap3A_469 {add = true, strides = array<i32>} : memref<3x200x128xf32, #tpu.memory_space<vmem>>, vector<1x1x16xf32>,
      %get3A_470 = arith.index_cast %add3A_425 : i32 to index
      %get3A_471 = arith.constant 64 : index
      %get3A_472 = tpu.vector_load %arg6[%get3A_470, %get3A_471] {strides = array<i32>} : memref<200x128xf32, #tpu.memory_space<vmem>>, vector<1x16xf32>,
      %get3A_473 = vector.shape_cast %get3A_472 : vector<1x16xf32> to vector<16xf32>
      %swap3A_474 = arith.constant 1 : i32
      %swap3A_475 = arith.index_cast %swap3A_474 : i32 to index
      %swap3A_476 = arith.index_cast %add3A_425 : i32 to index
      %swap3A_477 = arith.constant 64 : index
      %swap3A_478 = tpu.vector_load %arg8[%swap3A_475, %swap3A_476, %swap3A_477] {strides = array<i32>} : memref<3x200x128xf32, #tpu.memory_space<vmem>>, vector<1x1x16xf32>,
      %swap3A_479 = vector.shape_cast %swap3A_478 : vector<1x1x16xf32> to vector<16xf32>
      %swap3A_480 = vector.shape_cast %get3A_473 : vector<16xf32> to vector<1x1x16xf32>
      tpu.vector_store %arg8[%swap3A_475, %swap3A_476, %swap3A_477], %swap3A_480 {add = true, strides = array<i32>} : memref<3x200x128xf32, #tpu.memory_space<vmem>>, vector<1x1x16xf32>,
      %get3A_481 = arith.index_cast %add3A_425 : i32 to index
      %get3A_482 = arith.constant 80 : index
      %get3A_483 = tpu.vector_load %arg6[%get3A_481, %get3A_482] {strides = array<i32>} : memref<200x128xf32, #tpu.memory_space<vmem>>, vector<1x16xf32>,
      %get3A_484 = vector.shape_cast %get3A_483 : vector<1x16xf32> to vector<16xf32>
      %swap3A_485 = arith.constant 1 : i32
      %swap3A_486 = arith.index_cast %swap3A_485 : i32 to index
      %swap3A_487 = arith.index_cast %add3A_425 : i32 to index
      %swap3A_488 = arith.constant 80 : index
      %swap3A_489 = tpu.vector_load %arg8[%swap3A_486, %swap3A_487, %swap3A_488] {strides = array<i32>} : memref<3x200x128xf32, #tpu.memory_space<vmem>>, vector<1x1x16xf32>,
      %swap3A_490 = vector.shape_cast %swap3A_489 : vector<1x1x16xf32> to vector<16xf32>
      %swap3A_491 = vector.shape_cast %get3A_484 : vector<16xf32> to vector<1x1x16xf32>
      tpu.vector_store %arg8[%swap3A_486, %swap3A_487, %swap3A_488], %swap3A_491 {add = true, strides = array<i32>} : memref<3x200x128xf32, #tpu.memory_space<vmem>>, vector<1x1x16xf32>,
      %get3A_492 = arith.index_cast %add3A_425 : i32 to index
      %get3A_493 = arith.constant 96 : index
      %get3A_494 = tpu.vector_load %arg6[%get3A_492, %get3A_493] {strides = array<i32>} : memref<200x128xf32, #tpu.memory_space<vmem>>, vector<1x16xf32>,
      %get3A_495 = vector.shape_cast %get3A_494 : vector<1x16xf32> to vector<16xf32>
      %swap3A_496 = arith.constant 1 : i32
      %swap3A_497 = arith.index_cast %swap3A_496 : i32 to index
      %swap3A_498 = arith.index_cast %add3A_425 : i32 to index
      %swap3A_499 = arith.constant 96 : index
      %swap3A_500 = tpu.vector_load %arg8[%swap3A_497, %swap3A_498, %swap3A_499] {strides = array<i32>} : memref<3x200x128xf32, #tpu.memory_space<vmem>>, vector<1x1x16xf32>,
      %swap3A_501 = vector.shape_cast %swap3A_500 : vector<1x1x16xf32> to vector<16xf32>
      %swap3A_502 = vector.shape_cast %get3A_495 : vector<16xf32> to vector<1x1x16xf32>
      tpu.vector_store %arg8[%swap3A_497, %swap3A_498, %swap3A_499], %swap3A_502 {add = true, strides = array<i32>} : memref<3x200x128xf32, #tpu.memory_space<vmem>>, vector<1x1x16xf32>,
      %get3A_503 = arith.index_cast %add3A_425 : i32 to index
      %get3A_504 = arith.constant 112 : index
      %get3A_505 = tpu.vector_load %arg6[%get3A_503, %get3A_504] {strides = array<i32>} : memref<200x128xf32, #tpu.memory_space<vmem>>, vector<1x16xf32>,
      %get3A_506 = vector.shape_cast %get3A_505 : vector<1x16xf32> to vector<16xf32>
      %swap3A_507 = arith.constant 1 : i32
      %swap3A_508 = arith.index_cast %swap3A_507 : i32 to index
      %swap3A_509 = arith.index_cast %add3A_425 : i32 to index
      %swap3A_510 = arith.constant 112 : index
      %swap3A_511 = tpu.vector_load %arg8[%swap3A_508, %swap3A_509, %swap3A_510] {strides = array<i32>} : memref<3x200x128xf32, #tpu.memory_space<vmem>>, vector<1x1x16xf32>,
      %swap3A_512 = vector.shape_cast %swap3A_511 : vector<1x1x16xf32> to vector<16xf32>
      %swap3A_513 = vector.shape_cast %get3A_506 : vector<16xf32> to vector<1x1x16xf32>
      tpu.vector_store %arg8[%swap3A_508, %swap3A_509, %swap3A_510], %swap3A_513 {add = true, strides = array<i32>} : memref<3x200x128xf32, #tpu.memory_space<vmem>>, vector<1x1x16xf32>,
    }
    %scan3A_170 = arith.constant 20 : i32
    %add3A_171 = arith.constant 6200 : i32
    %add3A_172 = arith.addi %mul3A_2, %add3A_171 : i32
    %add3A_173 = arith.constant 160 : i32
    %add3A_174 = arith.addi %add3A_172, %add3A_173 : i32
    %dma_start3A_175 = arith.constant 1 : i32
    %dma_start3A_176 = arith.constant 1 : i32
    %dma_start3A_177 = arith.constant 160 : i32
    %dma_start3A_178 = arith.constant 0 : i32
    %dma_start3A_179 = tpu.memref_slice %arg8[%dma_start3A_175, %dma_start3A_177, %dma_start3A_178] : memref<3x200x128xf32, #tpu.memory_space<vmem>> -> memref<1x40x128xf32, #tpu.memory_space<vmem>>
    %dma_start3A_180 = tpu.memref_squeeze %dma_start3A_179 : memref<1x40x128xf32, #tpu.memory_space<vmem>> -> memref<40x128xf32, #tpu.memory_space<vmem>>
    %dma_start3A_181 = arith.constant 0 : i32
    %dma_start3A_182 = tpu.memref_slice %arg5[%add3A_174, %dma_start3A_181] : memref<204800x128xf32, #tpu.memory_space<hbm>> -> memref<40x128xf32, #tpu.memory_space<hbm>>
    %dma_start3A_183 = tpu.memref_slice %arg10[%dma_start3A_176] : memref<3x!tpu.dma_semaphore, #tpu.memory_space<semaphore_mem>> -> memref<1x!tpu.dma_semaphore, #tpu.memory_space<semaphore_mem>>
    %dma_start3A_184 = tpu.memref_squeeze %dma_start3A_183 : memref<1x!tpu.dma_semaphore, #tpu.memory_space<semaphore_mem>> -> memref<!tpu.dma_semaphore, #tpu.memory_space<semaphore_mem>>
    %dma_start3A_185 = arith.constant 0 : i32
    %dma_start3A_186 = tpu.memref_slice %arg5[%add3A_174, %dma_start3A_185] : memref<204800x128xf32, #tpu.memory_space<hbm>> -> memref<40x128xf32, #tpu.memory_space<hbm>>
    %dma_start3A_187 = arith.constant 160 : i32
    %dma_start3A_188 = arith.constant 0 : i32
    %dma_start3A_189 = tpu.memref_slice %arg8[%dma_start3A_175, %dma_start3A_187, %dma_start3A_188] : memref<3x200x128xf32, #tpu.memory_space<vmem>> -> memref<1x40x128xf32, #tpu.memory_space<vmem>>
    %dma_start3A_190 = tpu.memref_squeeze %dma_start3A_189 : memref<1x40x128xf32, #tpu.memory_space<vmem>> -> memref<40x128xf32, #tpu.memory_space<vmem>>
    tpu.enqueue_dma source(%dma_start3A_190 : memref<40x128xf32, #tpu.memory_space<vmem>>) target(%dma_start3A_186 : memref<40x128xf32, #tpu.memory_space<hbm>>) target_semaphore(%dma_start3A_184 : memref<!tpu.dma_semaphore, #tpu.memory_space<semaphore_mem>>)
    %add3A_191 = arith.constant 5800 : i32
    %add3A_192 = arith.addi %mul3A_2, %add3A_191 : i32
    %dma_wait3A_193 = arith.constant 2 : i32
    %dma_wait3A_194 = arith.constant 2 : i32
    %dma_wait3A_195 = arith.constant 0 : i32
    %dma_wait3A_196 = arith.constant 0 : i32
    %dma_wait3A_197 = tpu.memref_slice %arg8[%dma_wait3A_193, %dma_wait3A_195, %dma_wait3A_196] : memref<3x200x128xf32, #tpu.memory_space<vmem>> -> memref<1x200x128xf32, #tpu.memory_space<vmem>>
    %dma_wait3A_198 = tpu.memref_squeeze %dma_wait3A_197 : memref<1x200x128xf32, #tpu.memory_space<vmem>> -> memref<200x128xf32, #tpu.memory_space<vmem>>
    %dma_wait3A_199 = arith.constant 0 : i32
    %dma_wait3A_200 = tpu.memref_slice %arg5[%add3A_192, %dma_wait3A_199] : memref<204800x128xf32, #tpu.memory_space<hbm>> -> memref<200x128xf32, #tpu.memory_space<hbm>>
    %dma_wait3A_201 = tpu.memref_slice %arg10[%dma_wait3A_194] : memref<3x!tpu.dma_semaphore, #tpu.memory_space<semaphore_mem>> -> memref<1x!tpu.dma_semaphore, #tpu.memory_space<semaphore_mem>>
    %dma_wait3A_202 = tpu.memref_squeeze %dma_wait3A_201 : memref<1x!tpu.dma_semaphore, #tpu.memory_space<semaphore_mem>> -> memref<!tpu.dma_semaphore, #tpu.memory_space<semaphore_mem>>
    %dma_wait3A_203 = arith.constant 0 : i32
    %dma_wait3A_204 = tpu.memref_slice %arg5[%add3A_192, %dma_wait3A_203] : memref<204800x128xf32, #tpu.memory_space<hbm>> -> memref<200x128xf32, #tpu.memory_space<hbm>>
    %dma_wait3A_205 = arith.constant 0 : i32
    %dma_wait3A_206 = arith.constant 0 : i32
    %dma_wait3A_207 = tpu.memref_slice %arg8[%dma_wait3A_193, %dma_wait3A_205, %dma_wait3A_206] : memref<3x200x128xf32, #tpu.memory_space<vmem>> -> memref<1x200x128xf32, #tpu.memory_space<vmem>>
    %dma_wait3A_208 = tpu.memref_squeeze %dma_wait3A_207 : memref<1x200x128xf32, #tpu.memory_space<vmem>> -> memref<200x128xf32, #tpu.memory_space<vmem>>
    tpu.wait_dma2 semaphore(%dma_wait3A_202 : memref<!tpu.dma_semaphore, #tpu.memory_space<semaphore_mem>>) src(%dma_wait3A_208 : memref<200x128xf32, #tpu.memory_space<vmem>>) dst(%dma_wait3A_204 : memref<200x128xf32, #tpu.memory_space<hbm>>)
    %add3A_209 = arith.constant 6000 : i32
    %add3A_210 = arith.addi %mul3A_2, %add3A_209 : i32
    %dma_wait3A_211 = arith.constant 0 : i32
    %dma_wait3A_212 = arith.constant 0 : i32
    %dma_wait3A_213 = arith.constant 0 : i32
    %dma_wait3A_214 = arith.constant 0 : i32
    %dma_wait3A_215 = tpu.memref_slice %arg8[%dma_wait3A_211, %dma_wait3A_213, %dma_wait3A_214] : memref<3x200x128xf32, #tpu.memory_space<vmem>> -> memref<1x200x128xf32, #tpu.memory_space<vmem>>
    %dma_wait3A_216 = tpu.memref_squeeze %dma_wait3A_215 : memref<1x200x128xf32, #tpu.memory_space<vmem>> -> memref<200x128xf32, #tpu.memory_space<vmem>>
    %dma_wait3A_217 = arith.constant 0 : i32
    %dma_wait3A_218 = tpu.memref_slice %arg5[%add3A_210, %dma_wait3A_217] : memref<204800x128xf32, #tpu.memory_space<hbm>> -> memref<200x128xf32, #tpu.memory_space<hbm>>
    %dma_wait3A_219 = tpu.memref_slice %arg10[%dma_wait3A_212] : memref<3x!tpu.dma_semaphore, #tpu.memory_space<semaphore_mem>> -> memref<1x!tpu.dma_semaphore, #tpu.memory_space<semaphore_mem>>
    %dma_wait3A_220 = tpu.memref_squeeze %dma_wait3A_219 : memref<1x!tpu.dma_semaphore, #tpu.memory_space<semaphore_mem>> -> memref<!tpu.dma_semaphore, #tpu.memory_space<semaphore_mem>>
    %dma_wait3A_221 = arith.constant 0 : i32
    %dma_wait3A_222 = tpu.memref_slice %arg5[%add3A_210, %dma_wait3A_221] : memref<204800x128xf32, #tpu.memory_space<hbm>> -> memref<200x128xf32, #tpu.memory_space<hbm>>
    %dma_wait3A_223 = arith.constant 0 : i32
    %dma_wait3A_224 = arith.constant 0 : i32
    %dma_wait3A_225 = tpu.memref_slice %arg8[%dma_wait3A_211, %dma_wait3A_223, %dma_wait3A_224] : memref<3x200x128xf32, #tpu.memory_space<vmem>> -> memref<1x200x128xf32, #tpu.memory_space<vmem>>
    %dma_wait3A_226 = tpu.memref_squeeze %dma_wait3A_225 : memref<1x200x128xf32, #tpu.memory_space<vmem>> -> memref<200x128xf32, #tpu.memory_space<vmem>>
    tpu.wait_dma2 semaphore(%dma_wait3A_220 : memref<!tpu.dma_semaphore, #tpu.memory_space<semaphore_mem>>) src(%dma_wait3A_226 : memref<200x128xf32, #tpu.memory_space<vmem>>) dst(%dma_wait3A_222 : memref<200x128xf32, #tpu.memory_space<hbm>>)
    %add3A_227 = arith.constant 6200 : i32
    %add3A_228 = arith.addi %mul3A_2, %add3A_227 : i32
    %add3A_229 = arith.constant 0 : i32
    %add3A_230 = arith.addi %add3A_228, %add3A_229 : i32
    %dma_wait3A_231 = arith.constant 1 : i32
    %dma_wait3A_232 = arith.constant 1 : i32
    %dma_wait3A_233 = arith.constant 0 : i32
    %dma_wait3A_234 = arith.constant 0 : i32
    %dma_wait3A_235 = tpu.memref_slice %arg8[%dma_wait3A_231, %dma_wait3A_233, %dma_wait3A_234] : memref<3x200x128xf32, #tpu.memory_space<vmem>> -> memref<1x40x128xf32, #tpu.memory_space<vmem>>
    %dma_wait3A_236 = tpu.memref_squeeze %dma_wait3A_235 : memref<1x40x128xf32, #tpu.memory_space<vmem>> -> memref<40x128xf32, #tpu.memory_space<vmem>>
    %dma_wait3A_237 = arith.constant 0 : i32
    %dma_wait3A_238 = tpu.memref_slice %arg5[%add3A_230, %dma_wait3A_237] : memref<204800x128xf32, #tpu.memory_space<hbm>> -> memref<40x128xf32, #tpu.memory_space<hbm>>
    %dma_wait3A_239 = tpu.memref_slice %arg10[%dma_wait3A_232] : memref<3x!tpu.dma_semaphore, #tpu.memory_space<semaphore_mem>> -> memref<1x!tpu.dma_semaphore, #tpu.memory_space<semaphore_mem>>
    %dma_wait3A_240 = tpu.memref_squeeze %dma_wait3A_239 : memref<1x!tpu.dma_semaphore, #tpu.memory_space<semaphore_mem>> -> memref<!tpu.dma_semaphore, #tpu.memory_space<semaphore_mem>>
    %dma_wait3A_241 = arith.constant 0 : i32
    %dma_wait3A_242 = tpu.memref_slice %arg5[%add3A_230, %dma_wait3A_241] : memref<204800x128xf32, #tpu.memory_space<hbm>> -> memref<40x128xf32, #tpu.memory_space<hbm>>
    %dma_wait3A_243 = arith.constant 0 : i32
    %dma_wait3A_244 = arith.constant 0 : i32
    %dma_wait3A_245 = tpu.memref_slice %arg8[%dma_wait3A_231, %dma_wait3A_243, %dma_wait3A_244] : memref<3x200x128xf32, #tpu.memory_space<vmem>> -> memref<1x40x128xf32, #tpu.memory_space<vmem>>
    %dma_wait3A_246 = tpu.memref_squeeze %dma_wait3A_245 : memref<1x40x128xf32, #tpu.memory_space<vmem>> -> memref<40x128xf32, #tpu.memory_space<vmem>>
    tpu.wait_dma2 semaphore(%dma_wait3A_240 : memref<!tpu.dma_semaphore, #tpu.memory_space<semaphore_mem>>) src(%dma_wait3A_246 : memref<40x128xf32, #tpu.memory_space<vmem>>) dst(%dma_wait3A_242 : memref<40x128xf32, #tpu.memory_space<hbm>>)
    %add3A_247 = arith.constant 6200 : i32
    %add3A_248 = arith.addi %mul3A_2, %add3A_247 : i32
    %add3A_249 = arith.constant 40 : i32
    %add3A_250 = arith.addi %add3A_248, %add3A_249 : i32
    %dma_wait3A_251 = arith.constant 1 : i32
    %dma_wait3A_252 = arith.constant 1 : i32
    %dma_wait3A_253 = arith.constant 40 : i32
    %dma_wait3A_254 = arith.constant 0 : i32
    %dma_wait3A_255 = tpu.memref_slice %arg8[%dma_wait3A_251, %dma_wait3A_253, %dma_wait3A_254] : memref<3x200x128xf32, #tpu.memory_space<vmem>> -> memref<1x40x128xf32, #tpu.memory_space<vmem>>
    %dma_wait3A_256 = tpu.memref_squeeze %dma_wait3A_255 : memref<1x40x128xf32, #tpu.memory_space<vmem>> -> memref<40x128xf32, #tpu.memory_space<vmem>>
    %dma_wait3A_257 = arith.constant 0 : i32
    %dma_wait3A_258 = tpu.memref_slice %arg5[%add3A_250, %dma_wait3A_257] : memref<204800x128xf32, #tpu.memory_space<hbm>> -> memref<40x128xf32, #tpu.memory_space<hbm>>
    %dma_wait3A_259 = tpu.memref_slice %arg10[%dma_wait3A_252] : memref<3x!tpu.dma_semaphore, #tpu.memory_space<semaphore_mem>> -> memref<1x!tpu.dma_semaphore, #tpu.memory_space<semaphore_mem>>
    %dma_wait3A_260 = tpu.memref_squeeze %dma_wait3A_259 : memref<1x!tpu.dma_semaphore, #tpu.memory_space<semaphore_mem>> -> memref<!tpu.dma_semaphore, #tpu.memory_space<semaphore_mem>>
    %dma_wait3A_261 = arith.constant 0 : i32
    %dma_wait3A_262 = tpu.memref_slice %arg5[%add3A_250, %dma_wait3A_261] : memref<204800x128xf32, #tpu.memory_space<hbm>> -> memref<40x128xf32, #tpu.memory_space<hbm>>
    %dma_wait3A_263 = arith.constant 40 : i32
    %dma_wait3A_264 = arith.constant 0 : i32
    %dma_wait3A_265 = tpu.memref_slice %arg8[%dma_wait3A_251, %dma_wait3A_263, %dma_wait3A_264] : memref<3x200x128xf32, #tpu.memory_space<vmem>> -> memref<1x40x128xf32, #tpu.memory_space<vmem>>
    %dma_wait3A_266 = tpu.memref_squeeze %dma_wait3A_265 : memref<1x40x128xf32, #tpu.memory_space<vmem>> -> memref<40x128xf32, #tpu.memory_space<vmem>>
    tpu.wait_dma2 semaphore(%dma_wait3A_260 : memref<!tpu.dma_semaphore, #tpu.memory_space<semaphore_mem>>) src(%dma_wait3A_266 : memref<40x128xf32, #tpu.memory_space<vmem>>) dst(%dma_wait3A_262 : memref<40x128xf32, #tpu.memory_space<hbm>>)
    %add3A_267 = arith.constant 6200 : i32
    %add3A_268 = arith.addi %mul3A_2, %add3A_267 : i32
    %add3A_269 = arith.constant 80 : i32
    %add3A_270 = arith.addi %add3A_268, %add3A_269 : i32
    %dma_wait3A_271 = arith.constant 1 : i32
    %dma_wait3A_272 = arith.constant 1 : i32
    %dma_wait3A_273 = arith.constant 80 : i32
    %dma_wait3A_274 = arith.constant 0 : i32
    %dma_wait3A_275 = tpu.memref_slice %arg8[%dma_wait3A_271, %dma_wait3A_273, %dma_wait3A_274] : memref<3x200x128xf32, #tpu.memory_space<vmem>> -> memref<1x40x128xf32, #tpu.memory_space<vmem>>
    %dma_wait3A_276 = tpu.memref_squeeze %dma_wait3A_275 : memref<1x40x128xf32, #tpu.memory_space<vmem>> -> memref<40x128xf32, #tpu.memory_space<vmem>>
    %dma_wait3A_277 = arith.constant 0 : i32
    %dma_wait3A_278 = tpu.memref_slice %arg5[%add3A_270, %dma_wait3A_277] : memref<204800x128xf32, #tpu.memory_space<hbm>> -> memref<40x128xf32, #tpu.memory_space<hbm>>
    %dma_wait3A_279 = tpu.memref_slice %arg10[%dma_wait3A_272] : memref<3x!tpu.dma_semaphore, #tpu.memory_space<semaphore_mem>> -> memref<1x!tpu.dma_semaphore, #tpu.memory_space<semaphore_mem>>
    %dma_wait3A_280 = tpu.memref_squeeze %dma_wait3A_279 : memref<1x!tpu.dma_semaphore, #tpu.memory_space<semaphore_mem>> -> memref<!tpu.dma_semaphore, #tpu.memory_space<semaphore_mem>>
    %dma_wait3A_281 = arith.constant 0 : i32
    %dma_wait3A_282 = tpu.memref_slice %arg5[%add3A_270, %dma_wait3A_281] : memref<204800x128xf32, #tpu.memory_space<hbm>> -> memref<40x128xf32, #tpu.memory_space<hbm>>
    %dma_wait3A_283 = arith.constant 80 : i32
    %dma_wait3A_284 = arith.constant 0 : i32
    %dma_wait3A_285 = tpu.memref_slice %arg8[%dma_wait3A_271, %dma_wait3A_283, %dma_wait3A_284] : memref<3x200x128xf32, #tpu.memory_space<vmem>> -> memref<1x40x128xf32, #tpu.memory_space<vmem>>
    %dma_wait3A_286 = tpu.memref_squeeze %dma_wait3A_285 : memref<1x40x128xf32, #tpu.memory_space<vmem>> -> memref<40x128xf32, #tpu.memory_space<vmem>>
    tpu.wait_dma2 semaphore(%dma_wait3A_280 : memref<!tpu.dma_semaphore, #tpu.memory_space<semaphore_mem>>) src(%dma_wait3A_286 : memref<40x128xf32, #tpu.memory_space<vmem>>) dst(%dma_wait3A_282 : memref<40x128xf32, #tpu.memory_space<hbm>>)
    %add3A_287 = arith.constant 6200 : i32
    %add3A_288 = arith.addi %mul3A_2, %add3A_287 : i32
    %add3A_289 = arith.constant 120 : i32
    %add3A_290 = arith.addi %add3A_288, %add3A_289 : i32
    %dma_wait3A_291 = arith.constant 1 : i32
    %dma_wait3A_292 = arith.constant 1 : i32
    %dma_wait3A_293 = arith.constant 120 : i32
    %dma_wait3A_294 = arith.constant 0 : i32
    %dma_wait3A_295 = tpu.memref_slice %arg8[%dma_wait3A_291, %dma_wait3A_293, %dma_wait3A_294] : memref<3x200x128xf32, #tpu.memory_space<vmem>> -> memref<1x40x128xf32, #tpu.memory_space<vmem>>
    %dma_wait3A_296 = tpu.memref_squeeze %dma_wait3A_295 : memref<1x40x128xf32, #tpu.memory_space<vmem>> -> memref<40x128xf32, #tpu.memory_space<vmem>>
    %dma_wait3A_297 = arith.constant 0 : i32
    %dma_wait3A_298 = tpu.memref_slice %arg5[%add3A_290, %dma_wait3A_297] : memref<204800x128xf32, #tpu.memory_space<hbm>> -> memref<40x128xf32, #tpu.memory_space<hbm>>
    %dma_wait3A_299 = tpu.memref_slice %arg10[%dma_wait3A_292] : memref<3x!tpu.dma_semaphore, #tpu.memory_space<semaphore_mem>> -> memref<1x!tpu.dma_semaphore, #tpu.memory_space<semaphore_mem>>
    %dma_wait3A_300 = tpu.memref_squeeze %dma_wait3A_299 : memref<1x!tpu.dma_semaphore, #tpu.memory_space<semaphore_mem>> -> memref<!tpu.dma_semaphore, #tpu.memory_space<semaphore_mem>>
    %dma_wait3A_301 = arith.constant 0 : i32
    %dma_wait3A_302 = tpu.memref_slice %arg5[%add3A_290, %dma_wait3A_301] : memref<204800x128xf32, #tpu.memory_space<hbm>> -> memref<40x128xf32, #tpu.memory_space<hbm>>
    %dma_wait3A_303 = arith.constant 120 : i32
    %dma_wait3A_304 = arith.constant 0 : i32
    %dma_wait3A_305 = tpu.memref_slice %arg8[%dma_wait3A_291, %dma_wait3A_303, %dma_wait3A_304] : memref<3x200x128xf32, #tpu.memory_space<vmem>> -> memref<1x40x128xf32, #tpu.memory_space<vmem>>
    %dma_wait3A_306 = tpu.memref_squeeze %dma_wait3A_305 : memref<1x40x128xf32, #tpu.memory_space<vmem>> -> memref<40x128xf32, #tpu.memory_space<vmem>>
    tpu.wait_dma2 semaphore(%dma_wait3A_300 : memref<!tpu.dma_semaphore, #tpu.memory_space<semaphore_mem>>) src(%dma_wait3A_306 : memref<40x128xf32, #tpu.memory_space<vmem>>) dst(%dma_wait3A_302 : memref<40x128xf32, #tpu.memory_space<hbm>>)
    %add3A_307 = arith.constant 6200 : i32
    %add3A_308 = arith.addi %mul3A_2, %add3A_307 : i32
    %add3A_309 = arith.constant 160 : i32
    %add3A_310 = arith.addi %add3A_308, %add3A_309 : i32
    %dma_wait3A_311 = arith.constant 1 : i32
    %dma_wait3A_312 = arith.constant 1 : i32
    %dma_wait3A_313 = arith.constant 160 : i32
    %dma_wait3A_314 = arith.constant 0 : i32
    %dma_wait3A_315 = tpu.memref_slice %arg8[%dma_wait3A_311, %dma_wait3A_313, %dma_wait3A_314] : memref<3x200x128xf32, #tpu.memory_space<vmem>> -> memref<1x40x128xf32, #tpu.memory_space<vmem>>
    %dma_wait3A_316 = tpu.memref_squeeze %dma_wait3A_315 : memref<1x40x128xf32, #tpu.memory_space<vmem>> -> memref<40x128xf32, #tpu.memory_space<vmem>>
    %dma_wait3A_317 = arith.constant 0 : i32
    %dma_wait3A_318 = tpu.memref_slice %arg5[%add3A_310, %dma_wait3A_317] : memref<204800x128xf32, #tpu.memory_space<hbm>> -> memref<40x128xf32, #tpu.memory_space<hbm>>
    %dma_wait3A_319 = tpu.memref_slice %arg10[%dma_wait3A_312] : memref<3x!tpu.dma_semaphore, #tpu.memory_space<semaphore_mem>> -> memref<1x!tpu.dma_semaphore, #tpu.memory_space<semaphore_mem>>
    %dma_wait3A_320 = tpu.memref_squeeze %dma_wait3A_319 : memref<1x!tpu.dma_semaphore, #tpu.memory_space<semaphore_mem>> -> memref<!tpu.dma_semaphore, #tpu.memory_space<semaphore_mem>>
    %dma_wait3A_321 = arith.constant 0 : i32
    %dma_wait3A_322 = tpu.memref_slice %arg5[%add3A_310, %dma_wait3A_321] : memref<204800x128xf32, #tpu.memory_space<hbm>> -> memref<40x128xf32, #tpu.memory_space<hbm>>
    %dma_wait3A_323 = arith.constant 160 : i32
    %dma_wait3A_324 = arith.constant 0 : i32
    %dma_wait3A_325 = tpu.memref_slice %arg8[%dma_wait3A_311, %dma_wait3A_323, %dma_wait3A_324] : memref<3x200x128xf32, #tpu.memory_space<vmem>> -> memref<1x40x128xf32, #tpu.memory_space<vmem>>
    %dma_wait3A_326 = tpu.memref_squeeze %dma_wait3A_325 : memref<1x40x128xf32, #tpu.memory_space<vmem>> -> memref<40x128xf32, #tpu.memory_space<vmem>>
    tpu.wait_dma2 semaphore(%dma_wait3A_320 : memref<!tpu.dma_semaphore, #tpu.memory_space<semaphore_mem>>) src(%dma_wait3A_326 : memref<40x128xf32, #tpu.memory_space<vmem>>) dst(%dma_wait3A_322 : memref<40x128xf32, #tpu.memory_space<hbm>>)
    return
  }
}

</mosaic_0001>

<sc_bundles>
// kernel: _run.3.cloned.1.call-start
scs
__scs_entry_jumppad:
0x0: {  	(pc) =	sbr.rel $0x88, $3  }
0x1: {  	(tag) =	ssettag $0x0;
	lr =	simm.s32 $0x1  }
0x2: {  	[smem:$0x3F9E] =	sst lr;
	_ =	strace $0xD0000000  }
0x3: {  	_ = 	snop  }
0x4: {  	_ = 	snop  }
0x5: {  	_ = 	snop  }
0x6: {  	_ = 	snop  }
0x7: {  	_ = 	snop  }
__scs_overlays_trampoline_lowered:
0x8: {  	[smem:$0x3FAD] =	sst s0  }
0x9: {  	[smem:$0x3FAE] =	sst s1  }
0xa: {  	[smem:$0x3FAF] =	sst s2  }
0xb: {  	[smem:$0x3FB0] =	sst s3  }
0xc: {  	[smem:$0x3FB1] =	sst s4  }
0xd: {  	[smem:$0x3FB2] =	sst s5  }
0xe: {  	[smem:$0x3FB3] =	sst s6  }
0xf: {  	[smem:$0x3FB4] =	sst s7  }
0x10: {  	[smem:$0x3FB5] =	sst s8  }
0x11: {  	[smem:$0x3FB6] =	sst s9;
	s0 =	simm.s32 @!p0 $0x0  }
0x12: {  	s1 =	sld [smem:$0x3F9C];
	s0 =	simm.s32 @p0 $0x1  }
0x13: {  	[smem:$0x3FB7] =	sst s0;
	s0 =	simm.s32 @!p1 $0x0  }
0x14: {  	s2 =	sld [smem:$0x3F9B];
	s0 =	simm.s32 @p1 $0x1  }
0x15: {  	[smem:$0x3FB8] =	sst s0;
	s0 =	simm.s32 @!p2 $0x0  }
0x16: {  	s3 =	sld [smem:$0x3FDB];
	s0 =	simm.s32 @p2 $0x1  }
0x17: {  	s4 =	simm.s32 $0x1BF5;
	[smem:$0x3FBA] =	sst s0  }
0x18: {  	s0 =	sld [smem:$0x3F9D];
	_ =	swait.ge [sflag:s4], $0x0  }
0x19: {  	s7 =	sld [smem:$0x3F9E]  }
0x1a: {  	s8 =	sadd.s32 $0xFFFFE003, lr  }
0x1b: {  	s9 =	sadd.s32 $0xFFFFFEF7, lr;
	s5 =	simm.s32 $0xFFFFFFFF;
	p2 =	slt.u32 s8, $0xFFFFF086  }
0x1c: {  	p1 =	slt.u32 s9, $0xF7A;
	s5 =	simm.s32 @!p2 $0x0  }
0x1d: {  	s5 =	simm.s32 @p1 $0x1;
	p0 =	seq.s32 s7, s2  }
0x1e: {  	s7 =	smul.u32 @!p0 $0xF7A, s2;
	p2 =	seq.s32 @!p0 s5, $0x0  }
0x1f: {  	s9 =	smul.u32 $0xF7A, s1;
	s8 =	simm.s32 @!p0 $0x1BF5;
	p2 =	por !p2, p0  }
0x20: {  	[sflag:s8] =	ssyncset.s32 @!p0 $0xFFFFF086;
	s6 =	sadd.s32 @!p0 s3, s7;
	s7 =	simm.s32 @!p0 $0x108  }
0x21: {  	s3 =	sadd.s32 s3, s9;
	s6 =	sadd.s32 @!p0 $0x88, s6;
	s7 =	simm.s32 @p2 $0x1082  }
0x22: {  	[simem:s7], [sflag:s8] =	dma.local @!p0 [hbm:s6], $0xF7A  }
0x23: {  	s9 =	sor.u32 $0xD0000000, s2;
	s6 =	simm.s32 $0x108;
	_ =	swait.ge @!p0 [sflag:s8], $0x0  }
0x24: {  	s3 =	sadd.s32 $0x88, s3;
	s6 =	simm.s32 @!p1 $0x1082;
	[sflag:s4] =	ssyncset.s32 $0xFFFFF086  }
0x25: {  	[simem:s6], [sflag:s4] =	dma.local [hbm:s3], $0xF7A  }
0x26: {  	[smem:$0x3F9E] =	sst s1;
	(tag) =	ssettag s2;
	_ =	strace s9  }
0x27: {  	s1 =	sld [smem:$0x3FAE]  }
0x28: {  	s2 =	sld [smem:$0x3FAF]  }
0x29: {  	s4 =	sld [smem:$0x3FB1]  }
0x2a: {  	p0 =	seq.s32 s5, $0x0;
	s5 =	sld [smem:$0x3FB2]  }
0x2b: {  	s6 =	sld [smem:$0x3FB3]  }
0x2c: {  	s7 =	sld [smem:$0x3FB4]  }
0x2d: {  	s3 =	simm.s32 $0x108;
	s8 =	sld [smem:$0x3FB5]  }
0x2e: {  	s3 =	simm.s32 @!p0 $0x1082;
	s9 =	sld [smem:$0x3FB6]  }
0x2f: {  	lr =	sadd.s32 s0, s3;
	s0 =	sld [smem:$0x3FAD]  }
0x30: {  	s3 =	sld [smem:$0x3FB0]  }
0x31: {  	[smem:$0x3FB9] =	sst s10  }
0x32: {  	s10 =	sld [smem:$0x3FB7];
	_ =	sdelay $0x3  }
0x33: {  	p0 =	seq.s32 s10, $0x1;
	s10 =	sld [smem:$0x3FB9];
	_ =	sdelay $0x3  }
0x34: {  	[smem:$0x3FB9] =	sst s10  }
0x35: {  	s10 =	sld [smem:$0x3FB8];
	_ =	sdelay $0x3  }
0x36: {  	p1 =	seq.s32 s10, $0x1;
	s10 =	sld [smem:$0x3FB9];
	_ =	sdelay $0x3  }
0x37: {  	[smem:$0x3FB9] =	sst s10  }
0x38: {  	s10 =	sld [smem:$0x3FBA]  }
0x39: {  	_ = 	snop;
	(pc) =	sbr.ind lr, $3  }
0x3a: {  	_ = 	snop  }
0x3b: {  	_ = 	snop  }
0x3c: {  	p2 =	seq.s32 s10, $0x1;
	s10 =	sld [smem:$0x3FB9]  }
0x3d: {  	_ =	shalt  }
0x3e: {  	_ =	shalt  }
0x3f: {  	_ =	shalt  }
0x40: {  	_ =	shalt  }
0x41: {  	_ =	shalt  }
0x42: {  	_ =	shalt  }
0x43: {  	_ =	shalt  }
0x44: {  	_ =	shalt  }
0x45: {  	_ =	shalt  }
0x46: {  	_ =	shalt  }
0x47: {  	_ =	shalt  }
0x48: {  	_ =	shalt  }
0x49: {  	_ =	shalt  }
0x4a: {  	_ =	shalt  }
0x4b: {  	_ =	shalt  }
0x4c: {  	_ =	shalt  }
0x4d: {  	_ =	shalt  }
0x4e: {  	_ =	shalt  }
0x4f: {  	_ =	shalt  }
0x50: {  	_ =	shalt  }
0x51: {  	_ =	shalt  }
0x52: {  	_ =	shalt  }
0x53: {  	_ =	shalt  }
0x54: {  	_ =	shalt  }
0x55: {  	_ =	shalt  }
0x56: {  	_ =	shalt  }
0x57: {  	_ =	shalt  }
0x58: {  	_ =	shalt  }
0x59: {  	_ =	shalt  }
0x5a: {  	_ =	shalt  }
0x5b: {  	_ =	shalt  }
0x5c: {  	_ =	shalt  }
0x5d: {  	_ =	shalt  }
0x5e: {  	_ =	shalt  }
0x5f: {  	_ =	shalt  }
0x60: {  	_ =	shalt  }
0x61: {  	_ =	shalt  }
0x62: {  	_ =	shalt  }
0x63: {  	_ =	shalt  }
0x64: {  	_ =	shalt  }
0x65: {  	_ =	shalt  }
0x66: {  	_ =	shalt  }
0x67: {  	_ =	shalt  }
0x68: {  	_ =	shalt  }
0x69: {  	_ =	shalt  }
0x6a: {  	_ =	shalt  }
0x6b: {  	_ =	shalt  }
0x6c: {  	_ =	shalt  }
0x6d: {  	_ =	shalt  }
0x6e: {  	_ =	shalt  }
0x6f: {  	_ =	shalt  }
0x70: {  	_ =	shalt  }
0x71: {  	_ =	shalt  }
0x72: {  	_ =	shalt  }
0x73: {  	_ =	shalt  }
0x74: {  	_ =	shalt  }
0x75: {  	_ =	shalt  }
0x76: {  	_ =	shalt  }
0x77: {  	_ =	shalt  }
0x78: {  	_ =	shalt  }
0x79: {  	_ =	shalt  }
0x7a: {  	_ =	shalt  }
0x7b: {  	_ =	shalt  }
0x7c: {  	_ =	shalt  }
0x7d: {  	_ =	shalt  }
0x7e: {  	_ =	shalt  }
0x7f: {  	_ =	shalt  }
0x80: {  	_ =	shalt  }
0x81: {  	_ =	shalt  }
0x82: {  	_ =	shalt  }
0x83: {  	_ =	shalt  }
0x84: {  	_ =	shalt  }
0x85: {  	_ =	shalt  }
0x86: {  	_ =	shalt  }
0x87: {  	_ =	shalt  }
.Lfunc_end0:
.L_simem_size_0:
called_computation_lowered:
.L_overlay_start_0:
0x88: {  	s2 =	sld [smem:$0x3FD9]  }
0x89: {  	s3 =	sld [smem:$0x3FFE];
	_ =	sdelay $0x1  }
0x8a: {  	s1 =	srdreg.scid  }
0x8b: {  	s0 =	sand.u32 $0x1, s1  }
0x8c: {  	s18 =	sshll.u32 s0, $0xA;
	s2 =	sadd.s32 s3, s2  }
0x8d: {  	s2 =	sadd.s32 s2, s18  }
0x8e: {  	[smem:$0x3FC5] =	sst s2  }
0x8f: {  	_ = 	snop  }
0x90: {  	s2 =	sld [smem:$0x3FC9]  }
0x91: {  	s19 =	sld [smem:$0x3FC8]  }
0x92: {  	s4 =	sld [smem:$0x3FC7]  }
0x93: {  	s5 =	sld [smem:$0x3FD0];
	(tm) =	ssettm $0x1  }
0x94: {  	s6 =	sld [smem:$0x3FFB];
	_ =	sdelay $0x3  }
0x95: {  	_ =	strace s6  }
0x96: {  	s6 =	sld [smem:$0x3FFC];
	_ =	sdelay $0x3  }
0x97: {  	_ =	strace s6  }
0x98: {  	s6 =	sld [smem:$0x3FFD];
	_ =	sdelay $0x3  }
0x99: {  	_ =	strace s6  }
0x9a: {  	_ =	strace $0x8FFFFFFF  }
0x9b: {  	s20 =	sld [smem:$0x3FDB];
	_ =	sdelay $0x1  }
0x9c: {  	s7 =	simm.s32 $_scs_section_size  }
0x9d: {  	s8 =	simm.s32 $_size__tile_overlayer_lowered;
	s9 =	simm.s32 $_tile_overlayer_lowered  }
0x9e: {  	s23 =	simm.s32 $0x1BFF;
	s22 =	sshll.u32 s9, $0x1;
	s6 =	sadd.s32 s7, s20  }
0x9f: {  	s10 =	simm.s32 $0x0;
	s21 =	sshll.u32 s8, $0x1;
	s8 =	sadd.s32 s22, s6  }
0xa0: {  	[timem:s10], [sflag:s23] =	dma.local [hbm:s8], s21  }
0xa1: {  	_ =	swait.ge [sflag:s23], s21  }
0xa2: {  	s7 =	ssub.s32 $0x0, s21;
	[sflag:s23] =	ssyncset.done $0x0  }
0xa3: {  	[sflag:s23] =	ssyncadd.s32 s7;
	_ =	sdelay $0x1  }
0xa4: {  	s24 =	simm.s32 $0x1B8B  }
0xa5: {  	_ =	swait.ge [sflag:s24], $0x1  }
0xa6: {  	[sflag:s24] =	ssyncset.done $0x0  }
0xa7: {  	s25 =	simm.s32 $0x1B8E;
	[sflag:s24] =	ssyncadd.s32 $0xFFFFFFFF  }
0xa8: {  	s26 =	simm.s32 $execute0_lowered;
	[smem:$0x3FD2] =	sst s25  }
0xa9: {  	s7 =	sshll.u32 s26, $0x1;
	_ =	strace $0x80000046;
	[dreg:$0x1] =	wrdreg $0xFFFFFFFF  }
0xaa: {  	s28 =	simm.s32 $_size_execute0_lowered;
	s6 =	sadd.s32 s6, s7;
	[dreg:$0x0] =	wrdreg $0x0  }
0xab: {  	s7 =	sshll.u32 s28, $0x1;
	[dreg:$0x2] =	wrdreg s6  }
0xac: {  	[dreg:$0x3] =	wrdreg s7  }
0xad: {  	[dreg:$0x4] =	wrdreg $0xC0  }
0xae: {  	_ =	task [dreg:s10], $0x5FFFF  }
0xaf: {  	[dreg:$0x1] =	wrdreg $0xFFFFFFFF  }
0xb0: {  	[dreg:$0x0] =	wrdreg $0x60  }
0xb1: {  	[dreg:$0x2] =	wrdreg s2  }
0xb2: {  	[dreg:$0x3] =	wrdreg s19  }
0xb3: {  	[dreg:$0x4] =	wrdreg s4  }
0xb4: {  	[dreg:$0x5] =	wrdreg s5  }
0xb5: {  	[dreg:$0x6] =	wrdreg $0x9  }
0xb6: {  	_ =	task.clear_ibuf [dreg:s10], $0x7FFFF;
	_ =	strace $0x90000046  }
0xb7: {  	s29 =	simm.s32 $0x9;
	_ =	strace $0x80000048  }
0xb8: {  	_ =	swait.ge [sflag:s29], $0x1  }
0xb9: {  	[sflag:s29] =	ssyncadd.s32 $0xFFFFFFFF  }
0xba: {  	_ =	strace $0x90000048  }
0xbb: {  	_ =	sfence  }
0xbc: {  	s30 =	sld [smem:$0x0];
	_ =	sdelay $0x2  }
0xbd: {  	s31 =	sshll.u32 s1, $0xD;
	s1 =	sshrl.u32 s1, $0x2  }
0xbe: {  	s3 =	sand.u32 $0x4000, s31;
	s1 =	sadd.s32 s1, s30  }
0xbf: {  	s0 =	sor.u32 s3, s0;
	s1 =	sshll.u32 s1, $0x11  }
0xc0: {  	s0 =	sor.u32 s1, s0  }
0xc1: {  	s0 =	sadd.s32 $0x8F2B, s0  }
0xc2: {  	[sflag:s0] =	ssyncadd.remote.s32 $0x1  }
0xc3: {  	_ =	sfence.sel $0xFFFF  }
0xc4: {  	[dreg:$0x0] =	wrdreg $0xFFFFFFFF;
	(pc) =	sbr.abs _section_cstart, $3  }
0xc5: {  	[dreg:$0x1] =	wrdreg $0xFFFFFFFF  }
0xc6: {  	_ =	task.clear_ibuf [dreg:s10], $0x2FFFF;
	_ =	strace $0x9FFFFFFF  }
0xc7: {  	(tm) =	ssettm $0x7FFFFFFF  }
tec
execute0_lowered:
.L_overlay_start_1:
0x0: {  	(tag) =	ssettag $0x1  }
0x1: {  	s1 =	rddreg [dreg:$0x0]  }
0x2: {  	s0 =	rddreg [dreg:$0x1];
	s2 =	srdreg.scid  }
0x3: {  	s3 =	stileid.u32;
	s4 =	rddreg [dreg:$0x3]  }
0x4: {  	s5 =	simm.s32 $0x0;
	s16 =	simm.s32 $0x6400;
	s17 =	simm.s32 $0x4  }
0x5: {  	s18 =	simm.s32 $0xC8;
	s19 =	simm.s32 $0x7D00;
	s21 =	simm.s32 $0xE100  }
0x6: {  	s22 =	simm.s32 $0x5;
	s2 =	sand.u32 $0x1, s2;
	s3 =	sshll.u32 s3, $0x1  }
0x7: {  	s23 =	simm.s32 $0x1;
	s24 =	simm.s32 $0x14500;
	s3 =	sor.u32 s2, s3  }
0x8: {  	s25 =	simm.s32 $0x2;
	s26 =	simm.s32 $0x3;
	s6 =	smul.u32 $0x1900, s3  }
0x9: {  	[smem:$0x7FF] =	sst s5;
	s2 =	ssub.s32 $0x2, s2;
	s3 =	smul.u32 $0xC8000, s3  }
0xa: {  	s31 =	simm.s32 $0x13100;
	_ =	strace $0x80000047;
	s7 =	sshrl.u32 s2, $0x1  }
0xb: {  	s2 =	ssub.s32 s2, s7;
	s29 =	sshrl.u32 s6, $0x3;
	s3 =	sshrl.u32 s3, $0x3  }
0xc: {  	s8 =	sor.u32 $0xC8, s6;
	s9 =	sadd.s32 $0x190, s6;
	s15 =	smax.u32 s2, $0x1  }
0xd: {  	s2 =	simm.s32 $0x6;
	s7 =	sadd.s32 s0, s29;
	s30 =	sadd.s32 s4, s3  }
0xe: {  	s0 =	simm.s32 $0x0;
	s10 =	sadd.s32 $0x18380, s30;
	s11 =	sadd.s32 $0x18600, s30  }
0xf: {  	s12 =	sadd.s32 $0x18880, s30;
	s13 =	sadd.s32 $0x18B00, s30;
	s14 =	sadd.s32 $0x18D80, s30  }
.LBB2_1:
0x10: {  	[tilespmem:s16], [sflag:$0x4] =	stream.linear.gather [hbm4b:s7+s5], $0x1900, $0x38;
	[tilespmem:$0x1A900] =	vst v63  }
0x11: {  	s3 =	rddreg [dreg:$0x2]  }
0x12: {  	[tilespmem:s5], [sflag:$0x5] =	stream.linear.gather [hbm4b:s3+s5], $0x6400, $0x38;
	[tilespmem:$0x1A900] =	vst v63  }
0x13: {  	_ =	swait.ge [sflag:s17], $0x1900  }
0x14: {  	[sflag:s17] =	ssyncset.done $0x0  }
0x15: {  	[sflag:s17] =	ssyncadd.s32 $0xFFFFE700  }
0x16: {  	[tilespmem:s19], [sflag:$0x1] =	stream.indirect.gather [hbm4b:s1+s18], $0x80, s16, s18, $0xb8;
	[tilespmem:$0x1A900] =	vst v63  }
0x17: {  	s30 =	simm.s32 $0x64C8  }
0x18: {  	[tilespmem:s21], [sflag:$0x2] =	stream.indirect.gather [hbm4b:s1+s18], $0x80, s30, s18, $0xb8;
	[tilespmem:$0x1A900] =	vst v63  }
0x19: {  	_ =	swait.ge [sflag:s22], $0x6400  }
0x1a: {  	[sflag:s22] =	ssyncset.done $0x0  }
0x1b: {  	s3 =	simm.s32 $0x0;
	[sflag:s22] =	ssyncadd.s32 $0xFFFF9C00  }
.LBB2_2:
0x1c: {  	_ =	swait.ge [sflag:s23], $0x6400  }
0x1d: {  	[sflag:s23] =	ssyncset.done $0x0  }
0x1e: {  	s28 =	simm.s32 $0x0;
	s20 =	simm.s32 $0x400;
	[sflag:s23] =	ssyncadd.s32 $0xFFFF9C00  }
.LBB2_3:
0x1f: {  	p0 =	sne.s32 s20, $0x18C00;
	v0 =	vld [tilespmem:s28+$0xF0]  }
0x20: {  	v1 =	vld [tilespmem:s28+$0x0]  }
0x21: {  	v2 =	vld [tilespmem:s28+$0x10]  }
0x22: {  	v3 =	vld [tilespmem:s28+$0x20]  }
0x23: {  	v4 =	vld [tilespmem:s28+$0x30]  }
0x24: {  	[tilespmem:s28+$0x7DF0] =	vst.add.f32.msk $0xffff, v0  }
0x25: {  	v0 =	vld [tilespmem:s28+$0x40]  }
0x26: {  	v5 =	vld [tilespmem:s28+$0x50]  }
0x27: {  	v6 =	vld [tilespmem:s28+$0x60]  }
0x28: {  	v7 =	vld [tilespmem:s28+$0x70]  }
0x29: {  	v8 =	vld [tilespmem:s28+$0x80]  }
0x2a: {  	v9 =	vld [tilespmem:s28+$0x90]  }
0x2b: {  	v10 =	vld [tilespmem:s28+$0xA0]  }
0x2c: {  	v11 =	vld [tilespmem:s28+$0xB0]  }
0x2d: {  	v12 =	vld [tilespmem:s28+$0xC0]  }
0x2e: {  	v13 =	vld [tilespmem:s28+$0xD0]  }
0x2f: {  	v14 =	vld [tilespmem:s28+$0xE0]  }
0x30: {  	[tilespmem:s28+$0x7D00] =	vst.add.f32.msk $0xffff, v1  }
0x31: {  	[tilespmem:s28+$0x7D10] =	vst.add.f32.msk $0xffff, v2  }
0x32: {  	[tilespmem:s28+$0x7D20] =	vst.add.f32.msk $0xffff, v3  }
0x33: {  	[tilespmem:s28+$0x7D30] =	vst.add.f32.msk $0xffff, v4  }
0x34: {  	[tilespmem:s28+$0x7D40] =	vst.add.f32.msk $0xffff, v0  }
0x35: {  	[tilespmem:s28+$0x7D50] =	vst.add.f32.msk $0xffff, v5  }
0x36: {  	[tilespmem:s28+$0x7D60] =	vst.add.f32.msk $0xffff, v6  }
0x37: {  	[tilespmem:s28+$0x7D70] =	vst.add.f32.msk $0xffff, v7  }
0x38: {  	[tilespmem:s28+$0x7D80] =	vst.add.f32.msk $0xffff, v8  }
0x39: {  	[tilespmem:s28+$0x7D90] =	vst.add.f32.msk $0xffff, v9  }
.Ltmp0:
0x3a: {  	[tilespmem:s28+$0x7DA0] =	vst.add.f32.msk $0xffff, v10;
	(pc) =	sbr.rel @p0 .LBB2_3-.Ltmp0, $4  }
0x3b: {  	[tilespmem:s28+$0x7DB0] =	vst.add.f32.msk $0xffff, v11  }
0x3c: {  	[tilespmem:s28+$0x7DC0] =	vst.add.f32.msk $0xffff, v12  }
0x3d: {  	[tilespmem:s28+$0x7DD0] =	vst.add.f32.msk $0xffff, v13  }
0x3e: {  	[tilespmem:s28+$0x7DE0] =	vst.add.f32.msk $0xffff, v14;
	s28 =	sshra.s32 s20, $0x2;
	s20 =	sadd.s32 $0x400, s20  }
0x3f: {  	v0 =	vld [tilespmem:s28+$0xF0]  }
0x40: {  	v1 =	vld [tilespmem:s28+$0x0]  }
0x41: {  	v2 =	vld [tilespmem:s28+$0x10]  }
0x42: {  	v3 =	vld [tilespmem:s28+$0x20]  }
0x43: {  	v4 =	vld [tilespmem:s28+$0x30]  }
0x44: {  	v63 =	vld [tilespmem:s28+$0x40]  }
0x45: {  	v5 =	vld [tilespmem:s28+$0x50]  }
0x46: {  	v6 =	vld [tilespmem:s28+$0x60]  }
0x47: {  	v7 =	vld [tilespmem:s28+$0x70]  }
0x48: {  	v8 =	vld [tilespmem:s28+$0x80]  }
0x49: {  	v9 =	vld [tilespmem:s28+$0x90]  }
0x4a: {  	v10 =	vld [tilespmem:s28+$0xA0]  }
0x4b: {  	v11 =	vld [tilespmem:s28+$0xB0]  }
0x4c: {  	v12 =	vld [tilespmem:s28+$0xC0]  }
0x4d: {  	v13 =	vld [tilespmem:s28+$0xD0]  }
0x4e: {  	v14 =	vld [tilespmem:s28+$0xE0]  }
0x4f: {  	[tilespmem:s28+$0x7DF0] =	vst.add.f32.msk $0xffff, v0  }
0x50: {  	[tilespmem:s28+$0x7D00] =	vst.add.f32.msk $0xffff, v1  }
0x51: {  	[tilespmem:s28+$0x7D10] =	vst.add.f32.msk $0xffff, v2  }
0x52: {  	[tilespmem:s28+$0x7D20] =	vst.add.f32.msk $0xffff, v3  }
0x53: {  	[tilespmem:s28+$0x7D30] =	vst.add.f32.msk $0xffff, v4  }
0x54: {  	[tilespmem:s28+$0x7D40] =	vst.add.f32.msk $0xffff, v63  }
0x55: {  	[tilespmem:s28+$0x7D50] =	vst.add.f32.msk $0xffff, v5  }
0x56: {  	[tilespmem:s28+$0x7D60] =	vst.add.f32.msk $0xffff, v6  }
0x57: {  	[tilespmem:s28+$0x7D70] =	vst.add.f32.msk $0xffff, v7  }
0x58: {  	[tilespmem:s28+$0x7D80] =	vst.add.f32.msk $0xffff, v8  }
0x59: {  	[tilespmem:s28+$0x7D90] =	vst.add.f32.msk $0xffff, v9  }
0x5a: {  	s20 =	smul.u32 $0x258, s3;
	p0 =	seq.s32 s3, $0x0;
	[tilespmem:s28+$0x7DA0] =	vst.add.f32.msk $0xffff, v10  }
.Ltmp1:
0x5b: {  	[tilespmem:s28+$0x7DB0] =	vst.add.f32.msk $0xffff, v11;
	(pc) =	sbr.rel @p0 .LBB2_7-.Ltmp1, $4  }
0x5c: {  	s29 =	sadd.s32 s6, s20;
	[tilespmem:s28+$0x7DC0] =	vst.add.f32.msk $0xffff, v12  }
0x5d: {  	s29 =	sshll.u32 s29, $0x4;
	[tilespmem:s28+$0x7DD0] =	vst.add.f32.msk $0xffff, v13  }
0x5e: {  	s30 =	sadd.s32 s4, s29;
	[tilespmem:s28+$0x7DE0] =	vst.add.f32.msk $0xffff, v14  }
0x5f: {  	[hbm4b:s30+s5] =	stream.linear.scatter [tilespmem:s19], [sflag:$0x4], $0x6400, $0x38;
	[tilespmem:$0x1A900] =	vst v63  }
0x60: {  	p0 =	seq.s32 s3, $0xA  }
.Ltmp2:
0x61: {  	_ = 	snop;
	(pc) =	sbr.rel @p0 .LBB2_12-.Ltmp2, $1  }
0x62: {  	_ =	sdelay $0x3  }
0x63: {  	_ =	swait.ge [sflag:s2], $0x6400  }
0x64: {  	[sflag:s2] =	ssyncset.done $0x0  }
0x65: {  	[sflag:s2] =	ssyncadd.s32 $0xFFFF9C00  }
.LBB2_7:
0x66: {  	s28 =	smul.u32 $0x960, s3;
	_ =	sdelay $0x1  }
0x67: {  	s28 =	sshra.s32 s28, $0x2  }
0x68: {  	s29 =	sadd.s32 $0x6590, s28  }
0x69: {  	[tilespmem:s24], [sflag:$0x3] =	stream.indirect.gather [hbm4b:s1+s18], $0x80, s29, s18, $0xb8;
	[tilespmem:$0x1A900] =	vst v63  }
0x6a: {  	_ =	swait.ge [sflag:s25], $0x6400  }
0x6b: {  	[sflag:s25] =	ssyncset.done $0x0  }
0x6c: {  	s30 =	simm.s32 $0x400;
	s29 =	simm.s32 $0x0;
	[sflag:s25] =	ssyncadd.s32 $0xFFFF9C00  }
.LBB2_8:
0x6d: {  	p0 =	sne.s32 s30, $0x18C00;
	v0 =	vld [tilespmem:s29+$0xF0]  }
0x6e: {  	v1 =	vld [tilespmem:s29+$0x0]  }
0x6f: {  	v2 =	vld [tilespmem:s29+$0x10]  }
0x70: {  	v3 =	vld [tilespmem:s29+$0x20]  }
0x71: {  	v4 =	vld [tilespmem:s29+$0x30]  }
0x72: {  	[tilespmem:s29+$0xE1F0] =	vst.add.f32.msk $0xffff, v0  }
0x73: {  	v0 =	vld [tilespmem:s29+$0x40]  }
0x74: {  	v5 =	vld [tilespmem:s29+$0x50]  }
0x75: {  	v6 =	vld [tilespmem:s29+$0x60]  }
0x76: {  	v7 =	vld [tilespmem:s29+$0x70]  }
0x77: {  	v8 =	vld [tilespmem:s29+$0x80]  }
0x78: {  	v9 =	vld [tilespmem:s29+$0x90]  }
0x79: {  	v10 =	vld [tilespmem:s29+$0xA0]  }
0x7a: {  	v11 =	vld [tilespmem:s29+$0xB0]  }
0x7b: {  	v12 =	vld [tilespmem:s29+$0xC0]  }
0x7c: {  	v13 =	vld [tilespmem:s29+$0xD0]  }
0x7d: {  	v14 =	vld [tilespmem:s29+$0xE0]  }
0x7e: {  	[tilespmem:s29+$0xE100] =	vst.add.f32.msk $0xffff, v1  }
0x7f: {  	[tilespmem:s29+$0xE110] =	vst.add.f32.msk $0xffff, v2  }
0x80: {  	[tilespmem:s29+$0xE120] =	vst.add.f32.msk $0xffff, v3  }
0x81: {  	[tilespmem:s29+$0xE130] =	vst.add.f32.msk $0xffff, v4  }
0x82: {  	[tilespmem:s29+$0xE140] =	vst.add.f32.msk $0xffff, v0  }
0x83: {  	[tilespmem:s29+$0xE150] =	vst.add.f32.msk $0xffff, v5  }
0x84: {  	[tilespmem:s29+$0xE160] =	vst.add.f32.msk $0xffff, v6  }
0x85: {  	[tilespmem:s29+$0xE170] =	vst.add.f32.msk $0xffff, v7  }
0x86: {  	[tilespmem:s29+$0xE180] =	vst.add.f32.msk $0xffff, v8  }
0x87: {  	[tilespmem:s29+$0xE190] =	vst.add.f32.msk $0xffff, v9  }
.Ltmp3:
0x88: {  	[tilespmem:s29+$0xE1A0] =	vst.add.f32.msk $0xffff, v10;
	(pc) =	sbr.rel @p0 .LBB2_8-.Ltmp3, $4  }
0x89: {  	[tilespmem:s29+$0xE1B0] =	vst.add.f32.msk $0xffff, v11  }
0x8a: {  	[tilespmem:s29+$0xE1C0] =	vst.add.f32.msk $0xffff, v12  }
0x8b: {  	[tilespmem:s29+$0xE1D0] =	vst.add.f32.msk $0xffff, v13  }
0x8c: {  	[tilespmem:s29+$0xE1E0] =	vst.add.f32.msk $0xffff, v14;
	s29 =	sshra.s32 s30, $0x2;
	s30 =	sadd.s32 $0x400, s30  }
0x8d: {  	v0 =	vld [tilespmem:s29+$0xF0]  }
0x8e: {  	v1 =	vld [tilespmem:s29+$0x0]  }
0x8f: {  	v2 =	vld [tilespmem:s29+$0x10]  }
0x90: {  	v3 =	vld [tilespmem:s29+$0x20]  }
0x91: {  	v4 =	vld [tilespmem:s29+$0x30]  }
0x92: {  	v63 =	vld [tilespmem:s29+$0x40]  }
0x93: {  	v5 =	vld [tilespmem:s29+$0x50]  }
0x94: {  	v6 =	vld [tilespmem:s29+$0x60]  }
0x95: {  	v7 =	vld [tilespmem:s29+$0x70]  }
0x96: {  	v8 =	vld [tilespmem:s29+$0x80]  }
0x97: {  	v9 =	vld [tilespmem:s29+$0x90]  }
0x98: {  	v10 =	vld [tilespmem:s29+$0xA0]  }
0x99: {  	v11 =	vld [tilespmem:s29+$0xB0]  }
0x9a: {  	v12 =	vld [tilespmem:s29+$0xC0]  }
0x9b: {  	v13 =	vld [tilespmem:s29+$0xD0]  }
0x9c: {  	v14 =	vld [tilespmem:s29+$0xE0]  }
0x9d: {  	[tilespmem:s29+$0xE1F0] =	vst.add.f32.msk $0xffff, v0  }
0x9e: {  	[tilespmem:s29+$0xE100] =	vst.add.f32.msk $0xffff, v1  }
0x9f: {  	[tilespmem:s29+$0xE110] =	vst.add.f32.msk $0xffff, v2  }
0xa0: {  	[tilespmem:s29+$0xE120] =	vst.add.f32.msk $0xffff, v3  }
0xa1: {  	[tilespmem:s29+$0xE130] =	vst.add.f32.msk $0xffff, v4  }
0xa2: {  	[tilespmem:s29+$0xE140] =	vst.add.f32.msk $0xffff, v63  }
0xa3: {  	[tilespmem:s29+$0xE150] =	vst.add.f32.msk $0xffff, v5  }
0xa4: {  	[tilespmem:s29+$0xE160] =	vst.add.f32.msk $0xffff, v6  }
0xa5: {  	[tilespmem:s29+$0xE170] =	vst.add.f32.msk $0xffff, v7  }
0xa6: {  	[tilespmem:s29+$0xE180] =	vst.add.f32.msk $0xffff, v8  }
0xa7: {  	[tilespmem:s29+$0xE190] =	vst.add.f32.msk $0xffff, v9  }
0xa8: {  	[tilespmem:s29+$0xE1A0] =	vst.add.f32.msk $0xffff, v10  }
0xa9: {  	[tilespmem:s29+$0xE1B0] =	vst.add.f32.msk $0xffff, v11  }
0xaa: {  	s30 =	sadd.s32 s20, s8;
	[tilespmem:s29+$0xE1C0] =	vst.add.f32.msk $0xffff, v12  }
0xab: {  	s30 =	sshll.u32 s30, $0x4;
	[tilespmem:s29+$0xE1D0] =	vst.add.f32.msk $0xffff, v13  }
0xac: {  	[tilespmem:s29+$0xE1E0] =	vst.add.f32.msk $0xffff, v14;
	s29 =	sadd.s32 s4, s30;
	s30 =	simm.s32 $0x0  }
0xad: {  	[hbm4b:s29+s30] =	stream.linear.scatter [tilespmem:s21], [sflag:$0x5], $0x6400, $0x38;
	[tilespmem:$0x1A900] =	vst v63  }
0xae: {  	_ =	swait.ge [sflag:s17], $0x6400  }
0xaf: {  	[sflag:s17] =	ssyncset.done $0x0  }
0xb0: {  	s29 =	sadd.s32 $0x6658, s28;
	[sflag:s17] =	ssyncadd.s32 $0xFFFF9C00  }
0xb1: {  	[tilespmem:s19], [sflag:$0x1] =	stream.indirect.gather [hbm4b:s1+s18], $0x80, s29, s18, $0xb8;
	[tilespmem:$0x1A900] =	vst v63  }
0xb2: {  	_ =	swait.ge [sflag:s26], $0x6400  }
0xb3: {  	[sflag:s26] =	ssyncset.done $0x0  }
0xb4: {  	s30 =	simm.s32 $0x400;
	s29 =	simm.s32 $0x0;
	[sflag:s26] =	ssyncadd.s32 $0xFFFF9C00  }
.LBB2_10:
0xb5: {  	p0 =	sne.s32 s30, $0x18C00;
	v0 =	vld [tilespmem:s29+$0xF0]  }
0xb6: {  	v1 =	vld [tilespmem:s29+$0x0]  }
0xb7: {  	v2 =	vld [tilespmem:s29+$0x10]  }
0xb8: {  	v3 =	vld [tilespmem:s29+$0x20]  }
0xb9: {  	v4 =	vld [tilespmem:s29+$0x30]  }
0xba: {  	[tilespmem:s29+$0x145F0] =	vst.add.f32.msk $0xffff, v0  }
0xbb: {  	v0 =	vld [tilespmem:s29+$0x40]  }
0xbc: {  	v5 =	vld [tilespmem:s29+$0x50]  }
0xbd: {  	v6 =	vld [tilespmem:s29+$0x60]  }
0xbe: {  	v7 =	vld [tilespmem:s29+$0x70]  }
0xbf: {  	v8 =	vld [tilespmem:s29+$0x80]  }
0xc0: {  	v9 =	vld [tilespmem:s29+$0x90]  }
0xc1: {  	v10 =	vld [tilespmem:s29+$0xA0]  }
0xc2: {  	v11 =	vld [tilespmem:s29+$0xB0]  }
0xc3: {  	v12 =	vld [tilespmem:s29+$0xC0]  }
0xc4: {  	v13 =	vld [tilespmem:s29+$0xD0]  }
0xc5: {  	v14 =	vld [tilespmem:s29+$0xE0]  }
0xc6: {  	[tilespmem:s29+$0x14500] =	vst.add.f32.msk $0xffff, v1  }
0xc7: {  	[tilespmem:s29+$0x14510] =	vst.add.f32.msk $0xffff, v2  }
0xc8: {  	[tilespmem:s29+$0x14520] =	vst.add.f32.msk $0xffff, v3  }
0xc9: {  	[tilespmem:s29+$0x14530] =	vst.add.f32.msk $0xffff, v4  }
0xca: {  	[tilespmem:s29+$0x14540] =	vst.add.f32.msk $0xffff, v0  }
0xcb: {  	[tilespmem:s29+$0x14550] =	vst.add.f32.msk $0xffff, v5  }
0xcc: {  	[tilespmem:s29+$0x14560] =	vst.add.f32.msk $0xffff, v6  }
0xcd: {  	[tilespmem:s29+$0x14570] =	vst.add.f32.msk $0xffff, v7  }
0xce: {  	[tilespmem:s29+$0x14580] =	vst.add.f32.msk $0xffff, v8  }
0xcf: {  	[tilespmem:s29+$0x14590] =	vst.add.f32.msk $0xffff, v9  }
.Ltmp4:
0xd0: {  	[tilespmem:s29+$0x145A0] =	vst.add.f32.msk $0xffff, v10;
	(pc) =	sbr.rel @p0 .LBB2_10-.Ltmp4, $4  }
0xd1: {  	[tilespmem:s29+$0x145B0] =	vst.add.f32.msk $0xffff, v11  }
0xd2: {  	[tilespmem:s29+$0x145C0] =	vst.add.f32.msk $0xffff, v12  }
0xd3: {  	[tilespmem:s29+$0x145D0] =	vst.add.f32.msk $0xffff, v13  }
0xd4: {  	[tilespmem:s29+$0x145E0] =	vst.add.f32.msk $0xffff, v14;
	s29 =	sshra.s32 s30, $0x2;
	s30 =	sadd.s32 $0x400, s30  }
0xd5: {  	v0 =	vld [tilespmem:s29+$0xF0]  }
0xd6: {  	v1 =	vld [tilespmem:s29+$0x0]  }
0xd7: {  	v2 =	vld [tilespmem:s29+$0x10]  }
0xd8: {  	v3 =	vld [tilespmem:s29+$0x20]  }
0xd9: {  	v4 =	vld [tilespmem:s29+$0x30]  }
0xda: {  	v63 =	vld [tilespmem:s29+$0x40]  }
0xdb: {  	v5 =	vld [tilespmem:s29+$0x50]  }
0xdc: {  	v6 =	vld [tilespmem:s29+$0x60]  }
0xdd: {  	v7 =	vld [tilespmem:s29+$0x70]  }
0xde: {  	v8 =	vld [tilespmem:s29+$0x80]  }
0xdf: {  	v9 =	vld [tilespmem:s29+$0x90]  }
0xe0: {  	v10 =	vld [tilespmem:s29+$0xA0]  }
0xe1: {  	v11 =	vld [tilespmem:s29+$0xB0]  }
0xe2: {  	v12 =	vld [tilespmem:s29+$0xC0]  }
0xe3: {  	v13 =	vld [tilespmem:s29+$0xD0]  }
0xe4: {  	v14 =	vld [tilespmem:s29+$0xE0]  }
0xe5: {  	[tilespmem:s29+$0x145F0] =	vst.add.f32.msk $0xffff, v0  }
0xe6: {  	[tilespmem:s29+$0x14500] =	vst.add.f32.msk $0xffff, v1  }
0xe7: {  	[tilespmem:s29+$0x14510] =	vst.add.f32.msk $0xffff, v2  }
0xe8: {  	[tilespmem:s29+$0x14520] =	vst.add.f32.msk $0xffff, v3  }
0xe9: {  	[tilespmem:s29+$0x14530] =	vst.add.f32.msk $0xffff, v4  }
0xea: {  	[tilespmem:s29+$0x14540] =	vst.add.f32.msk $0xffff, v63  }
0xeb: {  	[tilespmem:s29+$0x14550] =	vst.add.f32.msk $0xffff, v5  }
0xec: {  	[tilespmem:s29+$0x14560] =	vst.add.f32.msk $0xffff, v6  }
0xed: {  	[tilespmem:s29+$0x14570] =	vst.add.f32.msk $0xffff, v7  }
0xee: {  	[tilespmem:s29+$0x14580] =	vst.add.f32.msk $0xffff, v8  }
0xef: {  	[tilespmem:s29+$0x14590] =	vst.add.f32.msk $0xffff, v9  }
0xf0: {  	[tilespmem:s29+$0x145A0] =	vst.add.f32.msk $0xffff, v10  }
0xf1: {  	[tilespmem:s29+$0x145B0] =	vst.add.f32.msk $0xffff, v11  }
0xf2: {  	s20 =	sadd.s32 s20, s9;
	[tilespmem:s29+$0x145C0] =	vst.add.f32.msk $0xffff, v12  }
0xf3: {  	s20 =	sshll.u32 s20, $0x4;
	[tilespmem:s29+$0x145D0] =	vst.add.f32.msk $0xffff, v13  }
0xf4: {  	s20 =	sadd.s32 s4, s20;
	[tilespmem:s29+$0x145E0] =	vst.add.f32.msk $0xffff, v14  }
0xf5: {  	[hbm4b:s20+s5] =	stream.linear.scatter [tilespmem:s24], [sflag:$0x6], $0x6400, $0x38;
	[tilespmem:$0x1A900] =	vst v63  }
.Ltmp5:
0xf6: {  	_ = 	snop;
	(pc) =	sbr.rel .LBB2_2-.Ltmp5, $4  }
0xf7: {  	_ =	swait.ge [sflag:s22], $0x6400  }
0xf8: {  	[sflag:s22] =	ssyncset.done $0x0  }
0xf9: {  	s30 =	sadd.s32 $0x6720, s28;
	s3 =	sadd.s32 $0x1, s3;
	[sflag:s22] =	ssyncadd.s32 $0xFFFF9C00  }
0xfa: {  	[tilespmem:s21], [sflag:$0x2] =	stream.indirect.gather [hbm4b:s1+s18], $0x80, s30, s18, $0xb8;
	[tilespmem:$0x1A900] =	vst v63  }
.LBB2_12:
0xfb: {  	_ =	swait.ge [sflag:s25], $0x6400  }
0xfc: {  	[sflag:s25] =	ssyncset.done $0x0  }
0xfd: {  	s3 =	simm.s32 $0x0;
	s20 =	simm.s32 $0x400;
	[sflag:s25] =	ssyncadd.s32 $0xFFFF9C00  }
.LBB2_13:
0xfe: {  	p0 =	sne.s32 s20, $0x4C00;
	v0 =	vld [tilespmem:s3+$0xF0]  }
0xff: {  	v1 =	vld [tilespmem:s3+$0x0]  }
0x100: {  	v2 =	vld [tilespmem:s3+$0x10]  }
0x101: {  	v3 =	vld [tilespmem:s3+$0x20]  }
0x102: {  	v4 =	vld [tilespmem:s3+$0x30]  }
0x103: {  	[tilespmem:s3+$0xE1F0] =	vst.add.f32.msk $0xffff, v0  }
0x104: {  	v0 =	vld [tilespmem:s3+$0x40]  }
0x105: {  	v5 =	vld [tilespmem:s3+$0x50]  }
0x106: {  	v6 =	vld [tilespmem:s3+$0x60]  }
0x107: {  	v7 =	vld [tilespmem:s3+$0x70]  }
0x108: {  	v8 =	vld [tilespmem:s3+$0x80]  }
0x109: {  	v9 =	vld [tilespmem:s3+$0x90]  }
0x10a: {  	v10 =	vld [tilespmem:s3+$0xA0]  }
0x10b: {  	v11 =	vld [tilespmem:s3+$0xB0]  }
0x10c: {  	v12 =	vld [tilespmem:s3+$0xC0]  }
0x10d: {  	v13 =	vld [tilespmem:s3+$0xD0]  }
0x10e: {  	v14 =	vld [tilespmem:s3+$0xE0]  }
0x10f: {  	[tilespmem:s3+$0xE100] =	vst.add.f32.msk $0xffff, v1  }
0x110: {  	[tilespmem:s3+$0xE110] =	vst.add.f32.msk $0xffff, v2  }
0x111: {  	[tilespmem:s3+$0xE120] =	vst.add.f32.msk $0xffff, v3  }
0x112: {  	[tilespmem:s3+$0xE130] =	vst.add.f32.msk $0xffff, v4  }
0x113: {  	[tilespmem:s3+$0xE140] =	vst.add.f32.msk $0xffff, v0  }
0x114: {  	[tilespmem:s3+$0xE150] =	vst.add.f32.msk $0xffff, v5  }
0x115: {  	[tilespmem:s3+$0xE160] =	vst.add.f32.msk $0xffff, v6  }
0x116: {  	[tilespmem:s3+$0xE170] =	vst.add.f32.msk $0xffff, v7  }
0x117: {  	[tilespmem:s3+$0xE180] =	vst.add.f32.msk $0xffff, v8  }
0x118: {  	[tilespmem:s3+$0xE190] =	vst.add.f32.msk $0xffff, v9  }
.Ltmp6:
0x119: {  	[tilespmem:s3+$0xE1A0] =	vst.add.f32.msk $0xffff, v10;
	(pc) =	sbr.rel @p0 .LBB2_13-.Ltmp6, $4  }
0x11a: {  	[tilespmem:s3+$0xE1B0] =	vst.add.f32.msk $0xffff, v11  }
0x11b: {  	[tilespmem:s3+$0xE1C0] =	vst.add.f32.msk $0xffff, v12  }
0x11c: {  	[tilespmem:s3+$0xE1D0] =	vst.add.f32.msk $0xffff, v13  }
0x11d: {  	[tilespmem:s3+$0xE1E0] =	vst.add.f32.msk $0xffff, v14;
	s3 =	sshra.s32 s20, $0x2;
	s20 =	sadd.s32 $0x400, s20  }
0x11e: {  	v0 =	vld [tilespmem:s3+$0xF0]  }
0x11f: {  	v1 =	vld [tilespmem:s3+$0x0]  }
0x120: {  	v2 =	vld [tilespmem:s3+$0x10]  }
0x121: {  	v3 =	vld [tilespmem:s3+$0x20]  }
0x122: {  	v4 =	vld [tilespmem:s3+$0x30]  }
0x123: {  	v63 =	vld [tilespmem:s3+$0x40]  }
0x124: {  	v5 =	vld [tilespmem:s3+$0x50]  }
0x125: {  	v6 =	vld [tilespmem:s3+$0x60]  }
0x126: {  	v7 =	vld [tilespmem:s3+$0x70]  }
0x127: {  	v8 =	vld [tilespmem:s3+$0x80]  }
0x128: {  	v9 =	vld [tilespmem:s3+$0x90]  }
0x129: {  	v10 =	vld [tilespmem:s3+$0xA0]  }
0x12a: {  	v11 =	vld [tilespmem:s3+$0xB0]  }
0x12b: {  	v12 =	vld [tilespmem:s3+$0xC0]  }
0x12c: {  	v13 =	vld [tilespmem:s3+$0xD0]  }
0x12d: {  	v14 =	vld [tilespmem:s3+$0xE0]  }
0x12e: {  	[tilespmem:s3+$0xE1F0] =	vst.add.f32.msk $0xffff, v0  }
0x12f: {  	[tilespmem:s3+$0xE100] =	vst.add.f32.msk $0xffff, v1  }
0x130: {  	[tilespmem:s3+$0xE110] =	vst.add.f32.msk $0xffff, v2  }
0x131: {  	[tilespmem:s3+$0xE120] =	vst.add.f32.msk $0xffff, v3  }
0x132: {  	[tilespmem:s3+$0xE130] =	vst.add.f32.msk $0xffff, v4  }
0x133: {  	[tilespmem:s3+$0xE140] =	vst.add.f32.msk $0xffff, v63  }
0x134: {  	[tilespmem:s3+$0xE150] =	vst.add.f32.msk $0xffff, v5  }
0x135: {  	[tilespmem:s3+$0xE160] =	vst.add.f32.msk $0xffff, v6  }
0x136: {  	[tilespmem:s3+$0xE170] =	vst.add.f32.msk $0xffff, v7  }
0x137: {  	[tilespmem:s3+$0xE180] =	vst.add.f32.msk $0xffff, v8  }
0x138: {  	[tilespmem:s3+$0xE190] =	vst.add.f32.msk $0xffff, v9  }
0x139: {  	[tilespmem:s3+$0xE1A0] =	vst.add.f32.msk $0xffff, v10  }
0x13a: {  	[tilespmem:s3+$0xE1B0] =	vst.add.f32.msk $0xffff, v11  }
0x13b: {  	[tilespmem:s3+$0xE1C0] =	vst.add.f32.msk $0xffff, v12  }
0x13c: {  	[tilespmem:s3+$0xE1D0] =	vst.add.f32.msk $0xffff, v13  }
0x13d: {  	s30 =	simm.s32 $0x0;
	s20 =	simm.s32 $0x400;
	[tilespmem:s3+$0xE1E0] =	vst.add.f32.msk $0xffff, v14;
	s3 =	simm.s32 $0x0  }
0x13e: {  	[hbm4b:s10+s30] =	stream.linear.scatter [tilespmem:s21], [sflag:$0x5], $0x1400, $0x38;
	[tilespmem:$0x1A900] =	vst v63  }
.LBB2_15:
0x13f: {  	p0 =	sne.s32 s20, $0x4C00;
	v0 =	vld [tilespmem:s3+$0x14F0]  }
0x140: {  	v1 =	vld [tilespmem:s3+$0x1400]  }
0x141: {  	v2 =	vld [tilespmem:s3+$0x1410]  }
0x142: {  	v3 =	vld [tilespmem:s3+$0x1420]  }
0x143: {  	v4 =	vld [tilespmem:s3+$0x1430]  }
0x144: {  	[tilespmem:s3+$0xF5F0] =	vst.add.f32.msk $0xffff, v0  }
0x145: {  	v0 =	vld [tilespmem:s3+$0x1440]  }
0x146: {  	v5 =	vld [tilespmem:s3+$0x1450]  }
0x147: {  	v6 =	vld [tilespmem:s3+$0x1460]  }
0x148: {  	v7 =	vld [tilespmem:s3+$0x1470]  }
0x149: {  	v8 =	vld [tilespmem:s3+$0x1480]  }
0x14a: {  	v9 =	vld [tilespmem:s3+$0x1490]  }
0x14b: {  	v10 =	vld [tilespmem:s3+$0x14A0]  }
0x14c: {  	v11 =	vld [tilespmem:s3+$0x14B0]  }
0x14d: {  	v12 =	vld [tilespmem:s3+$0x14C0]  }
0x14e: {  	v13 =	vld [tilespmem:s3+$0x14D0]  }
0x14f: {  	v14 =	vld [tilespmem:s3+$0x14E0]  }
0x150: {  	[tilespmem:s3+$0xF500] =	vst.add.f32.msk $0xffff, v1  }
0x151: {  	[tilespmem:s3+$0xF510] =	vst.add.f32.msk $0xffff, v2  }
0x152: {  	[tilespmem:s3+$0xF520] =	vst.add.f32.msk $0xffff, v3  }
0x153: {  	[tilespmem:s3+$0xF530] =	vst.add.f32.msk $0xffff, v4  }
0x154: {  	[tilespmem:s3+$0xF540] =	vst.add.f32.msk $0xffff, v0  }
0x155: {  	[tilespmem:s3+$0xF550] =	vst.add.f32.msk $0xffff, v5  }
0x156: {  	[tilespmem:s3+$0xF560] =	vst.add.f32.msk $0xffff, v6  }
0x157: {  	[tilespmem:s3+$0xF570] =	vst.add.f32.msk $0xffff, v7  }
0x158: {  	[tilespmem:s3+$0xF580] =	vst.add.f32.msk $0xffff, v8  }
0x159: {  	[tilespmem:s3+$0xF590] =	vst.add.f32.msk $0xffff, v9  }
.Ltmp7:
0x15a: {  	[tilespmem:s3+$0xF5A0] =	vst.add.f32.msk $0xffff, v10;
	(pc) =	sbr.rel @p0 .LBB2_15-.Ltmp7, $4  }
0x15b: {  	[tilespmem:s3+$0xF5B0] =	vst.add.f32.msk $0xffff, v11  }
0x15c: {  	[tilespmem:s3+$0xF5C0] =	vst.add.f32.msk $0xffff, v12  }
0x15d: {  	[tilespmem:s3+$0xF5D0] =	vst.add.f32.msk $0xffff, v13  }
0x15e: {  	[tilespmem:s3+$0xF5E0] =	vst.add.f32.msk $0xffff, v14;
	s3 =	sshra.s32 s20, $0x2;
	s20 =	sadd.s32 $0x400, s20  }
0x15f: {  	v0 =	vld [tilespmem:s3+$0x14F0]  }
0x160: {  	v1 =	vld [tilespmem:s3+$0x1400]  }
0x161: {  	v2 =	vld [tilespmem:s3+$0x1410]  }
0x162: {  	v3 =	vld [tilespmem:s3+$0x1420]  }
0x163: {  	v4 =	vld [tilespmem:s3+$0x1430]  }
0x164: {  	v63 =	vld [tilespmem:s3+$0x1440]  }
0x165: {  	v5 =	vld [tilespmem:s3+$0x1450]  }
0x166: {  	v6 =	vld [tilespmem:s3+$0x1460]  }
0x167: {  	v7 =	vld [tilespmem:s3+$0x1470]  }
0x168: {  	v8 =	vld [tilespmem:s3+$0x1480]  }
0x169: {  	v9 =	vld [tilespmem:s3+$0x1490]  }
0x16a: {  	v10 =	vld [tilespmem:s3+$0x14A0]  }
0x16b: {  	v11 =	vld [tilespmem:s3+$0x14B0]  }
0x16c: {  	v12 =	vld [tilespmem:s3+$0x14C0]  }
0x16d: {  	v13 =	vld [tilespmem:s3+$0x14D0]  }
0x16e: {  	v14 =	vld [tilespmem:s3+$0x14E0]  }
0x16f: {  	[tilespmem:s3+$0xF5F0] =	vst.add.f32.msk $0xffff, v0  }
0x170: {  	[tilespmem:s3+$0xF500] =	vst.add.f32.msk $0xffff, v1  }
0x171: {  	[tilespmem:s3+$0xF510] =	vst.add.f32.msk $0xffff, v2  }
0x172: {  	[tilespmem:s3+$0xF520] =	vst.add.f32.msk $0xffff, v3  }
0x173: {  	[tilespmem:s3+$0xF530] =	vst.add.f32.msk $0xffff, v4  }
0x174: {  	[tilespmem:s3+$0xF540] =	vst.add.f32.msk $0xffff, v63  }
0x175: {  	[tilespmem:s3+$0xF550] =	vst.add.f32.msk $0xffff, v5  }
0x176: {  	[tilespmem:s3+$0xF560] =	vst.add.f32.msk $0xffff, v6  }
0x177: {  	[tilespmem:s3+$0xF570] =	vst.add.f32.msk $0xffff, v7  }
0x178: {  	[tilespmem:s3+$0xF580] =	vst.add.f32.msk $0xffff, v8  }
0x179: {  	[tilespmem:s3+$0xF590] =	vst.add.f32.msk $0xffff, v9  }
0x17a: {  	[tilespmem:s3+$0xF5A0] =	vst.add.f32.msk $0xffff, v10  }
0x17b: {  	[tilespmem:s3+$0xF5B0] =	vst.add.f32.msk $0xffff, v11  }
0x17c: {  	[tilespmem:s3+$0xF5C0] =	vst.add.f32.msk $0xffff, v12  }
0x17d: {  	[tilespmem:s3+$0xF5D0] =	vst.add.f32.msk $0xffff, v13  }
0x17e: {  	s30 =	simm.s32 $0x0;
	s20 =	simm.s32 $0xF500;
	[tilespmem:s3+$0xF5E0] =	vst.add.f32.msk $0xffff, v14  }
0x17f: {  	[hbm4b:s11+s30] =	stream.linear.scatter [tilespmem:s20], [sflag:$0x5], $0x1400, $0x38;
	[tilespmem:$0x1A900] =	vst v63  }
0x180: {  	s3 =	simm.s32 $0x0;
	s20 =	simm.s32 $0x400  }
.LBB2_17:
0x181: {  	p0 =	sne.s32 s20, $0x4C00;
	v0 =	vld [tilespmem:s3+$0x28F0]  }
0x182: {  	v1 =	vld [tilespmem:s3+$0x2800]  }
0x183: {  	v2 =	vld [tilespmem:s3+$0x2810]  }
0x184: {  	v3 =	vld [tilespmem:s3+$0x2820]  }
0x185: {  	v4 =	vld [tilespmem:s3+$0x2830]  }
0x186: {  	[tilespmem:s3+$0x109F0] =	vst.add.f32.msk $0xffff, v0  }
0x187: {  	v0 =	vld [tilespmem:s3+$0x2840]  }
0x188: {  	v5 =	vld [tilespmem:s3+$0x2850]  }
0x189: {  	v6 =	vld [tilespmem:s3+$0x2860]  }
0x18a: {  	v7 =	vld [tilespmem:s3+$0x2870]  }
0x18b: {  	v8 =	vld [tilespmem:s3+$0x2880]  }
0x18c: {  	v9 =	vld [tilespmem:s3+$0x2890]  }
0x18d: {  	v10 =	vld [tilespmem:s3+$0x28A0]  }
0x18e: {  	v11 =	vld [tilespmem:s3+$0x28B0]  }
0x18f: {  	v12 =	vld [tilespmem:s3+$0x28C0]  }
0x190: {  	v13 =	vld [tilespmem:s3+$0x28D0]  }
0x191: {  	v14 =	vld [tilespmem:s3+$0x28E0]  }
0x192: {  	[tilespmem:s3+$0x10900] =	vst.add.f32.msk $0xffff, v1  }
0x193: {  	[tilespmem:s3+$0x10910] =	vst.add.f32.msk $0xffff, v2  }
0x194: {  	[tilespmem:s3+$0x10920] =	vst.add.f32.msk $0xffff, v3  }
0x195: {  	[tilespmem:s3+$0x10930] =	vst.add.f32.msk $0xffff, v4  }
0x196: {  	[tilespmem:s3+$0x10940] =	vst.add.f32.msk $0xffff, v0  }
0x197: {  	[tilespmem:s3+$0x10950] =	vst.add.f32.msk $0xffff, v5  }
0x198: {  	[tilespmem:s3+$0x10960] =	vst.add.f32.msk $0xffff, v6  }
0x199: {  	[tilespmem:s3+$0x10970] =	vst.add.f32.msk $0xffff, v7  }
0x19a: {  	[tilespmem:s3+$0x10980] =	vst.add.f32.msk $0xffff, v8  }
0x19b: {  	[tilespmem:s3+$0x10990] =	vst.add.f32.msk $0xffff, v9  }
.Ltmp8:
0x19c: {  	[tilespmem:s3+$0x109A0] =	vst.add.f32.msk $0xffff, v10;
	(pc) =	sbr.rel @p0 .LBB2_17-.Ltmp8, $4  }
0x19d: {  	[tilespmem:s3+$0x109B0] =	vst.add.f32.msk $0xffff, v11  }
0x19e: {  	[tilespmem:s3+$0x109C0] =	vst.add.f32.msk $0xffff, v12  }
0x19f: {  	[tilespmem:s3+$0x109D0] =	vst.add.f32.msk $0xffff, v13  }
0x1a0: {  	[tilespmem:s3+$0x109E0] =	vst.add.f32.msk $0xffff, v14;
	s3 =	sshra.s32 s20, $0x2;
	s20 =	sadd.s32 $0x400, s20  }
0x1a1: {  	v0 =	vld [tilespmem:s3+$0x28F0]  }
0x1a2: {  	v1 =	vld [tilespmem:s3+$0x2800]  }
0x1a3: {  	v2 =	vld [tilespmem:s3+$0x2810]  }
0x1a4: {  	v3 =	vld [tilespmem:s3+$0x2820]  }
0x1a5: {  	v4 =	vld [tilespmem:s3+$0x2830]  }
0x1a6: {  	v63 =	vld [tilespmem:s3+$0x2840]  }
0x1a7: {  	v5 =	vld [tilespmem:s3+$0x2850]  }
0x1a8: {  	v6 =	vld [tilespmem:s3+$0x2860]  }
0x1a9: {  	v7 =	vld [tilespmem:s3+$0x2870]  }
0x1aa: {  	v8 =	vld [tilespmem:s3+$0x2880]  }
0x1ab: {  	v9 =	vld [tilespmem:s3+$0x2890]  }
0x1ac: {  	v10 =	vld [tilespmem:s3+$0x28A0]  }
0x1ad: {  	v11 =	vld [tilespmem:s3+$0x28B0]  }
0x1ae: {  	v12 =	vld [tilespmem:s3+$0x28C0]  }
0x1af: {  	v13 =	vld [tilespmem:s3+$0x28D0]  }
0x1b0: {  	v14 =	vld [tilespmem:s3+$0x28E0]  }
0x1b1: {  	[tilespmem:s3+$0x109F0] =	vst.add.f32.msk $0xffff, v0  }
0x1b2: {  	[tilespmem:s3+$0x10900] =	vst.add.f32.msk $0xffff, v1  }
0x1b3: {  	[tilespmem:s3+$0x10910] =	vst.add.f32.msk $0xffff, v2  }
0x1b4: {  	[tilespmem:s3+$0x10920] =	vst.add.f32.msk $0xffff, v3  }
0x1b5: {  	[tilespmem:s3+$0x10930] =	vst.add.f32.msk $0xffff, v4  }
0x1b6: {  	[tilespmem:s3+$0x10940] =	vst.add.f32.msk $0xffff, v63  }
0x1b7: {  	[tilespmem:s3+$0x10950] =	vst.add.f32.msk $0xffff, v5  }
0x1b8: {  	[tilespmem:s3+$0x10960] =	vst.add.f32.msk $0xffff, v6  }
0x1b9: {  	[tilespmem:s3+$0x10970] =	vst.add.f32.msk $0xffff, v7  }
0x1ba: {  	[tilespmem:s3+$0x10980] =	vst.add.f32.msk $0xffff, v8  }
0x1bb: {  	[tilespmem:s3+$0x10990] =	vst.add.f32.msk $0xffff, v9  }
0x1bc: {  	[tilespmem:s3+$0x109A0] =	vst.add.f32.msk $0xffff, v10  }
0x1bd: {  	[tilespmem:s3+$0x109B0] =	vst.add.f32.msk $0xffff, v11  }
0x1be: {  	[tilespmem:s3+$0x109C0] =	vst.add.f32.msk $0xffff, v12  }
0x1bf: {  	[tilespmem:s3+$0x109D0] =	vst.add.f32.msk $0xffff, v13  }
0x1c0: {  	s30 =	simm.s32 $0x0;
	s20 =	simm.s32 $0x10900;
	[tilespmem:s3+$0x109E0] =	vst.add.f32.msk $0xffff, v14  }
0x1c1: {  	[hbm4b:s12+s30] =	stream.linear.scatter [tilespmem:s20], [sflag:$0x5], $0x1400, $0x38;
	[tilespmem:$0x1A900] =	vst v63  }
0x1c2: {  	s3 =	simm.s32 $0x0;
	s20 =	simm.s32 $0x400  }
.LBB2_19:
0x1c3: {  	p0 =	sne.s32 s20, $0x4C00;
	v0 =	vld [tilespmem:s3+$0x3CF0]  }
0x1c4: {  	v1 =	vld [tilespmem:s3+$0x3C00]  }
0x1c5: {  	v2 =	vld [tilespmem:s3+$0x3C10]  }
0x1c6: {  	v3 =	vld [tilespmem:s3+$0x3C20]  }
0x1c7: {  	v4 =	vld [tilespmem:s3+$0x3C30]  }
0x1c8: {  	[tilespmem:s3+$0x11DF0] =	vst.add.f32.msk $0xffff, v0  }
0x1c9: {  	v0 =	vld [tilespmem:s3+$0x3C40]  }
0x1ca: {  	v5 =	vld [tilespmem:s3+$0x3C50]  }
0x1cb: {  	v6 =	vld [tilespmem:s3+$0x3C60]  }
0x1cc: {  	v7 =	vld [tilespmem:s3+$0x3C70]  }
0x1cd: {  	v8 =	vld [tilespmem:s3+$0x3C80]  }
0x1ce: {  	v9 =	vld [tilespmem:s3+$0x3C90]  }
0x1cf: {  	v10 =	vld [tilespmem:s3+$0x3CA0]  }
0x1d0: {  	v11 =	vld [tilespmem:s3+$0x3CB0]  }
0x1d1: {  	v12 =	vld [tilespmem:s3+$0x3CC0]  }
0x1d2: {  	v13 =	vld [tilespmem:s3+$0x3CD0]  }
0x1d3: {  	v14 =	vld [tilespmem:s3+$0x3CE0]  }
0x1d4: {  	[tilespmem:s3+$0x11D00] =	vst.add.f32.msk $0xffff, v1  }
0x1d5: {  	[tilespmem:s3+$0x11D10] =	vst.add.f32.msk $0xffff, v2  }
0x1d6: {  	[tilespmem:s3+$0x11D20] =	vst.add.f32.msk $0xffff, v3  }
0x1d7: {  	[tilespmem:s3+$0x11D30] =	vst.add.f32.msk $0xffff, v4  }
0x1d8: {  	[tilespmem:s3+$0x11D40] =	vst.add.f32.msk $0xffff, v0  }
0x1d9: {  	[tilespmem:s3+$0x11D50] =	vst.add.f32.msk $0xffff, v5  }
0x1da: {  	[tilespmem:s3+$0x11D60] =	vst.add.f32.msk $0xffff, v6  }
0x1db: {  	[tilespmem:s3+$0x11D70] =	vst.add.f32.msk $0xffff, v7  }
0x1dc: {  	[tilespmem:s3+$0x11D80] =	vst.add.f32.msk $0xffff, v8  }
0x1dd: {  	[tilespmem:s3+$0x11D90] =	vst.add.f32.msk $0xffff, v9  }
.Ltmp9:
0x1de: {  	[tilespmem:s3+$0x11DA0] =	vst.add.f32.msk $0xffff, v10;
	(pc) =	sbr.rel @p0 .LBB2_19-.Ltmp9, $4  }
0x1df: {  	[tilespmem:s3+$0x11DB0] =	vst.add.f32.msk $0xffff, v11  }
0x1e0: {  	[tilespmem:s3+$0x11DC0] =	vst.add.f32.msk $0xffff, v12  }
0x1e1: {  	[tilespmem:s3+$0x11DD0] =	vst.add.f32.msk $0xffff, v13  }
0x1e2: {  	[tilespmem:s3+$0x11DE0] =	vst.add.f32.msk $0xffff, v14;
	s3 =	sshra.s32 s20, $0x2;
	s20 =	sadd.s32 $0x400, s20  }
0x1e3: {  	v0 =	vld [tilespmem:s3+$0x3CF0]  }
0x1e4: {  	v1 =	vld [tilespmem:s3+$0x3C00]  }
0x1e5: {  	v2 =	vld [tilespmem:s3+$0x3C10]  }
0x1e6: {  	v3 =	vld [tilespmem:s3+$0x3C20]  }
0x1e7: {  	v4 =	vld [tilespmem:s3+$0x3C30]  }
0x1e8: {  	v63 =	vld [tilespmem:s3+$0x3C40]  }
0x1e9: {  	v5 =	vld [tilespmem:s3+$0x3C50]  }
0x1ea: {  	v6 =	vld [tilespmem:s3+$0x3C60]  }
0x1eb: {  	v7 =	vld [tilespmem:s3+$0x3C70]  }
0x1ec: {  	v8 =	vld [tilespmem:s3+$0x3C80]  }
0x1ed: {  	v9 =	vld [tilespmem:s3+$0x3C90]  }
0x1ee: {  	v10 =	vld [tilespmem:s3+$0x3CA0]  }
0x1ef: {  	v11 =	vld [tilespmem:s3+$0x3CB0]  }
0x1f0: {  	v12 =	vld [tilespmem:s3+$0x3CC0]  }
0x1f1: {  	v13 =	vld [tilespmem:s3+$0x3CD0]  }
0x1f2: {  	v14 =	vld [tilespmem:s3+$0x3CE0]  }
0x1f3: {  	[tilespmem:s3+$0x11DF0] =	vst.add.f32.msk $0xffff, v0  }
0x1f4: {  	[tilespmem:s3+$0x11D00] =	vst.add.f32.msk $0xffff, v1  }
0x1f5: {  	[tilespmem:s3+$0x11D10] =	vst.add.f32.msk $0xffff, v2  }
0x1f6: {  	[tilespmem:s3+$0x11D20] =	vst.add.f32.msk $0xffff, v3  }
0x1f7: {  	[tilespmem:s3+$0x11D30] =	vst.add.f32.msk $0xffff, v4  }
0x1f8: {  	[tilespmem:s3+$0x11D40] =	vst.add.f32.msk $0xffff, v63  }
0x1f9: {  	[tilespmem:s3+$0x11D50] =	vst.add.f32.msk $0xffff, v5  }
0x1fa: {  	[tilespmem:s3+$0x11D60] =	vst.add.f32.msk $0xffff, v6  }
0x1fb: {  	[tilespmem:s3+$0x11D70] =	vst.add.f32.msk $0xffff, v7  }
0x1fc: {  	[tilespmem:s3+$0x11D80] =	vst.add.f32.msk $0xffff, v8  }
0x1fd: {  	[tilespmem:s3+$0x11D90] =	vst.add.f32.msk $0xffff, v9  }
0x1fe: {  	[tilespmem:s3+$0x11DA0] =	vst.add.f32.msk $0xffff, v10  }
0x1ff: {  	[tilespmem:s3+$0x11DB0] =	vst.add.f32.msk $0xffff, v11  }
0x200: {  	[tilespmem:s3+$0x11DC0] =	vst.add.f32.msk $0xffff, v12  }
0x201: {  	[tilespmem:s3+$0x11DD0] =	vst.add.f32.msk $0xffff, v13  }
0x202: {  	s30 =	simm.s32 $0x0;
	s20 =	simm.s32 $0x11D00;
	[tilespmem:s3+$0x11DE0] =	vst.add.f32.msk $0xffff, v14  }
0x203: {  	[hbm4b:s13+s30] =	stream.linear.scatter [tilespmem:s20], [sflag:$0x5], $0x1400, $0x38;
	[tilespmem:$0x1A900] =	vst v63  }
0x204: {  	s3 =	simm.s32 $0x0;
	s20 =	simm.s32 $0x400  }
.LBB2_21:
0x205: {  	p0 =	sne.s32 s20, $0x4C00;
	v0 =	vld [tilespmem:s3+$0x50F0]  }
0x206: {  	v1 =	vld [tilespmem:s3+$0x5000]  }
0x207: {  	v2 =	vld [tilespmem:s3+$0x5010]  }
0x208: {  	v3 =	vld [tilespmem:s3+$0x5020]  }
0x209: {  	v4 =	vld [tilespmem:s3+$0x5030]  }
0x20a: {  	[tilespmem:s3+$0x131F0] =	vst.add.f32.msk $0xffff, v0  }
0x20b: {  	v0 =	vld [tilespmem:s3+$0x5040]  }
0x20c: {  	v5 =	vld [tilespmem:s3+$0x5050]  }
0x20d: {  	v6 =	vld [tilespmem:s3+$0x5060]  }
0x20e: {  	v7 =	vld [tilespmem:s3+$0x5070]  }
0x20f: {  	v8 =	vld [tilespmem:s3+$0x5080]  }
0x210: {  	v9 =	vld [tilespmem:s3+$0x5090]  }
0x211: {  	v10 =	vld [tilespmem:s3+$0x50A0]  }
0x212: {  	v11 =	vld [tilespmem:s3+$0x50B0]  }
0x213: {  	v12 =	vld [tilespmem:s3+$0x50C0]  }
0x214: {  	v13 =	vld [tilespmem:s3+$0x50D0]  }
0x215: {  	v14 =	vld [tilespmem:s3+$0x50E0]  }
0x216: {  	[tilespmem:s3+$0x13100] =	vst.add.f32.msk $0xffff, v1  }
0x217: {  	[tilespmem:s3+$0x13110] =	vst.add.f32.msk $0xffff, v2  }
0x218: {  	[tilespmem:s3+$0x13120] =	vst.add.f32.msk $0xffff, v3  }
0x219: {  	[tilespmem:s3+$0x13130] =	vst.add.f32.msk $0xffff, v4  }
0x21a: {  	[tilespmem:s3+$0x13140] =	vst.add.f32.msk $0xffff, v0  }
0x21b: {  	[tilespmem:s3+$0x13150] =	vst.add.f32.msk $0xffff, v5  }
0x21c: {  	[tilespmem:s3+$0x13160] =	vst.add.f32.msk $0xffff, v6  }
0x21d: {  	[tilespmem:s3+$0x13170] =	vst.add.f32.msk $0xffff, v7  }
0x21e: {  	[tilespmem:s3+$0x13180] =	vst.add.f32.msk $0xffff, v8  }
0x21f: {  	[tilespmem:s3+$0x13190] =	vst.add.f32.msk $0xffff, v9  }
.Ltmp10:
0x220: {  	[tilespmem:s3+$0x131A0] =	vst.add.f32.msk $0xffff, v10;
	(pc) =	sbr.rel @p0 .LBB2_21-.Ltmp10, $4  }
0x221: {  	[tilespmem:s3+$0x131B0] =	vst.add.f32.msk $0xffff, v11  }
0x222: {  	[tilespmem:s3+$0x131C0] =	vst.add.f32.msk $0xffff, v12  }
0x223: {  	[tilespmem:s3+$0x131D0] =	vst.add.f32.msk $0xffff, v13  }
0x224: {  	[tilespmem:s3+$0x131E0] =	vst.add.f32.msk $0xffff, v14;
	s3 =	sshra.s32 s20, $0x2;
	s20 =	sadd.s32 $0x400, s20  }
0x225: {  	v0 =	vld [tilespmem:s3+$0x50F0]  }
0x226: {  	v1 =	vld [tilespmem:s3+$0x5000]  }
0x227: {  	v2 =	vld [tilespmem:s3+$0x5010]  }
0x228: {  	v3 =	vld [tilespmem:s3+$0x5020]  }
0x229: {  	v4 =	vld [tilespmem:s3+$0x5030]  }
0x22a: {  	v63 =	vld [tilespmem:s3+$0x5040]  }
0x22b: {  	v5 =	vld [tilespmem:s3+$0x5050]  }
0x22c: {  	v6 =	vld [tilespmem:s3+$0x5060]  }
0x22d: {  	v7 =	vld [tilespmem:s3+$0x5070]  }
0x22e: {  	v8 =	vld [tilespmem:s3+$0x5080]  }
0x22f: {  	v9 =	vld [tilespmem:s3+$0x5090]  }
0x230: {  	v10 =	vld [tilespmem:s3+$0x50A0]  }
0x231: {  	v11 =	vld [tilespmem:s3+$0x50B0]  }
0x232: {  	v12 =	vld [tilespmem:s3+$0x50C0]  }
0x233: {  	v13 =	vld [tilespmem:s3+$0x50D0]  }
0x234: {  	v14 =	vld [tilespmem:s3+$0x50E0]  }
0x235: {  	[tilespmem:s3+$0x131F0] =	vst.add.f32.msk $0xffff, v0  }
0x236: {  	[tilespmem:s3+$0x13100] =	vst.add.f32.msk $0xffff, v1  }
0x237: {  	[tilespmem:s3+$0x13110] =	vst.add.f32.msk $0xffff, v2  }
0x238: {  	[tilespmem:s3+$0x13120] =	vst.add.f32.msk $0xffff, v3  }
0x239: {  	[tilespmem:s3+$0x13130] =	vst.add.f32.msk $0xffff, v4  }
0x23a: {  	[tilespmem:s3+$0x13140] =	vst.add.f32.msk $0xffff, v63  }
0x23b: {  	[tilespmem:s3+$0x13150] =	vst.add.f32.msk $0xffff, v5  }
0x23c: {  	[tilespmem:s3+$0x13160] =	vst.add.f32.msk $0xffff, v6  }
0x23d: {  	[tilespmem:s3+$0x13170] =	vst.add.f32.msk $0xffff, v7  }
0x23e: {  	[tilespmem:s3+$0x13180] =	vst.add.f32.msk $0xffff, v8  }
0x23f: {  	[tilespmem:s3+$0x13190] =	vst.add.f32.msk $0xffff, v9  }
0x240: {  	[tilespmem:s3+$0x131A0] =	vst.add.f32.msk $0xffff, v10  }
0x241: {  	[tilespmem:s3+$0x131B0] =	vst.add.f32.msk $0xffff, v11  }
0x242: {  	[tilespmem:s3+$0x131C0] =	vst.add.f32.msk $0xffff, v12  }
0x243: {  	[tilespmem:s3+$0x131D0] =	vst.add.f32.msk $0xffff, v13  }
0x244: {  	[tilespmem:s3+$0x131E0] =	vst.add.f32.msk $0xffff, v14  }
0x245: {  	[hbm4b:s14+s5] =	stream.linear.scatter [tilespmem:s31], [sflag:$0x5], $0x1400, $0x38;
	[tilespmem:$0x1A900] =	vst v63  }
0x246: {  	_ =	swait.ge [sflag:s2], $0x6400  }
0x247: {  	[sflag:s2] =	ssyncset.done $0x0  }
0x248: {  	[sflag:s2] =	ssyncadd.s32 $0xFFFF9C00  }
0x249: {  	_ =	swait.ge [sflag:s17], $0x6400  }
0x24a: {  	[sflag:s17] =	ssyncset.done $0x0  }
0x24b: {  	[sflag:s17] =	ssyncadd.s32 $0xFFFF9C00  }
0x24c: {  	_ =	swait.ge [sflag:s22], $0x1400  }
0x24d: {  	[sflag:s22] =	ssyncset.done $0x0  }
0x24e: {  	[sflag:s22] =	ssyncadd.s32 $0xFFFFEC00  }
0x24f: {  	_ =	swait.ge [sflag:s22], $0x1400  }
0x250: {  	[sflag:s22] =	ssyncset.done $0x0  }
0x251: {  	[sflag:s22] =	ssyncadd.s32 $0xFFFFEC00  }
0x252: {  	_ =	swait.ge [sflag:s22], $0x1400  }
0x253: {  	[sflag:s22] =	ssyncset.done $0x0  }
0x254: {  	s0 =	sadd.s32 $0x1, s0;
	[sflag:s22] =	ssyncadd.s32 $0xFFFFEC00  }
0x255: {  	p0 =	sne.s32 s0, s15;
	_ =	swait.ge [sflag:s22], $0x1400  }
.Ltmp11:
0x256: {  	[sflag:s22] =	ssyncset.done $0x0;
	(pc) =	sbr.rel @p0 .LBB2_1-.Ltmp11, $4  }
0x257: {  	[sflag:s22] =	ssyncadd.s32 $0xFFFFEC00  }
0x258: {  	_ =	swait.ge [sflag:s22], $0x1400  }
0x259: {  	[sflag:s22] =	ssyncset.done $0x0  }
0x25a: {  	[sflag:s22] =	ssyncadd.s32 $0xFFFFEC00  }
0x25b: {  	_ =	sfence.sel $0x180000  }
0x25c: {  	[bflag:$0x0] =	sbarrier.arrive $0xFFFF  }
0x25d: {  	_ =	strace $0x90000047  }
0x25e: {  	s0 =	stileid.u32;
	[bflag:$0x2] =	sbarrier.arrive $0xFFFF  }
0x25f: {  	p0 =	sne.s32 s0, $0x0;
	s0 =	rddreg [dreg:$0x4]  }
0x260: {  	s0 =	sadd.s32 @!p0 $0x100000, s0  }
0x261: {  	[sflag:s0] =	ssyncadd.tile.s32 @!p0 $0x1;
	_ =	shalt  }
.Lfunc_end2:
_tile_overlayer_lowered:
.L_overlay_start_2:
0x262: {  	(tag) =	ssettag $0x2  }
0x263: {  	s0 =	rddreg [dreg:$0x0];
	s2 =	stileid.u32  }
0x264: {  	s1 =	rddreg [dreg:$0x1];
	p0 =	sne.s32 s2, $0x0  }
0x265: {  	s3 =	rddreg [dreg:$0x2];
	[bflag:$0x3] =	sbarrier.arrive $0xFFFF;
	s2 =	simm.s32 @!p0 $0x1C07  }
0x266: {  	[timem:s3], [sflag:s2] =	dma.local @!p0 [hbm:s0], s1  }
0x267: {  	s0 =	simm.s32 @!p0 $0x7  }
0x268: {  	_ =	swait.ge @!p0 [sflag:s0], s1  }
0x269: {  	s1 =	ssub.s32 @!p0 $0x0, s1;
	[sflag:s0] =	ssyncset.done @!p0 $0x0  }
0x26a: {  	[sflag:s0] =	ssyncadd.s32 @!p0 s1  }
0x26b: {  	[bflag:$0x3] =	sbarrier.arrive $0xFFFF  }
0x26c: {  	_ =	shalt  }

</sc_bundles>
